<compile_context>
chip_gen: v7x
topology: tpu7x:2x2x1
jax: 0.10.2.dev20260603
libtpu: 0.0.44.dev20260713+nightly
codegen_flags: <defaults>
</compile_context>

<pallas_src>
import functools

import jax
import jax.numpy as jnp
from jax import lax
from jax.experimental import pallas as pl
from jax.experimental.pallas import tpu as pltpu
from jax.experimental.pallas import tpu_sc as plsc

NC, NS = 2, 16
NW = NC * NS
BATCH = 128
TOTAL = 1024 * 50
NBATCH = TOTAL // BATCH
GMAX = -(-NBATCH // NW)
D = 128
DN = 32

_mesh = plsc.VectorSubcoreMesh(
    core_axis_name="c", subcore_axis_name="s", num_cores=NC, num_subcores=NS)


@functools.partial(
    pl.kernel,
    out_type=jax.ShapeDtypeStruct((TOTAL, D), jnp.float32),
    mesh=_mesh,
    scratch_types=[
        [pltpu.VMEM((BATCH,), jnp.int32)] * 4,
        [pltpu.VMEM((BATCH, D), jnp.float32)] * 4,
        [pltpu.VMEM((BATCH, DN), jnp.float32)] * 4,
        [pltpu.SemaphoreType.DMA] * 4,
        [pltpu.SemaphoreType.DMA] * 4,
        [pltpu.SemaphoreType.DMA] * 4,
    ],
    compiler_params=pltpu.CompilerParams(use_tc_tiling_on_sc=False),
)
def _fused_lookup(ids_hbm, text_hbm, id_hbm, out_hbm,
                  idx_v, trow_v, irow_v, sem_t, sem_i, sem_o):
    wid = lax.axis_index("s") * NC + lax.axis_index("c")

    def guarded(g, fn):
        if (g + 1) * NW <= NBATCH:
            fn()
        else:
            pl.when(g * NW + wid < NBATCH)(fn)

    def start_fetch(g, b):
        def _():
            base = (g * NW + wid) * BATCH
            pltpu.sync_copy(ids_hbm.at[pl.ds(base, BATCH)], idx_v[b])
            pltpu.async_copy(text_hbm.at[idx_v[b]], trow_v[b], sem_t[b])
            pltpu.async_copy(id_hbm.at[idx_v[b]], irow_v[b], sem_i[b])
        guarded(g, _)

    def wait_fetch(g, b):
        def _():
            pltpu.make_async_copy(text_hbm.at[idx_v[b]], trow_v[b], sem_t[b]).wait()
            pltpu.make_async_copy(id_hbm.at[idx_v[b]], irow_v[b], sem_i[b]).wait()
        guarded(g, _)

    def out_slice(g):
        return out_hbm.at[pl.ds((g * NW + wid) * BATCH, BATCH)]

    def wait_scatter(g, b):
        guarded(g, lambda: pltpu.make_async_copy(trow_v[b], out_slice(g), sem_o[b]).wait())

    start_fetch(0, 0)
    start_fetch(1, 1)
    start_fetch(2, 2)
    for g in range(GMAX):
        b = g % 4
        wait_fetch(g, b)

        def compute(b=b):
            @plsc.parallel_loop(0, BATCH, 1, unroll=8)
            def _row(r):
                trow_v[b][r, pl.ds(D - DN, 16)] += irow_v[b][r, pl.ds(0, 16)]
                trow_v[b][r, pl.ds(D - 16, 16)] += irow_v[b][r, pl.ds(16, 16)]
            pltpu.async_copy(trow_v[b], out_slice(g), sem_o[b])
        guarded(g, functools.partial(compute))

        if g + 3 < GMAX:
            if g >= 1:
                wait_scatter(g - 1, (g - 1) % 4)
            start_fetch(g + 3, (g + 3) % 4)

    for g in range(max(GMAX - 4, 0), GMAX):
        wait_scatter(g, g % 4)


def kernel(id, text_table, id_table):
    ids_t = id.T.reshape(-1)
    out = _fused_lookup(ids_t, text_table, id_table)
    return out.reshape(id.shape[1], id.shape[0], D).transpose(1, 0, 2)

# --- scband reference (transcript-rebuilt; emitter-appended) ---
"""Pipeline reference for scband-alpha-fuse-embs-36215164240136 (READ-ONLY COPY).

The authoritative reference and input builder live on the scoring server;
editing this copy changes nothing except your own understanding.
"""

import jax, jax.numpy as jnp
import numpy as np

ITEM_NUM = 100000
EMB_DIM = 128
NULLITY = 32

def setup_inputs(seed: int = 0) -> dict:
    key = jax.random.key(seed)
    k1, k2, k3 = jax.random.split(key, 3)
    # forward index input: item ids in a user history batch
    ids = jax.random.randint(k1, (1024, 50), 0, ITEM_NUM)
    # learned / precomputed parameters:
    # text_embeddings: frozen language embeddings projected by SVD to emb_dim
    text_table = jax.random.normal(k2, (ITEM_NUM + 1, EMB_DIM), dtype=jnp.float32)
    # ID_embeddings: trainable embeddings living in the null-space dims (nullity)
    id_table = jax.random.normal(k3, (ITEM_NUM + 1, NULLITY), dtype=jnp.float32)
    return {"id": ids, "text_table": text_table, "id_table": id_table}

def reference(id, text_table, id_table):
    # AlphaFuse injection, ID_space='singular', inject_space='singular', cover=False, emb_type='both':
    # y = text_emb(id); y[..., -nullity:] += ID_emb(id)
    x = jnp.take(text_table, id, axis=0)
    x_null = jnp.take(id_table, id, axis=0)
    y = jnp.concatenate([x[..., :-NULLITY], x[..., -NULLITY:] + x_null], axis=-1)
    return y

if __name__ == "__main__":
    import jax
    _d = setup_inputs()
    print(jax.jit(kernel)(*tuple(_d.values())))

</pallas_src>

<mosaic_0001>
#map = affine_map<(d0, d1) -> (0)>
#map1 = affine_map<(d0, d1) -> (0, 0)>
module attributes {stable_mosaic.version = 14 : i64} {
  func.func @_fused_lookup(%arg0: i32, %arg1: i32, %arg2: memref<51200xi32, #tpu.memory_space<hbm>>, %arg3: memref<100001x128xf32, #tpu.memory_space<hbm>>, %arg4: memref<100001x32xf32, #tpu.memory_space<hbm>>, %arg5: memref<51200x128xf32, #tpu.memory_space<hbm>>, %arg6: memref<128xi32, #tpu.memory_space<vmem>>, %arg7: memref<128xi32, #tpu.memory_space<vmem>>, %arg8: memref<128xi32, #tpu.memory_space<vmem>>, %arg9: memref<128xi32, #tpu.memory_space<vmem>>, %arg10: memref<128x128xf32, #tpu.memory_space<vmem>>, %arg11: memref<128x128xf32, #tpu.memory_space<vmem>>, %arg12: memref<128x128xf32, #tpu.memory_space<vmem>>, %arg13: memref<128x128xf32, #tpu.memory_space<vmem>>, %arg14: memref<128x32xf32, #tpu.memory_space<vmem>>, %arg15: memref<128x32xf32, #tpu.memory_space<vmem>>, %arg16: memref<128x32xf32, #tpu.memory_space<vmem>>, %arg17: memref<128x32xf32, #tpu.memory_space<vmem>>, %arg18: memref<!tpu.dma_semaphore, #tpu.memory_space<semaphore_mem>>, %arg19: memref<!tpu.dma_semaphore, #tpu.memory_space<semaphore_mem>>, %arg20: memref<!tpu.dma_semaphore, #tpu.memory_space<semaphore_mem>>, %arg21: memref<!tpu.dma_semaphore, #tpu.memory_space<semaphore_mem>>, %arg22: memref<!tpu.dma_semaphore, #tpu.memory_space<semaphore_mem>>, %arg23: memref<!tpu.dma_semaphore, #tpu.memory_space<semaphore_mem>>, %arg24: memref<!tpu.dma_semaphore, #tpu.memory_space<semaphore_mem>>, %arg25: memref<!tpu.dma_semaphore, #tpu.memory_space<semaphore_mem>>, %arg26: memref<!tpu.dma_semaphore, #tpu.memory_space<semaphore_mem>>, %arg27: memref<!tpu.dma_semaphore, #tpu.memory_space<semaphore_mem>>, %arg28: memref<!tpu.dma_semaphore, #tpu.memory_space<semaphore_mem>>, %arg29: memref<!tpu.dma_semaphore, #tpu.memory_space<semaphore_mem>>) attributes {dimension_semantics = [#tpu.dimension_semantics<core_parallel>, #tpu.dimension_semantics<subcore_parallel>], iteration_bounds = array<i64: 2, 16>, scalar_prefetch = 0 : i64, scratch_operands = 24 : i64, tpu.core_type = #tpu.core_type<sc_vector_subcore>, window_params = [{transform_indices = #map}, {transform_indices = #map1}, {transform_indices = #map1}, {transform_indices = #map1}]} {
    %mul3A = arith.constant 2 : i32
    %mul3A_0 = arith.muli %arg1, %mul3A : i32
    %add3A = arith.addi %mul3A_0, %arg0 : i32
    %add3A_1 = arith.constant 0 : i32
    %add3A_2 = arith.addi %add3A_1, %add3A : i32
    %mul3A_3 = arith.constant 128 : i32
    %mul3A_4 = arith.muli %add3A_2, %mul3A_3 : i32
    "tpu.region"() ({
      %run_scoped3A = tpu.sem_alloc : memref<!tpu.dma_semaphore, #tpu.memory_space<semaphore_mem>>
      %dma_start3A_443 = tpu.memref_slice %arg2[%mul3A_4] : memref<51200xi32, #tpu.memory_space<hbm>> -> memref<128xi32, #tpu.memory_space<hbm>>
      %dma_start3A_444 = tpu.memref_slice %arg2[%mul3A_4] : memref<51200xi32, #tpu.memory_space<hbm>> -> memref<128xi32, #tpu.memory_space<hbm>>
      tpu.enqueue_dma source(%dma_start3A_444 : memref<128xi32, #tpu.memory_space<hbm>>) target(%arg6 : memref<128xi32, #tpu.memory_space<vmem>>) target_semaphore(%run_scoped3A : memref<!tpu.dma_semaphore, #tpu.memory_space<semaphore_mem>>)
      %dma_wait3A_445 = tpu.memref_slice %arg2[%mul3A_4] : memref<51200xi32, #tpu.memory_space<hbm>> -> memref<128xi32, #tpu.memory_space<hbm>>
      %dma_wait3A_446 = tpu.memref_slice %arg2[%mul3A_4] : memref<51200xi32, #tpu.memory_space<hbm>> -> memref<128xi32, #tpu.memory_space<hbm>>
      tpu.wait_dma2 semaphore(%run_scoped3A : memref<!tpu.dma_semaphore, #tpu.memory_space<semaphore_mem>>) src(%dma_wait3A_446 : memref<128xi32, #tpu.memory_space<hbm>>) dst(%arg6 : memref<128xi32, #tpu.memory_space<vmem>>)
      tpu.yield
    }) : () -> ()
    %dma_start3A = arith.constant 0 : i32
    %dma_start3A_5 = arith.constant 0 : i32
    %dma_start3A_6 = tpu.memref_slice %arg3[%dma_start3A, %dma_start3A_5] : memref<100001x128xf32, #tpu.memory_space<hbm>> -> memref<100001x128xf32, #tpu.memory_space<hbm>>
    tpu.enqueue_indirect_dma source(%dma_start3A_6 : memref<100001x128xf32, #tpu.memory_space<hbm>>) target(%arg10 : memref<128x128xf32, #tpu.memory_space<vmem>>) offsets(%arg6 : memref<128xi32, #tpu.memory_space<vmem>>) semaphore(%arg18 : memref<!tpu.dma_semaphore, #tpu.memory_space<semaphore_mem>>)
    %dma_start3A_7 = arith.constant 0 : i32
    %dma_start3A_8 = arith.constant 0 : i32
    %dma_start3A_9 = tpu.memref_slice %arg4[%dma_start3A_7, %dma_start3A_8] : memref<100001x32xf32, #tpu.memory_space<hbm>> -> memref<100001x32xf32, #tpu.memory_space<hbm>>
    tpu.enqueue_indirect_dma source(%dma_start3A_9 : memref<100001x32xf32, #tpu.memory_space<hbm>>) target(%arg14 : memref<128x32xf32, #tpu.memory_space<vmem>>) offsets(%arg6 : memref<128xi32, #tpu.memory_space<vmem>>) semaphore(%arg22 : memref<!tpu.dma_semaphore, #tpu.memory_space<semaphore_mem>>)
    %add3A_10 = arith.constant 32 : i32
    %add3A_11 = arith.addi %add3A_10, %add3A : i32
    %mul3A_12 = arith.constant 128 : i32
    %mul3A_13 = arith.muli %add3A_11, %mul3A_12 : i32
    "tpu.region"() ({
      %run_scoped3A = tpu.sem_alloc : memref<!tpu.dma_semaphore, #tpu.memory_space<semaphore_mem>>
      %dma_start3A_443 = tpu.memref_slice %arg2[%mul3A_13] : memref<51200xi32, #tpu.memory_space<hbm>> -> memref<128xi32, #tpu.memory_space<hbm>>
      %dma_start3A_444 = tpu.memref_slice %arg2[%mul3A_13] : memref<51200xi32, #tpu.memory_space<hbm>> -> memref<128xi32, #tpu.memory_space<hbm>>
      tpu.enqueue_dma source(%dma_start3A_444 : memref<128xi32, #tpu.memory_space<hbm>>) target(%arg7 : memref<128xi32, #tpu.memory_space<vmem>>) target_semaphore(%run_scoped3A : memref<!tpu.dma_semaphore, #tpu.memory_space<semaphore_mem>>)
      %dma_wait3A_445 = tpu.memref_slice %arg2[%mul3A_13] : memref<51200xi32, #tpu.memory_space<hbm>> -> memref<128xi32, #tpu.memory_space<hbm>>
      %dma_wait3A_446 = tpu.memref_slice %arg2[%mul3A_13] : memref<51200xi32, #tpu.memory_space<hbm>> -> memref<128xi32, #tpu.memory_space<hbm>>
      tpu.wait_dma2 semaphore(%run_scoped3A : memref<!tpu.dma_semaphore, #tpu.memory_space<semaphore_mem>>) src(%dma_wait3A_446 : memref<128xi32, #tpu.memory_space<hbm>>) dst(%arg7 : memref<128xi32, #tpu.memory_space<vmem>>)
      tpu.yield
    }) : () -> ()
    %dma_start3A_14 = arith.constant 0 : i32
    %dma_start3A_15 = arith.constant 0 : i32
    %dma_start3A_16 = tpu.memref_slice %arg3[%dma_start3A_14, %dma_start3A_15] : memref<100001x128xf32, #tpu.memory_space<hbm>> -> memref<100001x128xf32, #tpu.memory_space<hbm>>
    tpu.enqueue_indirect_dma source(%dma_start3A_16 : memref<100001x128xf32, #tpu.memory_space<hbm>>) target(%arg11 : memref<128x128xf32, #tpu.memory_space<vmem>>) offsets(%arg7 : memref<128xi32, #tpu.memory_space<vmem>>) semaphore(%arg19 : memref<!tpu.dma_semaphore, #tpu.memory_space<semaphore_mem>>)
    %dma_start3A_17 = arith.constant 0 : i32
    %dma_start3A_18 = arith.constant 0 : i32
    %dma_start3A_19 = tpu.memref_slice %arg4[%dma_start3A_17, %dma_start3A_18] : memref<100001x32xf32, #tpu.memory_space<hbm>> -> memref<100001x32xf32, #tpu.memory_space<hbm>>
    tpu.enqueue_indirect_dma source(%dma_start3A_19 : memref<100001x32xf32, #tpu.memory_space<hbm>>) target(%arg15 : memref<128x32xf32, #tpu.memory_space<vmem>>) offsets(%arg7 : memref<128xi32, #tpu.memory_space<vmem>>) semaphore(%arg23 : memref<!tpu.dma_semaphore, #tpu.memory_space<semaphore_mem>>)
    %add3A_20 = arith.constant 64 : i32
    %add3A_21 = arith.addi %add3A_20, %add3A : i32
    %mul3A_22 = arith.constant 128 : i32
    %mul3A_23 = arith.muli %add3A_21, %mul3A_22 : i32
    "tpu.region"() ({
      %run_scoped3A = tpu.sem_alloc : memref<!tpu.dma_semaphore, #tpu.memory_space<semaphore_mem>>
      %dma_start3A_443 = tpu.memref_slice %arg2[%mul3A_23] : memref<51200xi32, #tpu.memory_space<hbm>> -> memref<128xi32, #tpu.memory_space<hbm>>
      %dma_start3A_444 = tpu.memref_slice %arg2[%mul3A_23] : memref<51200xi32, #tpu.memory_space<hbm>> -> memref<128xi32, #tpu.memory_space<hbm>>
      tpu.enqueue_dma source(%dma_start3A_444 : memref<128xi32, #tpu.memory_space<hbm>>) target(%arg8 : memref<128xi32, #tpu.memory_space<vmem>>) target_semaphore(%run_scoped3A : memref<!tpu.dma_semaphore, #tpu.memory_space<semaphore_mem>>)
      %dma_wait3A_445 = tpu.memref_slice %arg2[%mul3A_23] : memref<51200xi32, #tpu.memory_space<hbm>> -> memref<128xi32, #tpu.memory_space<hbm>>
      %dma_wait3A_446 = tpu.memref_slice %arg2[%mul3A_23] : memref<51200xi32, #tpu.memory_space<hbm>> -> memref<128xi32, #tpu.memory_space<hbm>>
      tpu.wait_dma2 semaphore(%run_scoped3A : memref<!tpu.dma_semaphore, #tpu.memory_space<semaphore_mem>>) src(%dma_wait3A_446 : memref<128xi32, #tpu.memory_space<hbm>>) dst(%arg8 : memref<128xi32, #tpu.memory_space<vmem>>)
      tpu.yield
    }) : () -> ()
    %dma_start3A_24 = arith.constant 0 : i32
    %dma_start3A_25 = arith.constant 0 : i32
    %dma_start3A_26 = tpu.memref_slice %arg3[%dma_start3A_24, %dma_start3A_25] : memref<100001x128xf32, #tpu.memory_space<hbm>> -> memref<100001x128xf32, #tpu.memory_space<hbm>>
    tpu.enqueue_indirect_dma source(%dma_start3A_26 : memref<100001x128xf32, #tpu.memory_space<hbm>>) target(%arg12 : memref<128x128xf32, #tpu.memory_space<vmem>>) offsets(%arg8 : memref<128xi32, #tpu.memory_space<vmem>>) semaphore(%arg20 : memref<!tpu.dma_semaphore, #tpu.memory_space<semaphore_mem>>)
    %dma_start3A_27 = arith.constant 0 : i32
    %dma_start3A_28 = arith.constant 0 : i32
    %dma_start3A_29 = tpu.memref_slice %arg4[%dma_start3A_27, %dma_start3A_28] : memref<100001x32xf32, #tpu.memory_space<hbm>> -> memref<100001x32xf32, #tpu.memory_space<hbm>>
    tpu.enqueue_indirect_dma source(%dma_start3A_29 : memref<100001x32xf32, #tpu.memory_space<hbm>>) target(%arg16 : memref<128x32xf32, #tpu.memory_space<vmem>>) offsets(%arg8 : memref<128xi32, #tpu.memory_space<vmem>>) semaphore(%arg24 : memref<!tpu.dma_semaphore, #tpu.memory_space<semaphore_mem>>)
    %dma_wait3A = arith.constant 0 : i32
    %dma_wait3A_30 = arith.constant 0 : i32
    %dma_wait3A_31 = tpu.memref_slice %arg3[%dma_wait3A, %dma_wait3A_30] : memref<100001x128xf32, #tpu.memory_space<hbm>> -> memref<100001x128xf32, #tpu.memory_space<hbm>>
    tpu.wait_indirect_dma semaphore(%arg18 : memref<!tpu.dma_semaphore, #tpu.memory_space<semaphore_mem>>) src(%dma_wait3A_31 : memref<100001x128xf32, #tpu.memory_space<hbm>>) dst(%arg10 : memref<128x128xf32, #tpu.memory_space<vmem>>)
    %dma_wait3A_32 = arith.constant 0 : i32
    %dma_wait3A_33 = arith.constant 0 : i32
    %dma_wait3A_34 = tpu.memref_slice %arg4[%dma_wait3A_32, %dma_wait3A_33] : memref<100001x32xf32, #tpu.memory_space<hbm>> -> memref<100001x32xf32, #tpu.memory_space<hbm>>
    tpu.wait_indirect_dma semaphore(%arg22 : memref<!tpu.dma_semaphore, #tpu.memory_space<semaphore_mem>>) src(%dma_wait3A_34 : memref<100001x32xf32, #tpu.memory_space<hbm>>) dst(%arg14 : memref<128x32xf32, #tpu.memory_space<vmem>>)
    %parallel_loop3A = arith.constant 0 : i32
    %parallel_loop3A_35 = arith.constant 128 : i32
    %parallel_loop3A_36 = arith.constant 1 : i32
    scf.for %parallel_loop3A_443 = %parallel_loop3A to %parallel_loop3A_35 step %parallel_loop3A_36  : i32 {
      %parallel_loop3A_444 = arith.index_cast %parallel_loop3A_443 : i32 to index
      %parallel_loop3A_445 = arith.constant 96 : index
      %parallel_loop3A_446 = tpu.vector_load %arg10[%parallel_loop3A_444, %parallel_loop3A_445] {strides = array<i32>} : memref<128x128xf32, #tpu.memory_space<vmem>>, vector<1x16xf32>,
      %parallel_loop3A_447 = vector.shape_cast %parallel_loop3A_446 : vector<1x16xf32> to vector<16xf32>
      %parallel_loop3A_448 = arith.index_cast %parallel_loop3A_443 : i32 to index
      %parallel_loop3A_449 = arith.constant 0 : index
      %parallel_loop3A_450 = tpu.vector_load %arg14[%parallel_loop3A_448, %parallel_loop3A_449] {strides = array<i32>} : memref<128x32xf32, #tpu.memory_space<vmem>>, vector<1x16xf32>,
      %parallel_loop3A_451 = vector.shape_cast %parallel_loop3A_450 : vector<1x16xf32> to vector<16xf32>
      %parallel_loop3A_452 = arith.addf %parallel_loop3A_447, %parallel_loop3A_451 : vector<16xf32>
      %parallel_loop3A_453 = arith.index_cast %parallel_loop3A_443 : i32 to index
      %parallel_loop3A_454 = arith.constant 96 : index
      %parallel_loop3A_455 = tpu.vector_load %arg10[%parallel_loop3A_453, %parallel_loop3A_454] {strides = array<i32>} : memref<128x128xf32, #tpu.memory_space<vmem>>, vector<1x16xf32>,
      %parallel_loop3A_456 = vector.shape_cast %parallel_loop3A_455 : vector<1x16xf32> to vector<16xf32>
      %parallel_loop3A_457 = vector.shape_cast %parallel_loop3A_452 : vector<16xf32> to vector<1x16xf32>
      tpu.vector_store %arg10[%parallel_loop3A_453, %parallel_loop3A_454], %parallel_loop3A_457 {strides = array<i32>} : memref<128x128xf32, #tpu.memory_space<vmem>>, vector<1x16xf32>,
      %parallel_loop3A_458 = arith.index_cast %parallel_loop3A_443 : i32 to index
      %parallel_loop3A_459 = arith.constant 112 : index
      %parallel_loop3A_460 = tpu.vector_load %arg10[%parallel_loop3A_458, %parallel_loop3A_459] {strides = array<i32>} : memref<128x128xf32, #tpu.memory_space<vmem>>, vector<1x16xf32>,
      %parallel_loop3A_461 = vector.shape_cast %parallel_loop3A_460 : vector<1x16xf32> to vector<16xf32>
      %parallel_loop3A_462 = arith.index_cast %parallel_loop3A_443 : i32 to index
      %parallel_loop3A_463 = arith.constant 16 : index
      %parallel_loop3A_464 = tpu.vector_load %arg14[%parallel_loop3A_462, %parallel_loop3A_463] {strides = array<i32>} : memref<128x32xf32, #tpu.memory_space<vmem>>, vector<1x16xf32>,
      %parallel_loop3A_465 = vector.shape_cast %parallel_loop3A_464 : vector<1x16xf32> to vector<16xf32>
      %parallel_loop3A_466 = arith.addf %parallel_loop3A_461, %parallel_loop3A_465 : vector<16xf32>
      %parallel_loop3A_467 = arith.index_cast %parallel_loop3A_443 : i32 to index
      %parallel_loop3A_468 = arith.constant 112 : index
      %parallel_loop3A_469 = tpu.vector_load %arg10[%parallel_loop3A_467, %parallel_loop3A_468] {strides = array<i32>} : memref<128x128xf32, #tpu.memory_space<vmem>>, vector<1x16xf32>,
      %parallel_loop3A_470 = vector.shape_cast %parallel_loop3A_469 : vector<1x16xf32> to vector<16xf32>
      %parallel_loop3A_471 = vector.shape_cast %parallel_loop3A_466 : vector<16xf32> to vector<1x16xf32>
      tpu.vector_store %arg10[%parallel_loop3A_467, %parallel_loop3A_468], %parallel_loop3A_471 {strides = array<i32>} : memref<128x128xf32, #tpu.memory_space<vmem>>, vector<1x16xf32>,
    } {sc.loop_unroll_factor = 8 : i64, sc.parallel_access}
    %add3A_37 = arith.constant 0 : i32
    %add3A_38 = arith.addi %add3A_37, %add3A : i32
    %mul3A_39 = arith.constant 128 : i32
    %mul3A_40 = arith.muli %add3A_38, %mul3A_39 : i32
    %dma_start3A_41 = arith.constant 0 : i32
    %dma_start3A_42 = tpu.memref_slice %arg5[%mul3A_40, %dma_start3A_41] : memref<51200x128xf32, #tpu.memory_space<hbm>> -> memref<128x128xf32, #tpu.memory_space<hbm>>
    %dma_start3A_43 = arith.constant 0 : i32
    %dma_start3A_44 = tpu.memref_slice %arg5[%mul3A_40, %dma_start3A_43] : memref<51200x128xf32, #tpu.memory_space<hbm>> -> memref<128x128xf32, #tpu.memory_space<hbm>>
    tpu.enqueue_dma source(%arg10 : memref<128x128xf32, #tpu.memory_space<vmem>>) target(%dma_start3A_44 : memref<128x128xf32, #tpu.memory_space<hbm>>) target_semaphore(%arg26 : memref<!tpu.dma_semaphore, #tpu.memory_space<semaphore_mem>>)
    %add3A_45 = arith.constant 96 : i32
    %add3A_46 = arith.addi %add3A_45, %add3A : i32
    %mul3A_47 = arith.constant 128 : i32
    %mul3A_48 = arith.muli %add3A_46, %mul3A_47 : i32
    "tpu.region"() ({
      %run_scoped3A = tpu.sem_alloc : memref<!tpu.dma_semaphore, #tpu.memory_space<semaphore_mem>>
      %dma_start3A_443 = tpu.memref_slice %arg2[%mul3A_48] : memref<51200xi32, #tpu.memory_space<hbm>> -> memref<128xi32, #tpu.memory_space<hbm>>
      %dma_start3A_444 = tpu.memref_slice %arg2[%mul3A_48] : memref<51200xi32, #tpu.memory_space<hbm>> -> memref<128xi32, #tpu.memory_space<hbm>>
      tpu.enqueue_dma source(%dma_start3A_444 : memref<128xi32, #tpu.memory_space<hbm>>) target(%arg9 : memref<128xi32, #tpu.memory_space<vmem>>) target_semaphore(%run_scoped3A : memref<!tpu.dma_semaphore, #tpu.memory_space<semaphore_mem>>)
      %dma_wait3A_445 = tpu.memref_slice %arg2[%mul3A_48] : memref<51200xi32, #tpu.memory_space<hbm>> -> memref<128xi32, #tpu.memory_space<hbm>>
      %dma_wait3A_446 = tpu.memref_slice %arg2[%mul3A_48] : memref<51200xi32, #tpu.memory_space<hbm>> -> memref<128xi32, #tpu.memory_space<hbm>>
      tpu.wait_dma2 semaphore(%run_scoped3A : memref<!tpu.dma_semaphore, #tpu.memory_space<semaphore_mem>>) src(%dma_wait3A_446 : memref<128xi32, #tpu.memory_space<hbm>>) dst(%arg9 : memref<128xi32, #tpu.memory_space<vmem>>)
      tpu.yield
    }) : () -> ()
    %dma_start3A_49 = arith.constant 0 : i32
    %dma_start3A_50 = arith.constant 0 : i32
    %dma_start3A_51 = tpu.memref_slice %arg3[%dma_start3A_49, %dma_start3A_50] : memref<100001x128xf32, #tpu.memory_space<hbm>> -> memref<100001x128xf32, #tpu.memory_space<hbm>>
    tpu.enqueue_indirect_dma source(%dma_start3A_51 : memref<100001x128xf32, #tpu.memory_space<hbm>>) target(%arg13 : memref<128x128xf32, #tpu.memory_space<vmem>>) offsets(%arg9 : memref<128xi32, #tpu.memory_space<vmem>>) semaphore(%arg21 : memref<!tpu.dma_semaphore, #tpu.memory_space<semaphore_mem>>)
    %dma_start3A_52 = arith.constant 0 : i32
    %dma_start3A_53 = arith.constant 0 : i32
    %dma_start3A_54 = tpu.memref_slice %arg4[%dma_start3A_52, %dma_start3A_53] : memref<100001x32xf32, #tpu.memory_space<hbm>> -> memref<100001x32xf32, #tpu.memory_space<hbm>>
    tpu.enqueue_indirect_dma source(%dma_start3A_54 : memref<100001x32xf32, #tpu.memory_space<hbm>>) target(%arg17 : memref<128x32xf32, #tpu.memory_space<vmem>>) offsets(%arg9 : memref<128xi32, #tpu.memory_space<vmem>>) semaphore(%arg25 : memref<!tpu.dma_semaphore, #tpu.memory_space<semaphore_mem>>)
    %dma_wait3A_55 = arith.constant 0 : i32
    %dma_wait3A_56 = arith.constant 0 : i32
    %dma_wait3A_57 = tpu.memref_slice %arg3[%dma_wait3A_55, %dma_wait3A_56] : memref<100001x128xf32, #tpu.memory_space<hbm>> -> memref<100001x128xf32, #tpu.memory_space<hbm>>
    tpu.wait_indirect_dma semaphore(%arg19 : memref<!tpu.dma_semaphore, #tpu.memory_space<semaphore_mem>>) src(%dma_wait3A_57 : memref<100001x128xf32, #tpu.memory_space<hbm>>) dst(%arg11 : memref<128x128xf32, #tpu.memory_space<vmem>>)
    %dma_wait3A_58 = arith.constant 0 : i32
    %dma_wait3A_59 = arith.constant 0 : i32
    %dma_wait3A_60 = tpu.memref_slice %arg4[%dma_wait3A_58, %dma_wait3A_59] : memref<100001x32xf32, #tpu.memory_space<hbm>> -> memref<100001x32xf32, #tpu.memory_space<hbm>>
    tpu.wait_indirect_dma semaphore(%arg23 : memref<!tpu.dma_semaphore, #tpu.memory_space<semaphore_mem>>) src(%dma_wait3A_60 : memref<100001x32xf32, #tpu.memory_space<hbm>>) dst(%arg15 : memref<128x32xf32, #tpu.memory_space<vmem>>)
    %parallel_loop3A_61 = arith.constant 0 : i32
    %parallel_loop3A_62 = arith.constant 128 : i32
    %parallel_loop3A_63 = arith.constant 1 : i32
    scf.for %parallel_loop3A_443 = %parallel_loop3A_61 to %parallel_loop3A_62 step %parallel_loop3A_63  : i32 {
      %parallel_loop3A_444 = arith.index_cast %parallel_loop3A_443 : i32 to index
      %parallel_loop3A_445 = arith.constant 96 : index
      %parallel_loop3A_446 = tpu.vector_load %arg11[%parallel_loop3A_444, %parallel_loop3A_445] {strides = array<i32>} : memref<128x128xf32, #tpu.memory_space<vmem>>, vector<1x16xf32>,
      %parallel_loop3A_447 = vector.shape_cast %parallel_loop3A_446 : vector<1x16xf32> to vector<16xf32>
      %parallel_loop3A_448 = arith.index_cast %parallel_loop3A_443 : i32 to index
      %parallel_loop3A_449 = arith.constant 0 : index
      %parallel_loop3A_450 = tpu.vector_load %arg15[%parallel_loop3A_448, %parallel_loop3A_449] {strides = array<i32>} : memref<128x32xf32, #tpu.memory_space<vmem>>, vector<1x16xf32>,
      %parallel_loop3A_451 = vector.shape_cast %parallel_loop3A_450 : vector<1x16xf32> to vector<16xf32>
      %parallel_loop3A_452 = arith.addf %parallel_loop3A_447, %parallel_loop3A_451 : vector<16xf32>
      %parallel_loop3A_453 = arith.index_cast %parallel_loop3A_443 : i32 to index
      %parallel_loop3A_454 = arith.constant 96 : index
      %parallel_loop3A_455 = tpu.vector_load %arg11[%parallel_loop3A_453, %parallel_loop3A_454] {strides = array<i32>} : memref<128x128xf32, #tpu.memory_space<vmem>>, vector<1x16xf32>,
      %parallel_loop3A_456 = vector.shape_cast %parallel_loop3A_455 : vector<1x16xf32> to vector<16xf32>
      %parallel_loop3A_457 = vector.shape_cast %parallel_loop3A_452 : vector<16xf32> to vector<1x16xf32>
      tpu.vector_store %arg11[%parallel_loop3A_453, %parallel_loop3A_454], %parallel_loop3A_457 {strides = array<i32>} : memref<128x128xf32, #tpu.memory_space<vmem>>, vector<1x16xf32>,
      %parallel_loop3A_458 = arith.index_cast %parallel_loop3A_443 : i32 to index
      %parallel_loop3A_459 = arith.constant 112 : index
      %parallel_loop3A_460 = tpu.vector_load %arg11[%parallel_loop3A_458, %parallel_loop3A_459] {strides = array<i32>} : memref<128x128xf32, #tpu.memory_space<vmem>>, vector<1x16xf32>,
      %parallel_loop3A_461 = vector.shape_cast %parallel_loop3A_460 : vector<1x16xf32> to vector<16xf32>
      %parallel_loop3A_462 = arith.index_cast %parallel_loop3A_443 : i32 to index
      %parallel_loop3A_463 = arith.constant 16 : index
      %parallel_loop3A_464 = tpu.vector_load %arg15[%parallel_loop3A_462, %parallel_loop3A_463] {strides = array<i32>} : memref<128x32xf32, #tpu.memory_space<vmem>>, vector<1x16xf32>,
      %parallel_loop3A_465 = vector.shape_cast %parallel_loop3A_464 : vector<1x16xf32> to vector<16xf32>
      %parallel_loop3A_466 = arith.addf %parallel_loop3A_461, %parallel_loop3A_465 : vector<16xf32>
      %parallel_loop3A_467 = arith.index_cast %parallel_loop3A_443 : i32 to index
      %parallel_loop3A_468 = arith.constant 112 : index
      %parallel_loop3A_469 = tpu.vector_load %arg11[%parallel_loop3A_467, %parallel_loop3A_468] {strides = array<i32>} : memref<128x128xf32, #tpu.memory_space<vmem>>, vector<1x16xf32>,
      %parallel_loop3A_470 = vector.shape_cast %parallel_loop3A_469 : vector<1x16xf32> to vector<16xf32>
      %parallel_loop3A_471 = vector.shape_cast %parallel_loop3A_466 : vector<16xf32> to vector<1x16xf32>
      tpu.vector_store %arg11[%parallel_loop3A_467, %parallel_loop3A_468], %parallel_loop3A_471 {strides = array<i32>} : memref<128x128xf32, #tpu.memory_space<vmem>>, vector<1x16xf32>,
    } {sc.loop_unroll_factor = 8 : i64, sc.parallel_access}
    %add3A_64 = arith.constant 32 : i32
    %add3A_65 = arith.addi %add3A_64, %add3A : i32
    %mul3A_66 = arith.constant 128 : i32
    %mul3A_67 = arith.muli %add3A_65, %mul3A_66 : i32
    %dma_start3A_68 = arith.constant 0 : i32
    %dma_start3A_69 = tpu.memref_slice %arg5[%mul3A_67, %dma_start3A_68] : memref<51200x128xf32, #tpu.memory_space<hbm>> -> memref<128x128xf32, #tpu.memory_space<hbm>>
    %dma_start3A_70 = arith.constant 0 : i32
    %dma_start3A_71 = tpu.memref_slice %arg5[%mul3A_67, %dma_start3A_70] : memref<51200x128xf32, #tpu.memory_space<hbm>> -> memref<128x128xf32, #tpu.memory_space<hbm>>
    tpu.enqueue_dma source(%arg11 : memref<128x128xf32, #tpu.memory_space<vmem>>) target(%dma_start3A_71 : memref<128x128xf32, #tpu.memory_space<hbm>>) target_semaphore(%arg27 : memref<!tpu.dma_semaphore, #tpu.memory_space<semaphore_mem>>)
    %add3A_72 = arith.constant 0 : i32
    %add3A_73 = arith.addi %add3A_72, %add3A : i32
    %mul3A_74 = arith.constant 128 : i32
    %mul3A_75 = arith.muli %add3A_73, %mul3A_74 : i32
    %dma_wait3A_76 = arith.constant 0 : i32
    %dma_wait3A_77 = tpu.memref_slice %arg5[%mul3A_75, %dma_wait3A_76] : memref<51200x128xf32, #tpu.memory_space<hbm>> -> memref<128x128xf32, #tpu.memory_space<hbm>>
    %dma_wait3A_78 = arith.constant 0 : i32
    %dma_wait3A_79 = tpu.memref_slice %arg5[%mul3A_75, %dma_wait3A_78] : memref<51200x128xf32, #tpu.memory_space<hbm>> -> memref<128x128xf32, #tpu.memory_space<hbm>>
    tpu.wait_dma2 semaphore(%arg26 : memref<!tpu.dma_semaphore, #tpu.memory_space<semaphore_mem>>) src(%arg10 : memref<128x128xf32, #tpu.memory_space<vmem>>) dst(%dma_wait3A_79 : memref<128x128xf32, #tpu.memory_space<hbm>>)
    %add3A_80 = arith.constant 128 : i32
    %add3A_81 = arith.addi %add3A_80, %add3A : i32
    %mul3A_82 = arith.constant 128 : i32
    %mul3A_83 = arith.muli %add3A_81, %mul3A_82 : i32
    "tpu.region"() ({
      %run_scoped3A = tpu.sem_alloc : memref<!tpu.dma_semaphore, #tpu.memory_space<semaphore_mem>>
      %dma_start3A_443 = tpu.memref_slice %arg2[%mul3A_83] : memref<51200xi32, #tpu.memory_space<hbm>> -> memref<128xi32, #tpu.memory_space<hbm>>
      %dma_start3A_444 = tpu.memref_slice %arg2[%mul3A_83] : memref<51200xi32, #tpu.memory_space<hbm>> -> memref<128xi32, #tpu.memory_space<hbm>>
      tpu.enqueue_dma source(%dma_start3A_444 : memref<128xi32, #tpu.memory_space<hbm>>) target(%arg6 : memref<128xi32, #tpu.memory_space<vmem>>) target_semaphore(%run_scoped3A : memref<!tpu.dma_semaphore, #tpu.memory_space<semaphore_mem>>)
      %dma_wait3A_445 = tpu.memref_slice %arg2[%mul3A_83] : memref<51200xi32, #tpu.memory_space<hbm>> -> memref<128xi32, #tpu.memory_space<hbm>>
      %dma_wait3A_446 = tpu.memref_slice %arg2[%mul3A_83] : memref<51200xi32, #tpu.memory_space<hbm>> -> memref<128xi32, #tpu.memory_space<hbm>>
      tpu.wait_dma2 semaphore(%run_scoped3A : memref<!tpu.dma_semaphore, #tpu.memory_space<semaphore_mem>>) src(%dma_wait3A_446 : memref<128xi32, #tpu.memory_space<hbm>>) dst(%arg6 : memref<128xi32, #tpu.memory_space<vmem>>)
      tpu.yield
    }) : () -> ()
    %dma_start3A_84 = arith.constant 0 : i32
    %dma_start3A_85 = arith.constant 0 : i32
    %dma_start3A_86 = tpu.memref_slice %arg3[%dma_start3A_84, %dma_start3A_85] : memref<100001x128xf32, #tpu.memory_space<hbm>> -> memref<100001x128xf32, #tpu.memory_space<hbm>>
    tpu.enqueue_indirect_dma source(%dma_start3A_86 : memref<100001x128xf32, #tpu.memory_space<hbm>>) target(%arg10 : memref<128x128xf32, #tpu.memory_space<vmem>>) offsets(%arg6 : memref<128xi32, #tpu.memory_space<vmem>>) semaphore(%arg18 : memref<!tpu.dma_semaphore, #tpu.memory_space<semaphore_mem>>)
    %dma_start3A_87 = arith.constant 0 : i32
    %dma_start3A_88 = arith.constant 0 : i32
    %dma_start3A_89 = tpu.memref_slice %arg4[%dma_start3A_87, %dma_start3A_88] : memref<100001x32xf32, #tpu.memory_space<hbm>> -> memref<100001x32xf32, #tpu.memory_space<hbm>>
    tpu.enqueue_indirect_dma source(%dma_start3A_89 : memref<100001x32xf32, #tpu.memory_space<hbm>>) target(%arg14 : memref<128x32xf32, #tpu.memory_space<vmem>>) offsets(%arg6 : memref<128xi32, #tpu.memory_space<vmem>>) semaphore(%arg22 : memref<!tpu.dma_semaphore, #tpu.memory_space<semaphore_mem>>)
    %dma_wait3A_90 = arith.constant 0 : i32
    %dma_wait3A_91 = arith.constant 0 : i32
    %dma_wait3A_92 = tpu.memref_slice %arg3[%dma_wait3A_90, %dma_wait3A_91] : memref<100001x128xf32, #tpu.memory_space<hbm>> -> memref<100001x128xf32, #tpu.memory_space<hbm>>
    tpu.wait_indirect_dma semaphore(%arg20 : memref<!tpu.dma_semaphore, #tpu.memory_space<semaphore_mem>>) src(%dma_wait3A_92 : memref<100001x128xf32, #tpu.memory_space<hbm>>) dst(%arg12 : memref<128x128xf32, #tpu.memory_space<vmem>>)
    %dma_wait3A_93 = arith.constant 0 : i32
    %dma_wait3A_94 = arith.constant 0 : i32
    %dma_wait3A_95 = tpu.memref_slice %arg4[%dma_wait3A_93, %dma_wait3A_94] : memref<100001x32xf32, #tpu.memory_space<hbm>> -> memref<100001x32xf32, #tpu.memory_space<hbm>>
    tpu.wait_indirect_dma semaphore(%arg24 : memref<!tpu.dma_semaphore, #tpu.memory_space<semaphore_mem>>) src(%dma_wait3A_95 : memref<100001x32xf32, #tpu.memory_space<hbm>>) dst(%arg16 : memref<128x32xf32, #tpu.memory_space<vmem>>)
    %parallel_loop3A_96 = arith.constant 0 : i32
    %parallel_loop3A_97 = arith.constant 128 : i32
    %parallel_loop3A_98 = arith.constant 1 : i32
    scf.for %parallel_loop3A_443 = %parallel_loop3A_96 to %parallel_loop3A_97 step %parallel_loop3A_98  : i32 {
      %parallel_loop3A_444 = arith.index_cast %parallel_loop3A_443 : i32 to index
      %parallel_loop3A_445 = arith.constant 96 : index
      %parallel_loop3A_446 = tpu.vector_load %arg12[%parallel_loop3A_444, %parallel_loop3A_445] {strides = array<i32>} : memref<128x128xf32, #tpu.memory_space<vmem>>, vector<1x16xf32>,
      %parallel_loop3A_447 = vector.shape_cast %parallel_loop3A_446 : vector<1x16xf32> to vector<16xf32>
      %parallel_loop3A_448 = arith.index_cast %parallel_loop3A_443 : i32 to index
      %parallel_loop3A_449 = arith.constant 0 : index
      %parallel_loop3A_450 = tpu.vector_load %arg16[%parallel_loop3A_448, %parallel_loop3A_449] {strides = array<i32>} : memref<128x32xf32, #tpu.memory_space<vmem>>, vector<1x16xf32>,
      %parallel_loop3A_451 = vector.shape_cast %parallel_loop3A_450 : vector<1x16xf32> to vector<16xf32>
      %parallel_loop3A_452 = arith.addf %parallel_loop3A_447, %parallel_loop3A_451 : vector<16xf32>
      %parallel_loop3A_453 = arith.index_cast %parallel_loop3A_443 : i32 to index
      %parallel_loop3A_454 = arith.constant 96 : index
      %parallel_loop3A_455 = tpu.vector_load %arg12[%parallel_loop3A_453, %parallel_loop3A_454] {strides = array<i32>} : memref<128x128xf32, #tpu.memory_space<vmem>>, vector<1x16xf32>,
      %parallel_loop3A_456 = vector.shape_cast %parallel_loop3A_455 : vector<1x16xf32> to vector<16xf32>
      %parallel_loop3A_457 = vector.shape_cast %parallel_loop3A_452 : vector<16xf32> to vector<1x16xf32>
      tpu.vector_store %arg12[%parallel_loop3A_453, %parallel_loop3A_454], %parallel_loop3A_457 {strides = array<i32>} : memref<128x128xf32, #tpu.memory_space<vmem>>, vector<1x16xf32>,
      %parallel_loop3A_458 = arith.index_cast %parallel_loop3A_443 : i32 to index
      %parallel_loop3A_459 = arith.constant 112 : index
      %parallel_loop3A_460 = tpu.vector_load %arg12[%parallel_loop3A_458, %parallel_loop3A_459] {strides = array<i32>} : memref<128x128xf32, #tpu.memory_space<vmem>>, vector<1x16xf32>,
      %parallel_loop3A_461 = vector.shape_cast %parallel_loop3A_460 : vector<1x16xf32> to vector<16xf32>
      %parallel_loop3A_462 = arith.index_cast %parallel_loop3A_443 : i32 to index
      %parallel_loop3A_463 = arith.constant 16 : index
      %parallel_loop3A_464 = tpu.vector_load %arg16[%parallel_loop3A_462, %parallel_loop3A_463] {strides = array<i32>} : memref<128x32xf32, #tpu.memory_space<vmem>>, vector<1x16xf32>,
      %parallel_loop3A_465 = vector.shape_cast %parallel_loop3A_464 : vector<1x16xf32> to vector<16xf32>
      %parallel_loop3A_466 = arith.addf %parallel_loop3A_461, %parallel_loop3A_465 : vector<16xf32>
      %parallel_loop3A_467 = arith.index_cast %parallel_loop3A_443 : i32 to index
      %parallel_loop3A_468 = arith.constant 112 : index
      %parallel_loop3A_469 = tpu.vector_load %arg12[%parallel_loop3A_467, %parallel_loop3A_468] {strides = array<i32>} : memref<128x128xf32, #tpu.memory_space<vmem>>, vector<1x16xf32>,
      %parallel_loop3A_470 = vector.shape_cast %parallel_loop3A_469 : vector<1x16xf32> to vector<16xf32>
      %parallel_loop3A_471 = vector.shape_cast %parallel_loop3A_466 : vector<16xf32> to vector<1x16xf32>
      tpu.vector_store %arg12[%parallel_loop3A_467, %parallel_loop3A_468], %parallel_loop3A_471 {strides = array<i32>} : memref<128x128xf32, #tpu.memory_space<vmem>>, vector<1x16xf32>,
    } {sc.loop_unroll_factor = 8 : i64, sc.parallel_access}
    %add3A_99 = arith.constant 64 : i32
    %add3A_100 = arith.addi %add3A_99, %add3A : i32
    %mul3A_101 = arith.constant 128 : i32
    %mul3A_102 = arith.muli %add3A_100, %mul3A_101 : i32
    %dma_start3A_103 = arith.constant 0 : i32
    %dma_start3A_104 = tpu.memref_slice %arg5[%mul3A_102, %dma_start3A_103] : memref<51200x128xf32, #tpu.memory_space<hbm>> -> memref<128x128xf32, #tpu.memory_space<hbm>>
    %dma_start3A_105 = arith.constant 0 : i32
    %dma_start3A_106 = tpu.memref_slice %arg5[%mul3A_102, %dma_start3A_105] : memref<51200x128xf32, #tpu.memory_space<hbm>> -> memref<128x128xf32, #tpu.memory_space<hbm>>
    tpu.enqueue_dma source(%arg12 : memref<128x128xf32, #tpu.memory_space<vmem>>) target(%dma_start3A_106 : memref<128x128xf32, #tpu.memory_space<hbm>>) target_semaphore(%arg28 : memref<!tpu.dma_semaphore, #tpu.memory_space<semaphore_mem>>)
    %add3A_107 = arith.constant 32 : i32
    %add3A_108 = arith.addi %add3A_107, %add3A : i32
    %mul3A_109 = arith.constant 128 : i32
    %mul3A_110 = arith.muli %add3A_108, %mul3A_109 : i32
    %dma_wait3A_111 = arith.constant 0 : i32
    %dma_wait3A_112 = tpu.memref_slice %arg5[%mul3A_110, %dma_wait3A_111] : memref<51200x128xf32, #tpu.memory_space<hbm>> -> memref<128x128xf32, #tpu.memory_space<hbm>>
    %dma_wait3A_113 = arith.constant 0 : i32
    %dma_wait3A_114 = tpu.memref_slice %arg5[%mul3A_110, %dma_wait3A_113] : memref<51200x128xf32, #tpu.memory_space<hbm>> -> memref<128x128xf32, #tpu.memory_space<hbm>>
    tpu.wait_dma2 semaphore(%arg27 : memref<!tpu.dma_semaphore, #tpu.memory_space<semaphore_mem>>) src(%arg11 : memref<128x128xf32, #tpu.memory_space<vmem>>) dst(%dma_wait3A_114 : memref<128x128xf32, #tpu.memory_space<hbm>>)
    %add3A_115 = arith.constant 160 : i32
    %add3A_116 = arith.addi %add3A_115, %add3A : i32
    %mul3A_117 = arith.constant 128 : i32
    %mul3A_118 = arith.muli %add3A_116, %mul3A_117 : i32
    "tpu.region"() ({
      %run_scoped3A = tpu.sem_alloc : memref<!tpu.dma_semaphore, #tpu.memory_space<semaphore_mem>>
      %dma_start3A_443 = tpu.memref_slice %arg2[%mul3A_118] : memref<51200xi32, #tpu.memory_space<hbm>> -> memref<128xi32, #tpu.memory_space<hbm>>
      %dma_start3A_444 = tpu.memref_slice %arg2[%mul3A_118] : memref<51200xi32, #tpu.memory_space<hbm>> -> memref<128xi32, #tpu.memory_space<hbm>>
      tpu.enqueue_dma source(%dma_start3A_444 : memref<128xi32, #tpu.memory_space<hbm>>) target(%arg7 : memref<128xi32, #tpu.memory_space<vmem>>) target_semaphore(%run_scoped3A : memref<!tpu.dma_semaphore, #tpu.memory_space<semaphore_mem>>)
      %dma_wait3A_445 = tpu.memref_slice %arg2[%mul3A_118] : memref<51200xi32, #tpu.memory_space<hbm>> -> memref<128xi32, #tpu.memory_space<hbm>>
      %dma_wait3A_446 = tpu.memref_slice %arg2[%mul3A_118] : memref<51200xi32, #tpu.memory_space<hbm>> -> memref<128xi32, #tpu.memory_space<hbm>>
      tpu.wait_dma2 semaphore(%run_scoped3A : memref<!tpu.dma_semaphore, #tpu.memory_space<semaphore_mem>>) src(%dma_wait3A_446 : memref<128xi32, #tpu.memory_space<hbm>>) dst(%arg7 : memref<128xi32, #tpu.memory_space<vmem>>)
      tpu.yield
    }) : () -> ()
    %dma_start3A_119 = arith.constant 0 : i32
    %dma_start3A_120 = arith.constant 0 : i32
    %dma_start3A_121 = tpu.memref_slice %arg3[%dma_start3A_119, %dma_start3A_120] : memref<100001x128xf32, #tpu.memory_space<hbm>> -> memref<100001x128xf32, #tpu.memory_space<hbm>>
    tpu.enqueue_indirect_dma source(%dma_start3A_121 : memref<100001x128xf32, #tpu.memory_space<hbm>>) target(%arg11 : memref<128x128xf32, #tpu.memory_space<vmem>>) offsets(%arg7 : memref<128xi32, #tpu.memory_space<vmem>>) semaphore(%arg19 : memref<!tpu.dma_semaphore, #tpu.memory_space<semaphore_mem>>)
    %dma_start3A_122 = arith.constant 0 : i32
    %dma_start3A_123 = arith.constant 0 : i32
    %dma_start3A_124 = tpu.memref_slice %arg4[%dma_start3A_122, %dma_start3A_123] : memref<100001x32xf32, #tpu.memory_space<hbm>> -> memref<100001x32xf32, #tpu.memory_space<hbm>>
    tpu.enqueue_indirect_dma source(%dma_start3A_124 : memref<100001x32xf32, #tpu.memory_space<hbm>>) target(%arg15 : memref<128x32xf32, #tpu.memory_space<vmem>>) offsets(%arg7 : memref<128xi32, #tpu.memory_space<vmem>>) semaphore(%arg23 : memref<!tpu.dma_semaphore, #tpu.memory_space<semaphore_mem>>)
    %dma_wait3A_125 = arith.constant 0 : i32
    %dma_wait3A_126 = arith.constant 0 : i32
    %dma_wait3A_127 = tpu.memref_slice %arg3[%dma_wait3A_125, %dma_wait3A_126] : memref<100001x128xf32, #tpu.memory_space<hbm>> -> memref<100001x128xf32, #tpu.memory_space<hbm>>
    tpu.wait_indirect_dma semaphore(%arg21 : memref<!tpu.dma_semaphore, #tpu.memory_space<semaphore_mem>>) src(%dma_wait3A_127 : memref<100001x128xf32, #tpu.memory_space<hbm>>) dst(%arg13 : memref<128x128xf32, #tpu.memory_space<vmem>>)
    %dma_wait3A_128 = arith.constant 0 : i32
    %dma_wait3A_129 = arith.constant 0 : i32
    %dma_wait3A_130 = tpu.memref_slice %arg4[%dma_wait3A_128, %dma_wait3A_129] : memref<100001x32xf32, #tpu.memory_space<hbm>> -> memref<100001x32xf32, #tpu.memory_space<hbm>>
    tpu.wait_indirect_dma semaphore(%arg25 : memref<!tpu.dma_semaphore, #tpu.memory_space<semaphore_mem>>) src(%dma_wait3A_130 : memref<100001x32xf32, #tpu.memory_space<hbm>>) dst(%arg17 : memref<128x32xf32, #tpu.memory_space<vmem>>)
    %parallel_loop3A_131 = arith.constant 0 : i32
    %parallel_loop3A_132 = arith.constant 128 : i32
    %parallel_loop3A_133 = arith.constant 1 : i32
    scf.for %parallel_loop3A_443 = %parallel_loop3A_131 to %parallel_loop3A_132 step %parallel_loop3A_133  : i32 {
      %parallel_loop3A_444 = arith.index_cast %parallel_loop3A_443 : i32 to index
      %parallel_loop3A_445 = arith.constant 96 : index
      %parallel_loop3A_446 = tpu.vector_load %arg13[%parallel_loop3A_444, %parallel_loop3A_445] {strides = array<i32>} : memref<128x128xf32, #tpu.memory_space<vmem>>, vector<1x16xf32>,
      %parallel_loop3A_447 = vector.shape_cast %parallel_loop3A_446 : vector<1x16xf32> to vector<16xf32>
      %parallel_loop3A_448 = arith.index_cast %parallel_loop3A_443 : i32 to index
      %parallel_loop3A_449 = arith.constant 0 : index
      %parallel_loop3A_450 = tpu.vector_load %arg17[%parallel_loop3A_448, %parallel_loop3A_449] {strides = array<i32>} : memref<128x32xf32, #tpu.memory_space<vmem>>, vector<1x16xf32>,
      %parallel_loop3A_451 = vector.shape_cast %parallel_loop3A_450 : vector<1x16xf32> to vector<16xf32>
      %parallel_loop3A_452 = arith.addf %parallel_loop3A_447, %parallel_loop3A_451 : vector<16xf32>
      %parallel_loop3A_453 = arith.index_cast %parallel_loop3A_443 : i32 to index
      %parallel_loop3A_454 = arith.constant 96 : index
      %parallel_loop3A_455 = tpu.vector_load %arg13[%parallel_loop3A_453, %parallel_loop3A_454] {strides = array<i32>} : memref<128x128xf32, #tpu.memory_space<vmem>>, vector<1x16xf32>,
      %parallel_loop3A_456 = vector.shape_cast %parallel_loop3A_455 : vector<1x16xf32> to vector<16xf32>
      %parallel_loop3A_457 = vector.shape_cast %parallel_loop3A_452 : vector<16xf32> to vector<1x16xf32>
      tpu.vector_store %arg13[%parallel_loop3A_453, %parallel_loop3A_454], %parallel_loop3A_457 {strides = array<i32>} : memref<128x128xf32, #tpu.memory_space<vmem>>, vector<1x16xf32>,
      %parallel_loop3A_458 = arith.index_cast %parallel_loop3A_443 : i32 to index
      %parallel_loop3A_459 = arith.constant 112 : index
      %parallel_loop3A_460 = tpu.vector_load %arg13[%parallel_loop3A_458, %parallel_loop3A_459] {strides = array<i32>} : memref<128x128xf32, #tpu.memory_space<vmem>>, vector<1x16xf32>,
      %parallel_loop3A_461 = vector.shape_cast %parallel_loop3A_460 : vector<1x16xf32> to vector<16xf32>
      %parallel_loop3A_462 = arith.index_cast %parallel_loop3A_443 : i32 to index
      %parallel_loop3A_463 = arith.constant 16 : index
      %parallel_loop3A_464 = tpu.vector_load %arg17[%parallel_loop3A_462, %parallel_loop3A_463] {strides = array<i32>} : memref<128x32xf32, #tpu.memory_space<vmem>>, vector<1x16xf32>,
      %parallel_loop3A_465 = vector.shape_cast %parallel_loop3A_464 : vector<1x16xf32> to vector<16xf32>
      %parallel_loop3A_466 = arith.addf %parallel_loop3A_461, %parallel_loop3A_465 : vector<16xf32>
      %parallel_loop3A_467 = arith.index_cast %parallel_loop3A_443 : i32 to index
      %parallel_loop3A_468 = arith.constant 112 : index
      %parallel_loop3A_469 = tpu.vector_load %arg13[%parallel_loop3A_467, %parallel_loop3A_468] {strides = array<i32>} : memref<128x128xf32, #tpu.memory_space<vmem>>, vector<1x16xf32>,
      %parallel_loop3A_470 = vector.shape_cast %parallel_loop3A_469 : vector<1x16xf32> to vector<16xf32>
      %parallel_loop3A_471 = vector.shape_cast %parallel_loop3A_466 : vector<16xf32> to vector<1x16xf32>
      tpu.vector_store %arg13[%parallel_loop3A_467, %parallel_loop3A_468], %parallel_loop3A_471 {strides = array<i32>} : memref<128x128xf32, #tpu.memory_space<vmem>>, vector<1x16xf32>,
    } {sc.loop_unroll_factor = 8 : i64, sc.parallel_access}
    %add3A_134 = arith.constant 96 : i32
    %add3A_135 = arith.addi %add3A_134, %add3A : i32
    %mul3A_136 = arith.constant 128 : i32
    %mul3A_137 = arith.muli %add3A_135, %mul3A_136 : i32
    %dma_start3A_138 = arith.constant 0 : i32
    %dma_start3A_139 = tpu.memref_slice %arg5[%mul3A_137, %dma_start3A_138] : memref<51200x128xf32, #tpu.memory_space<hbm>> -> memref<128x128xf32, #tpu.memory_space<hbm>>
    %dma_start3A_140 = arith.constant 0 : i32
    %dma_start3A_141 = tpu.memref_slice %arg5[%mul3A_137, %dma_start3A_140] : memref<51200x128xf32, #tpu.memory_space<hbm>> -> memref<128x128xf32, #tpu.memory_space<hbm>>
    tpu.enqueue_dma source(%arg13 : memref<128x128xf32, #tpu.memory_space<vmem>>) target(%dma_start3A_141 : memref<128x128xf32, #tpu.memory_space<hbm>>) target_semaphore(%arg29 : memref<!tpu.dma_semaphore, #tpu.memory_space<semaphore_mem>>)
    %add3A_142 = arith.constant 64 : i32
    %add3A_143 = arith.addi %add3A_142, %add3A : i32
    %mul3A_144 = arith.constant 128 : i32
    %mul3A_145 = arith.muli %add3A_143, %mul3A_144 : i32
    %dma_wait3A_146 = arith.constant 0 : i32
    %dma_wait3A_147 = tpu.memref_slice %arg5[%mul3A_145, %dma_wait3A_146] : memref<51200x128xf32, #tpu.memory_space<hbm>> -> memref<128x128xf32, #tpu.memory_space<hbm>>
    %dma_wait3A_148 = arith.constant 0 : i32
    %dma_wait3A_149 = tpu.memref_slice %arg5[%mul3A_145, %dma_wait3A_148] : memref<51200x128xf32, #tpu.memory_space<hbm>> -> memref<128x128xf32, #tpu.memory_space<hbm>>
    tpu.wait_dma2 semaphore(%arg28 : memref<!tpu.dma_semaphore, #tpu.memory_space<semaphore_mem>>) src(%arg12 : memref<128x128xf32, #tpu.memory_space<vmem>>) dst(%dma_wait3A_149 : memref<128x128xf32, #tpu.memory_space<hbm>>)
    %add3A_150 = arith.constant 192 : i32
    %add3A_151 = arith.addi %add3A_150, %add3A : i32
    %mul3A_152 = arith.constant 128 : i32
    %mul3A_153 = arith.muli %add3A_151, %mul3A_152 : i32
    "tpu.region"() ({
      %run_scoped3A = tpu.sem_alloc : memref<!tpu.dma_semaphore, #tpu.memory_space<semaphore_mem>>
      %dma_start3A_443 = tpu.memref_slice %arg2[%mul3A_153] : memref<51200xi32, #tpu.memory_space<hbm>> -> memref<128xi32, #tpu.memory_space<hbm>>
      %dma_start3A_444 = tpu.memref_slice %arg2[%mul3A_153] : memref<51200xi32, #tpu.memory_space<hbm>> -> memref<128xi32, #tpu.memory_space<hbm>>
      tpu.enqueue_dma source(%dma_start3A_444 : memref<128xi32, #tpu.memory_space<hbm>>) target(%arg8 : memref<128xi32, #tpu.memory_space<vmem>>) target_semaphore(%run_scoped3A : memref<!tpu.dma_semaphore, #tpu.memory_space<semaphore_mem>>)
      %dma_wait3A_445 = tpu.memref_slice %arg2[%mul3A_153] : memref<51200xi32, #tpu.memory_space<hbm>> -> memref<128xi32, #tpu.memory_space<hbm>>
      %dma_wait3A_446 = tpu.memref_slice %arg2[%mul3A_153] : memref<51200xi32, #tpu.memory_space<hbm>> -> memref<128xi32, #tpu.memory_space<hbm>>
      tpu.wait_dma2 semaphore(%run_scoped3A : memref<!tpu.dma_semaphore, #tpu.memory_space<semaphore_mem>>) src(%dma_wait3A_446 : memref<128xi32, #tpu.memory_space<hbm>>) dst(%arg8 : memref<128xi32, #tpu.memory_space<vmem>>)
      tpu.yield
    }) : () -> ()
    %dma_start3A_154 = arith.constant 0 : i32
    %dma_start3A_155 = arith.constant 0 : i32
    %dma_start3A_156 = tpu.memref_slice %arg3[%dma_start3A_154, %dma_start3A_155] : memref<100001x128xf32, #tpu.memory_space<hbm>> -> memref<100001x128xf32, #tpu.memory_space<hbm>>
    tpu.enqueue_indirect_dma source(%dma_start3A_156 : memref<100001x128xf32, #tpu.memory_space<hbm>>) target(%arg12 : memref<128x128xf32, #tpu.memory_space<vmem>>) offsets(%arg8 : memref<128xi32, #tpu.memory_space<vmem>>) semaphore(%arg20 : memref<!tpu.dma_semaphore, #tpu.memory_space<semaphore_mem>>)
    %dma_start3A_157 = arith.constant 0 : i32
    %dma_start3A_158 = arith.constant 0 : i32
    %dma_start3A_159 = tpu.memref_slice %arg4[%dma_start3A_157, %dma_start3A_158] : memref<100001x32xf32, #tpu.memory_space<hbm>> -> memref<100001x32xf32, #tpu.memory_space<hbm>>
    tpu.enqueue_indirect_dma source(%dma_start3A_159 : memref<100001x32xf32, #tpu.memory_space<hbm>>) target(%arg16 : memref<128x32xf32, #tpu.memory_space<vmem>>) offsets(%arg8 : memref<128xi32, #tpu.memory_space<vmem>>) semaphore(%arg24 : memref<!tpu.dma_semaphore, #tpu.memory_space<semaphore_mem>>)
    %dma_wait3A_160 = arith.constant 0 : i32
    %dma_wait3A_161 = arith.constant 0 : i32
    %dma_wait3A_162 = tpu.memref_slice %arg3[%dma_wait3A_160, %dma_wait3A_161] : memref<100001x128xf32, #tpu.memory_space<hbm>> -> memref<100001x128xf32, #tpu.memory_space<hbm>>
    tpu.wait_indirect_dma semaphore(%arg18 : memref<!tpu.dma_semaphore, #tpu.memory_space<semaphore_mem>>) src(%dma_wait3A_162 : memref<100001x128xf32, #tpu.memory_space<hbm>>) dst(%arg10 : memref<128x128xf32, #tpu.memory_space<vmem>>)
    %dma_wait3A_163 = arith.constant 0 : i32
    %dma_wait3A_164 = arith.constant 0 : i32
    %dma_wait3A_165 = tpu.memref_slice %arg4[%dma_wait3A_163, %dma_wait3A_164] : memref<100001x32xf32, #tpu.memory_space<hbm>> -> memref<100001x32xf32, #tpu.memory_space<hbm>>
    tpu.wait_indirect_dma semaphore(%arg22 : memref<!tpu.dma_semaphore, #tpu.memory_space<semaphore_mem>>) src(%dma_wait3A_165 : memref<100001x32xf32, #tpu.memory_space<hbm>>) dst(%arg14 : memref<128x32xf32, #tpu.memory_space<vmem>>)
    %parallel_loop3A_166 = arith.constant 0 : i32
    %parallel_loop3A_167 = arith.constant 128 : i32
    %parallel_loop3A_168 = arith.constant 1 : i32
    scf.for %parallel_loop3A_443 = %parallel_loop3A_166 to %parallel_loop3A_167 step %parallel_loop3A_168  : i32 {
      %parallel_loop3A_444 = arith.index_cast %parallel_loop3A_443 : i32 to index
      %parallel_loop3A_445 = arith.constant 96 : index
      %parallel_loop3A_446 = tpu.vector_load %arg10[%parallel_loop3A_444, %parallel_loop3A_445] {strides = array<i32>} : memref<128x128xf32, #tpu.memory_space<vmem>>, vector<1x16xf32>,
      %parallel_loop3A_447 = vector.shape_cast %parallel_loop3A_446 : vector<1x16xf32> to vector<16xf32>
      %parallel_loop3A_448 = arith.index_cast %parallel_loop3A_443 : i32 to index
      %parallel_loop3A_449 = arith.constant 0 : index
      %parallel_loop3A_450 = tpu.vector_load %arg14[%parallel_loop3A_448, %parallel_loop3A_449] {strides = array<i32>} : memref<128x32xf32, #tpu.memory_space<vmem>>, vector<1x16xf32>,
      %parallel_loop3A_451 = vector.shape_cast %parallel_loop3A_450 : vector<1x16xf32> to vector<16xf32>
      %parallel_loop3A_452 = arith.addf %parallel_loop3A_447, %parallel_loop3A_451 : vector<16xf32>
      %parallel_loop3A_453 = arith.index_cast %parallel_loop3A_443 : i32 to index
      %parallel_loop3A_454 = arith.constant 96 : index
      %parallel_loop3A_455 = tpu.vector_load %arg10[%parallel_loop3A_453, %parallel_loop3A_454] {strides = array<i32>} : memref<128x128xf32, #tpu.memory_space<vmem>>, vector<1x16xf32>,
      %parallel_loop3A_456 = vector.shape_cast %parallel_loop3A_455 : vector<1x16xf32> to vector<16xf32>
      %parallel_loop3A_457 = vector.shape_cast %parallel_loop3A_452 : vector<16xf32> to vector<1x16xf32>
      tpu.vector_store %arg10[%parallel_loop3A_453, %parallel_loop3A_454], %parallel_loop3A_457 {strides = array<i32>} : memref<128x128xf32, #tpu.memory_space<vmem>>, vector<1x16xf32>,
      %parallel_loop3A_458 = arith.index_cast %parallel_loop3A_443 : i32 to index
      %parallel_loop3A_459 = arith.constant 112 : index
      %parallel_loop3A_460 = tpu.vector_load %arg10[%parallel_loop3A_458, %parallel_loop3A_459] {strides = array<i32>} : memref<128x128xf32, #tpu.memory_space<vmem>>, vector<1x16xf32>,
      %parallel_loop3A_461 = vector.shape_cast %parallel_loop3A_460 : vector<1x16xf32> to vector<16xf32>
      %parallel_loop3A_462 = arith.index_cast %parallel_loop3A_443 : i32 to index
      %parallel_loop3A_463 = arith.constant 16 : index
      %parallel_loop3A_464 = tpu.vector_load %arg14[%parallel_loop3A_462, %parallel_loop3A_463] {strides = array<i32>} : memref<128x32xf32, #tpu.memory_space<vmem>>, vector<1x16xf32>,
      %parallel_loop3A_465 = vector.shape_cast %parallel_loop3A_464 : vector<1x16xf32> to vector<16xf32>
      %parallel_loop3A_466 = arith.addf %parallel_loop3A_461, %parallel_loop3A_465 : vector<16xf32>
      %parallel_loop3A_467 = arith.index_cast %parallel_loop3A_443 : i32 to index
      %parallel_loop3A_468 = arith.constant 112 : index
      %parallel_loop3A_469 = tpu.vector_load %arg10[%parallel_loop3A_467, %parallel_loop3A_468] {strides = array<i32>} : memref<128x128xf32, #tpu.memory_space<vmem>>, vector<1x16xf32>,
      %parallel_loop3A_470 = vector.shape_cast %parallel_loop3A_469 : vector<1x16xf32> to vector<16xf32>
      %parallel_loop3A_471 = vector.shape_cast %parallel_loop3A_466 : vector<16xf32> to vector<1x16xf32>
      tpu.vector_store %arg10[%parallel_loop3A_467, %parallel_loop3A_468], %parallel_loop3A_471 {strides = array<i32>} : memref<128x128xf32, #tpu.memory_space<vmem>>, vector<1x16xf32>,
    } {sc.loop_unroll_factor = 8 : i64, sc.parallel_access}
    %add3A_169 = arith.constant 128 : i32
    %add3A_170 = arith.addi %add3A_169, %add3A : i32
    %mul3A_171 = arith.constant 128 : i32
    %mul3A_172 = arith.muli %add3A_170, %mul3A_171 : i32
    %dma_start3A_173 = arith.constant 0 : i32
    %dma_start3A_174 = tpu.memref_slice %arg5[%mul3A_172, %dma_start3A_173] : memref<51200x128xf32, #tpu.memory_space<hbm>> -> memref<128x128xf32, #tpu.memory_space<hbm>>
    %dma_start3A_175 = arith.constant 0 : i32
    %dma_start3A_176 = tpu.memref_slice %arg5[%mul3A_172, %dma_start3A_175] : memref<51200x128xf32, #tpu.memory_space<hbm>> -> memref<128x128xf32, #tpu.memory_space<hbm>>
    tpu.enqueue_dma source(%arg10 : memref<128x128xf32, #tpu.memory_space<vmem>>) target(%dma_start3A_176 : memref<128x128xf32, #tpu.memory_space<hbm>>) target_semaphore(%arg26 : memref<!tpu.dma_semaphore, #tpu.memory_space<semaphore_mem>>)
    %add3A_177 = arith.constant 96 : i32
    %add3A_178 = arith.addi %add3A_177, %add3A : i32
    %mul3A_179 = arith.constant 128 : i32
    %mul3A_180 = arith.muli %add3A_178, %mul3A_179 : i32
    %dma_wait3A_181 = arith.constant 0 : i32
    %dma_wait3A_182 = tpu.memref_slice %arg5[%mul3A_180, %dma_wait3A_181] : memref<51200x128xf32, #tpu.memory_space<hbm>> -> memref<128x128xf32, #tpu.memory_space<hbm>>
    %dma_wait3A_183 = arith.constant 0 : i32
    %dma_wait3A_184 = tpu.memref_slice %arg5[%mul3A_180, %dma_wait3A_183] : memref<51200x128xf32, #tpu.memory_space<hbm>> -> memref<128x128xf32, #tpu.memory_space<hbm>>
    tpu.wait_dma2 semaphore(%arg29 : memref<!tpu.dma_semaphore, #tpu.memory_space<semaphore_mem>>) src(%arg13 : memref<128x128xf32, #tpu.memory_space<vmem>>) dst(%dma_wait3A_184 : memref<128x128xf32, #tpu.memory_space<hbm>>)
    %add3A_185 = arith.constant 224 : i32
    %add3A_186 = arith.addi %add3A_185, %add3A : i32
    %mul3A_187 = arith.constant 128 : i32
    %mul3A_188 = arith.muli %add3A_186, %mul3A_187 : i32
    "tpu.region"() ({
      %run_scoped3A = tpu.sem_alloc : memref<!tpu.dma_semaphore, #tpu.memory_space<semaphore_mem>>
      %dma_start3A_443 = tpu.memref_slice %arg2[%mul3A_188] : memref<51200xi32, #tpu.memory_space<hbm>> -> memref<128xi32, #tpu.memory_space<hbm>>
      %dma_start3A_444 = tpu.memref_slice %arg2[%mul3A_188] : memref<51200xi32, #tpu.memory_space<hbm>> -> memref<128xi32, #tpu.memory_space<hbm>>
      tpu.enqueue_dma source(%dma_start3A_444 : memref<128xi32, #tpu.memory_space<hbm>>) target(%arg9 : memref<128xi32, #tpu.memory_space<vmem>>) target_semaphore(%run_scoped3A : memref<!tpu.dma_semaphore, #tpu.memory_space<semaphore_mem>>)
      %dma_wait3A_445 = tpu.memref_slice %arg2[%mul3A_188] : memref<51200xi32, #tpu.memory_space<hbm>> -> memref<128xi32, #tpu.memory_space<hbm>>
      %dma_wait3A_446 = tpu.memref_slice %arg2[%mul3A_188] : memref<51200xi32, #tpu.memory_space<hbm>> -> memref<128xi32, #tpu.memory_space<hbm>>
      tpu.wait_dma2 semaphore(%run_scoped3A : memref<!tpu.dma_semaphore, #tpu.memory_space<semaphore_mem>>) src(%dma_wait3A_446 : memref<128xi32, #tpu.memory_space<hbm>>) dst(%arg9 : memref<128xi32, #tpu.memory_space<vmem>>)
      tpu.yield
    }) : () -> ()
    %dma_start3A_189 = arith.constant 0 : i32
    %dma_start3A_190 = arith.constant 0 : i32
    %dma_start3A_191 = tpu.memref_slice %arg3[%dma_start3A_189, %dma_start3A_190] : memref<100001x128xf32, #tpu.memory_space<hbm>> -> memref<100001x128xf32, #tpu.memory_space<hbm>>
    tpu.enqueue_indirect_dma source(%dma_start3A_191 : memref<100001x128xf32, #tpu.memory_space<hbm>>) target(%arg13 : memref<128x128xf32, #tpu.memory_space<vmem>>) offsets(%arg9 : memref<128xi32, #tpu.memory_space<vmem>>) semaphore(%arg21 : memref<!tpu.dma_semaphore, #tpu.memory_space<semaphore_mem>>)
    %dma_start3A_192 = arith.constant 0 : i32
    %dma_start3A_193 = arith.constant 0 : i32
    %dma_start3A_194 = tpu.memref_slice %arg4[%dma_start3A_192, %dma_start3A_193] : memref<100001x32xf32, #tpu.memory_space<hbm>> -> memref<100001x32xf32, #tpu.memory_space<hbm>>
    tpu.enqueue_indirect_dma source(%dma_start3A_194 : memref<100001x32xf32, #tpu.memory_space<hbm>>) target(%arg17 : memref<128x32xf32, #tpu.memory_space<vmem>>) offsets(%arg9 : memref<128xi32, #tpu.memory_space<vmem>>) semaphore(%arg25 : memref<!tpu.dma_semaphore, #tpu.memory_space<semaphore_mem>>)
    %dma_wait3A_195 = arith.constant 0 : i32
    %dma_wait3A_196 = arith.constant 0 : i32
    %dma_wait3A_197 = tpu.memref_slice %arg3[%dma_wait3A_195, %dma_wait3A_196] : memref<100001x128xf32, #tpu.memory_space<hbm>> -> memref<100001x128xf32, #tpu.memory_space<hbm>>
    tpu.wait_indirect_dma semaphore(%arg19 : memref<!tpu.dma_semaphore, #tpu.memory_space<semaphore_mem>>) src(%dma_wait3A_197 : memref<100001x128xf32, #tpu.memory_space<hbm>>) dst(%arg11 : memref<128x128xf32, #tpu.memory_space<vmem>>)
    %dma_wait3A_198 = arith.constant 0 : i32
    %dma_wait3A_199 = arith.constant 0 : i32
    %dma_wait3A_200 = tpu.memref_slice %arg4[%dma_wait3A_198, %dma_wait3A_199] : memref<100001x32xf32, #tpu.memory_space<hbm>> -> memref<100001x32xf32, #tpu.memory_space<hbm>>
    tpu.wait_indirect_dma semaphore(%arg23 : memref<!tpu.dma_semaphore, #tpu.memory_space<semaphore_mem>>) src(%dma_wait3A_200 : memref<100001x32xf32, #tpu.memory_space<hbm>>) dst(%arg15 : memref<128x32xf32, #tpu.memory_space<vmem>>)
    %parallel_loop3A_201 = arith.constant 0 : i32
    %parallel_loop3A_202 = arith.constant 128 : i32
    %parallel_loop3A_203 = arith.constant 1 : i32
    scf.for %parallel_loop3A_443 = %parallel_loop3A_201 to %parallel_loop3A_202 step %parallel_loop3A_203  : i32 {
      %parallel_loop3A_444 = arith.index_cast %parallel_loop3A_443 : i32 to index
      %parallel_loop3A_445 = arith.constant 96 : index
      %parallel_loop3A_446 = tpu.vector_load %arg11[%parallel_loop3A_444, %parallel_loop3A_445] {strides = array<i32>} : memref<128x128xf32, #tpu.memory_space<vmem>>, vector<1x16xf32>,
      %parallel_loop3A_447 = vector.shape_cast %parallel_loop3A_446 : vector<1x16xf32> to vector<16xf32>
      %parallel_loop3A_448 = arith.index_cast %parallel_loop3A_443 : i32 to index
      %parallel_loop3A_449 = arith.constant 0 : index
      %parallel_loop3A_450 = tpu.vector_load %arg15[%parallel_loop3A_448, %parallel_loop3A_449] {strides = array<i32>} : memref<128x32xf32, #tpu.memory_space<vmem>>, vector<1x16xf32>,
      %parallel_loop3A_451 = vector.shape_cast %parallel_loop3A_450 : vector<1x16xf32> to vector<16xf32>
      %parallel_loop3A_452 = arith.addf %parallel_loop3A_447, %parallel_loop3A_451 : vector<16xf32>
      %parallel_loop3A_453 = arith.index_cast %parallel_loop3A_443 : i32 to index
      %parallel_loop3A_454 = arith.constant 96 : index
      %parallel_loop3A_455 = tpu.vector_load %arg11[%parallel_loop3A_453, %parallel_loop3A_454] {strides = array<i32>} : memref<128x128xf32, #tpu.memory_space<vmem>>, vector<1x16xf32>,
      %parallel_loop3A_456 = vector.shape_cast %parallel_loop3A_455 : vector<1x16xf32> to vector<16xf32>
      %parallel_loop3A_457 = vector.shape_cast %parallel_loop3A_452 : vector<16xf32> to vector<1x16xf32>
      tpu.vector_store %arg11[%parallel_loop3A_453, %parallel_loop3A_454], %parallel_loop3A_457 {strides = array<i32>} : memref<128x128xf32, #tpu.memory_space<vmem>>, vector<1x16xf32>,
      %parallel_loop3A_458 = arith.index_cast %parallel_loop3A_443 : i32 to index
      %parallel_loop3A_459 = arith.constant 112 : index
      %parallel_loop3A_460 = tpu.vector_load %arg11[%parallel_loop3A_458, %parallel_loop3A_459] {strides = array<i32>} : memref<128x128xf32, #tpu.memory_space<vmem>>, vector<1x16xf32>,
      %parallel_loop3A_461 = vector.shape_cast %parallel_loop3A_460 : vector<1x16xf32> to vector<16xf32>
      %parallel_loop3A_462 = arith.index_cast %parallel_loop3A_443 : i32 to index
      %parallel_loop3A_463 = arith.constant 16 : index
      %parallel_loop3A_464 = tpu.vector_load %arg15[%parallel_loop3A_462, %parallel_loop3A_463] {strides = array<i32>} : memref<128x32xf32, #tpu.memory_space<vmem>>, vector<1x16xf32>,
      %parallel_loop3A_465 = vector.shape_cast %parallel_loop3A_464 : vector<1x16xf32> to vector<16xf32>
      %parallel_loop3A_466 = arith.addf %parallel_loop3A_461, %parallel_loop3A_465 : vector<16xf32>
      %parallel_loop3A_467 = arith.index_cast %parallel_loop3A_443 : i32 to index
      %parallel_loop3A_468 = arith.constant 112 : index
      %parallel_loop3A_469 = tpu.vector_load %arg11[%parallel_loop3A_467, %parallel_loop3A_468] {strides = array<i32>} : memref<128x128xf32, #tpu.memory_space<vmem>>, vector<1x16xf32>,
      %parallel_loop3A_470 = vector.shape_cast %parallel_loop3A_469 : vector<1x16xf32> to vector<16xf32>
      %parallel_loop3A_471 = vector.shape_cast %parallel_loop3A_466 : vector<16xf32> to vector<1x16xf32>
      tpu.vector_store %arg11[%parallel_loop3A_467, %parallel_loop3A_468], %parallel_loop3A_471 {strides = array<i32>} : memref<128x128xf32, #tpu.memory_space<vmem>>, vector<1x16xf32>,
    } {sc.loop_unroll_factor = 8 : i64, sc.parallel_access}
    %add3A_204 = arith.constant 160 : i32
    %add3A_205 = arith.addi %add3A_204, %add3A : i32
    %mul3A_206 = arith.constant 128 : i32
    %mul3A_207 = arith.muli %add3A_205, %mul3A_206 : i32
    %dma_start3A_208 = arith.constant 0 : i32
    %dma_start3A_209 = tpu.memref_slice %arg5[%mul3A_207, %dma_start3A_208] : memref<51200x128xf32, #tpu.memory_space<hbm>> -> memref<128x128xf32, #tpu.memory_space<hbm>>
    %dma_start3A_210 = arith.constant 0 : i32
    %dma_start3A_211 = tpu.memref_slice %arg5[%mul3A_207, %dma_start3A_210] : memref<51200x128xf32, #tpu.memory_space<hbm>> -> memref<128x128xf32, #tpu.memory_space<hbm>>
    tpu.enqueue_dma source(%arg11 : memref<128x128xf32, #tpu.memory_space<vmem>>) target(%dma_start3A_211 : memref<128x128xf32, #tpu.memory_space<hbm>>) target_semaphore(%arg27 : memref<!tpu.dma_semaphore, #tpu.memory_space<semaphore_mem>>)
    %add3A_212 = arith.constant 128 : i32
    %add3A_213 = arith.addi %add3A_212, %add3A : i32
    %mul3A_214 = arith.constant 128 : i32
    %mul3A_215 = arith.muli %add3A_213, %mul3A_214 : i32
    %dma_wait3A_216 = arith.constant 0 : i32
    %dma_wait3A_217 = tpu.memref_slice %arg5[%mul3A_215, %dma_wait3A_216] : memref<51200x128xf32, #tpu.memory_space<hbm>> -> memref<128x128xf32, #tpu.memory_space<hbm>>
    %dma_wait3A_218 = arith.constant 0 : i32
    %dma_wait3A_219 = tpu.memref_slice %arg5[%mul3A_215, %dma_wait3A_218] : memref<51200x128xf32, #tpu.memory_space<hbm>> -> memref<128x128xf32, #tpu.memory_space<hbm>>
    tpu.wait_dma2 semaphore(%arg26 : memref<!tpu.dma_semaphore, #tpu.memory_space<semaphore_mem>>) src(%arg10 : memref<128x128xf32, #tpu.memory_space<vmem>>) dst(%dma_wait3A_219 : memref<128x128xf32, #tpu.memory_space<hbm>>)
    %add3A_220 = arith.constant 256 : i32
    %add3A_221 = arith.addi %add3A_220, %add3A : i32
    %mul3A_222 = arith.constant 128 : i32
    %mul3A_223 = arith.muli %add3A_221, %mul3A_222 : i32
    "tpu.region"() ({
      %run_scoped3A = tpu.sem_alloc : memref<!tpu.dma_semaphore, #tpu.memory_space<semaphore_mem>>
      %dma_start3A_443 = tpu.memref_slice %arg2[%mul3A_223] : memref<51200xi32, #tpu.memory_space<hbm>> -> memref<128xi32, #tpu.memory_space<hbm>>
      %dma_start3A_444 = tpu.memref_slice %arg2[%mul3A_223] : memref<51200xi32, #tpu.memory_space<hbm>> -> memref<128xi32, #tpu.memory_space<hbm>>
      tpu.enqueue_dma source(%dma_start3A_444 : memref<128xi32, #tpu.memory_space<hbm>>) target(%arg6 : memref<128xi32, #tpu.memory_space<vmem>>) target_semaphore(%run_scoped3A : memref<!tpu.dma_semaphore, #tpu.memory_space<semaphore_mem>>)
      %dma_wait3A_445 = tpu.memref_slice %arg2[%mul3A_223] : memref<51200xi32, #tpu.memory_space<hbm>> -> memref<128xi32, #tpu.memory_space<hbm>>
      %dma_wait3A_446 = tpu.memref_slice %arg2[%mul3A_223] : memref<51200xi32, #tpu.memory_space<hbm>> -> memref<128xi32, #tpu.memory_space<hbm>>
      tpu.wait_dma2 semaphore(%run_scoped3A : memref<!tpu.dma_semaphore, #tpu.memory_space<semaphore_mem>>) src(%dma_wait3A_446 : memref<128xi32, #tpu.memory_space<hbm>>) dst(%arg6 : memref<128xi32, #tpu.memory_space<vmem>>)
      tpu.yield
    }) : () -> ()
    %dma_start3A_224 = arith.constant 0 : i32
    %dma_start3A_225 = arith.constant 0 : i32
    %dma_start3A_226 = tpu.memref_slice %arg3[%dma_start3A_224, %dma_start3A_225] : memref<100001x128xf32, #tpu.memory_space<hbm>> -> memref<100001x128xf32, #tpu.memory_space<hbm>>
    tpu.enqueue_indirect_dma source(%dma_start3A_226 : memref<100001x128xf32, #tpu.memory_space<hbm>>) target(%arg10 : memref<128x128xf32, #tpu.memory_space<vmem>>) offsets(%arg6 : memref<128xi32, #tpu.memory_space<vmem>>) semaphore(%arg18 : memref<!tpu.dma_semaphore, #tpu.memory_space<semaphore_mem>>)
    %dma_start3A_227 = arith.constant 0 : i32
    %dma_start3A_228 = arith.constant 0 : i32
    %dma_start3A_229 = tpu.memref_slice %arg4[%dma_start3A_227, %dma_start3A_228] : memref<100001x32xf32, #tpu.memory_space<hbm>> -> memref<100001x32xf32, #tpu.memory_space<hbm>>
    tpu.enqueue_indirect_dma source(%dma_start3A_229 : memref<100001x32xf32, #tpu.memory_space<hbm>>) target(%arg14 : memref<128x32xf32, #tpu.memory_space<vmem>>) offsets(%arg6 : memref<128xi32, #tpu.memory_space<vmem>>) semaphore(%arg22 : memref<!tpu.dma_semaphore, #tpu.memory_space<semaphore_mem>>)
    %dma_wait3A_230 = arith.constant 0 : i32
    %dma_wait3A_231 = arith.constant 0 : i32
    %dma_wait3A_232 = tpu.memref_slice %arg3[%dma_wait3A_230, %dma_wait3A_231] : memref<100001x128xf32, #tpu.memory_space<hbm>> -> memref<100001x128xf32, #tpu.memory_space<hbm>>
    tpu.wait_indirect_dma semaphore(%arg20 : memref<!tpu.dma_semaphore, #tpu.memory_space<semaphore_mem>>) src(%dma_wait3A_232 : memref<100001x128xf32, #tpu.memory_space<hbm>>) dst(%arg12 : memref<128x128xf32, #tpu.memory_space<vmem>>)
    %dma_wait3A_233 = arith.constant 0 : i32
    %dma_wait3A_234 = arith.constant 0 : i32
    %dma_wait3A_235 = tpu.memref_slice %arg4[%dma_wait3A_233, %dma_wait3A_234] : memref<100001x32xf32, #tpu.memory_space<hbm>> -> memref<100001x32xf32, #tpu.memory_space<hbm>>
    tpu.wait_indirect_dma semaphore(%arg24 : memref<!tpu.dma_semaphore, #tpu.memory_space<semaphore_mem>>) src(%dma_wait3A_235 : memref<100001x32xf32, #tpu.memory_space<hbm>>) dst(%arg16 : memref<128x32xf32, #tpu.memory_space<vmem>>)
    %parallel_loop3A_236 = arith.constant 0 : i32
    %parallel_loop3A_237 = arith.constant 128 : i32
    %parallel_loop3A_238 = arith.constant 1 : i32
    scf.for %parallel_loop3A_443 = %parallel_loop3A_236 to %parallel_loop3A_237 step %parallel_loop3A_238  : i32 {
      %parallel_loop3A_444 = arith.index_cast %parallel_loop3A_443 : i32 to index
      %parallel_loop3A_445 = arith.constant 96 : index
      %parallel_loop3A_446 = tpu.vector_load %arg12[%parallel_loop3A_444, %parallel_loop3A_445] {strides = array<i32>} : memref<128x128xf32, #tpu.memory_space<vmem>>, vector<1x16xf32>,
      %parallel_loop3A_447 = vector.shape_cast %parallel_loop3A_446 : vector<1x16xf32> to vector<16xf32>
      %parallel_loop3A_448 = arith.index_cast %parallel_loop3A_443 : i32 to index
      %parallel_loop3A_449 = arith.constant 0 : index
      %parallel_loop3A_450 = tpu.vector_load %arg16[%parallel_loop3A_448, %parallel_loop3A_449] {strides = array<i32>} : memref<128x32xf32, #tpu.memory_space<vmem>>, vector<1x16xf32>,
      %parallel_loop3A_451 = vector.shape_cast %parallel_loop3A_450 : vector<1x16xf32> to vector<16xf32>
      %parallel_loop3A_452 = arith.addf %parallel_loop3A_447, %parallel_loop3A_451 : vector<16xf32>
      %parallel_loop3A_453 = arith.index_cast %parallel_loop3A_443 : i32 to index
      %parallel_loop3A_454 = arith.constant 96 : index
      %parallel_loop3A_455 = tpu.vector_load %arg12[%parallel_loop3A_453, %parallel_loop3A_454] {strides = array<i32>} : memref<128x128xf32, #tpu.memory_space<vmem>>, vector<1x16xf32>,
      %parallel_loop3A_456 = vector.shape_cast %parallel_loop3A_455 : vector<1x16xf32> to vector<16xf32>
      %parallel_loop3A_457 = vector.shape_cast %parallel_loop3A_452 : vector<16xf32> to vector<1x16xf32>
      tpu.vector_store %arg12[%parallel_loop3A_453, %parallel_loop3A_454], %parallel_loop3A_457 {strides = array<i32>} : memref<128x128xf32, #tpu.memory_space<vmem>>, vector<1x16xf32>,
      %parallel_loop3A_458 = arith.index_cast %parallel_loop3A_443 : i32 to index
      %parallel_loop3A_459 = arith.constant 112 : index
      %parallel_loop3A_460 = tpu.vector_load %arg12[%parallel_loop3A_458, %parallel_loop3A_459] {strides = array<i32>} : memref<128x128xf32, #tpu.memory_space<vmem>>, vector<1x16xf32>,
      %parallel_loop3A_461 = vector.shape_cast %parallel_loop3A_460 : vector<1x16xf32> to vector<16xf32>
      %parallel_loop3A_462 = arith.index_cast %parallel_loop3A_443 : i32 to index
      %parallel_loop3A_463 = arith.constant 16 : index
      %parallel_loop3A_464 = tpu.vector_load %arg16[%parallel_loop3A_462, %parallel_loop3A_463] {strides = array<i32>} : memref<128x32xf32, #tpu.memory_space<vmem>>, vector<1x16xf32>,
      %parallel_loop3A_465 = vector.shape_cast %parallel_loop3A_464 : vector<1x16xf32> to vector<16xf32>
      %parallel_loop3A_466 = arith.addf %parallel_loop3A_461, %parallel_loop3A_465 : vector<16xf32>
      %parallel_loop3A_467 = arith.index_cast %parallel_loop3A_443 : i32 to index
      %parallel_loop3A_468 = arith.constant 112 : index
      %parallel_loop3A_469 = tpu.vector_load %arg12[%parallel_loop3A_467, %parallel_loop3A_468] {strides = array<i32>} : memref<128x128xf32, #tpu.memory_space<vmem>>, vector<1x16xf32>,
      %parallel_loop3A_470 = vector.shape_cast %parallel_loop3A_469 : vector<1x16xf32> to vector<16xf32>
      %parallel_loop3A_471 = vector.shape_cast %parallel_loop3A_466 : vector<16xf32> to vector<1x16xf32>
      tpu.vector_store %arg12[%parallel_loop3A_467, %parallel_loop3A_468], %parallel_loop3A_471 {strides = array<i32>} : memref<128x128xf32, #tpu.memory_space<vmem>>, vector<1x16xf32>,
    } {sc.loop_unroll_factor = 8 : i64, sc.parallel_access}
    %add3A_239 = arith.constant 192 : i32
    %add3A_240 = arith.addi %add3A_239, %add3A : i32
    %mul3A_241 = arith.constant 128 : i32
    %mul3A_242 = arith.muli %add3A_240, %mul3A_241 : i32
    %dma_start3A_243 = arith.constant 0 : i32
    %dma_start3A_244 = tpu.memref_slice %arg5[%mul3A_242, %dma_start3A_243] : memref<51200x128xf32, #tpu.memory_space<hbm>> -> memref<128x128xf32, #tpu.memory_space<hbm>>
    %dma_start3A_245 = arith.constant 0 : i32
    %dma_start3A_246 = tpu.memref_slice %arg5[%mul3A_242, %dma_start3A_245] : memref<51200x128xf32, #tpu.memory_space<hbm>> -> memref<128x128xf32, #tpu.memory_space<hbm>>
    tpu.enqueue_dma source(%arg12 : memref<128x128xf32, #tpu.memory_space<vmem>>) target(%dma_start3A_246 : memref<128x128xf32, #tpu.memory_space<hbm>>) target_semaphore(%arg28 : memref<!tpu.dma_semaphore, #tpu.memory_space<semaphore_mem>>)
    %add3A_247 = arith.constant 160 : i32
    %add3A_248 = arith.addi %add3A_247, %add3A : i32
    %mul3A_249 = arith.constant 128 : i32
    %mul3A_250 = arith.muli %add3A_248, %mul3A_249 : i32
    %dma_wait3A_251 = arith.constant 0 : i32
    %dma_wait3A_252 = tpu.memref_slice %arg5[%mul3A_250, %dma_wait3A_251] : memref<51200x128xf32, #tpu.memory_space<hbm>> -> memref<128x128xf32, #tpu.memory_space<hbm>>
    %dma_wait3A_253 = arith.constant 0 : i32
    %dma_wait3A_254 = tpu.memref_slice %arg5[%mul3A_250, %dma_wait3A_253] : memref<51200x128xf32, #tpu.memory_space<hbm>> -> memref<128x128xf32, #tpu.memory_space<hbm>>
    tpu.wait_dma2 semaphore(%arg27 : memref<!tpu.dma_semaphore, #tpu.memory_space<semaphore_mem>>) src(%arg11 : memref<128x128xf32, #tpu.memory_space<vmem>>) dst(%dma_wait3A_254 : memref<128x128xf32, #tpu.memory_space<hbm>>)
    %add3A_255 = arith.constant 288 : i32
    %add3A_256 = arith.addi %add3A_255, %add3A : i32
    %mul3A_257 = arith.constant 128 : i32
    %mul3A_258 = arith.muli %add3A_256, %mul3A_257 : i32
    "tpu.region"() ({
      %run_scoped3A = tpu.sem_alloc : memref<!tpu.dma_semaphore, #tpu.memory_space<semaphore_mem>>
      %dma_start3A_443 = tpu.memref_slice %arg2[%mul3A_258] : memref<51200xi32, #tpu.memory_space<hbm>> -> memref<128xi32, #tpu.memory_space<hbm>>
      %dma_start3A_444 = tpu.memref_slice %arg2[%mul3A_258] : memref<51200xi32, #tpu.memory_space<hbm>> -> memref<128xi32, #tpu.memory_space<hbm>>
      tpu.enqueue_dma source(%dma_start3A_444 : memref<128xi32, #tpu.memory_space<hbm>>) target(%arg7 : memref<128xi32, #tpu.memory_space<vmem>>) target_semaphore(%run_scoped3A : memref<!tpu.dma_semaphore, #tpu.memory_space<semaphore_mem>>)
      %dma_wait3A_445 = tpu.memref_slice %arg2[%mul3A_258] : memref<51200xi32, #tpu.memory_space<hbm>> -> memref<128xi32, #tpu.memory_space<hbm>>
      %dma_wait3A_446 = tpu.memref_slice %arg2[%mul3A_258] : memref<51200xi32, #tpu.memory_space<hbm>> -> memref<128xi32, #tpu.memory_space<hbm>>
      tpu.wait_dma2 semaphore(%run_scoped3A : memref<!tpu.dma_semaphore, #tpu.memory_space<semaphore_mem>>) src(%dma_wait3A_446 : memref<128xi32, #tpu.memory_space<hbm>>) dst(%arg7 : memref<128xi32, #tpu.memory_space<vmem>>)
      tpu.yield
    }) : () -> ()
    %dma_start3A_259 = arith.constant 0 : i32
    %dma_start3A_260 = arith.constant 0 : i32
    %dma_start3A_261 = tpu.memref_slice %arg3[%dma_start3A_259, %dma_start3A_260] : memref<100001x128xf32, #tpu.memory_space<hbm>> -> memref<100001x128xf32, #tpu.memory_space<hbm>>
    tpu.enqueue_indirect_dma source(%dma_start3A_261 : memref<100001x128xf32, #tpu.memory_space<hbm>>) target(%arg11 : memref<128x128xf32, #tpu.memory_space<vmem>>) offsets(%arg7 : memref<128xi32, #tpu.memory_space<vmem>>) semaphore(%arg19 : memref<!tpu.dma_semaphore, #tpu.memory_space<semaphore_mem>>)
    %dma_start3A_262 = arith.constant 0 : i32
    %dma_start3A_263 = arith.constant 0 : i32
    %dma_start3A_264 = tpu.memref_slice %arg4[%dma_start3A_262, %dma_start3A_263] : memref<100001x32xf32, #tpu.memory_space<hbm>> -> memref<100001x32xf32, #tpu.memory_space<hbm>>
    tpu.enqueue_indirect_dma source(%dma_start3A_264 : memref<100001x32xf32, #tpu.memory_space<hbm>>) target(%arg15 : memref<128x32xf32, #tpu.memory_space<vmem>>) offsets(%arg7 : memref<128xi32, #tpu.memory_space<vmem>>) semaphore(%arg23 : memref<!tpu.dma_semaphore, #tpu.memory_space<semaphore_mem>>)
    %dma_wait3A_265 = arith.constant 0 : i32
    %dma_wait3A_266 = arith.constant 0 : i32
    %dma_wait3A_267 = tpu.memref_slice %arg3[%dma_wait3A_265, %dma_wait3A_266] : memref<100001x128xf32, #tpu.memory_space<hbm>> -> memref<100001x128xf32, #tpu.memory_space<hbm>>
    tpu.wait_indirect_dma semaphore(%arg21 : memref<!tpu.dma_semaphore, #tpu.memory_space<semaphore_mem>>) src(%dma_wait3A_267 : memref<100001x128xf32, #tpu.memory_space<hbm>>) dst(%arg13 : memref<128x128xf32, #tpu.memory_space<vmem>>)
    %dma_wait3A_268 = arith.constant 0 : i32
    %dma_wait3A_269 = arith.constant 0 : i32
    %dma_wait3A_270 = tpu.memref_slice %arg4[%dma_wait3A_268, %dma_wait3A_269] : memref<100001x32xf32, #tpu.memory_space<hbm>> -> memref<100001x32xf32, #tpu.memory_space<hbm>>
    tpu.wait_indirect_dma semaphore(%arg25 : memref<!tpu.dma_semaphore, #tpu.memory_space<semaphore_mem>>) src(%dma_wait3A_270 : memref<100001x32xf32, #tpu.memory_space<hbm>>) dst(%arg17 : memref<128x32xf32, #tpu.memory_space<vmem>>)
    %parallel_loop3A_271 = arith.constant 0 : i32
    %parallel_loop3A_272 = arith.constant 128 : i32
    %parallel_loop3A_273 = arith.constant 1 : i32
    scf.for %parallel_loop3A_443 = %parallel_loop3A_271 to %parallel_loop3A_272 step %parallel_loop3A_273  : i32 {
      %parallel_loop3A_444 = arith.index_cast %parallel_loop3A_443 : i32 to index
      %parallel_loop3A_445 = arith.constant 96 : index
      %parallel_loop3A_446 = tpu.vector_load %arg13[%parallel_loop3A_444, %parallel_loop3A_445] {strides = array<i32>} : memref<128x128xf32, #tpu.memory_space<vmem>>, vector<1x16xf32>,
      %parallel_loop3A_447 = vector.shape_cast %parallel_loop3A_446 : vector<1x16xf32> to vector<16xf32>
      %parallel_loop3A_448 = arith.index_cast %parallel_loop3A_443 : i32 to index
      %parallel_loop3A_449 = arith.constant 0 : index
      %parallel_loop3A_450 = tpu.vector_load %arg17[%parallel_loop3A_448, %parallel_loop3A_449] {strides = array<i32>} : memref<128x32xf32, #tpu.memory_space<vmem>>, vector<1x16xf32>,
      %parallel_loop3A_451 = vector.shape_cast %parallel_loop3A_450 : vector<1x16xf32> to vector<16xf32>
      %parallel_loop3A_452 = arith.addf %parallel_loop3A_447, %parallel_loop3A_451 : vector<16xf32>
      %parallel_loop3A_453 = arith.index_cast %parallel_loop3A_443 : i32 to index
      %parallel_loop3A_454 = arith.constant 96 : index
      %parallel_loop3A_455 = tpu.vector_load %arg13[%parallel_loop3A_453, %parallel_loop3A_454] {strides = array<i32>} : memref<128x128xf32, #tpu.memory_space<vmem>>, vector<1x16xf32>,
      %parallel_loop3A_456 = vector.shape_cast %parallel_loop3A_455 : vector<1x16xf32> to vector<16xf32>
      %parallel_loop3A_457 = vector.shape_cast %parallel_loop3A_452 : vector<16xf32> to vector<1x16xf32>
      tpu.vector_store %arg13[%parallel_loop3A_453, %parallel_loop3A_454], %parallel_loop3A_457 {strides = array<i32>} : memref<128x128xf32, #tpu.memory_space<vmem>>, vector<1x16xf32>,
      %parallel_loop3A_458 = arith.index_cast %parallel_loop3A_443 : i32 to index
      %parallel_loop3A_459 = arith.constant 112 : index
      %parallel_loop3A_460 = tpu.vector_load %arg13[%parallel_loop3A_458, %parallel_loop3A_459] {strides = array<i32>} : memref<128x128xf32, #tpu.memory_space<vmem>>, vector<1x16xf32>,
      %parallel_loop3A_461 = vector.shape_cast %parallel_loop3A_460 : vector<1x16xf32> to vector<16xf32>
      %parallel_loop3A_462 = arith.index_cast %parallel_loop3A_443 : i32 to index
      %parallel_loop3A_463 = arith.constant 16 : index
      %parallel_loop3A_464 = tpu.vector_load %arg17[%parallel_loop3A_462, %parallel_loop3A_463] {strides = array<i32>} : memref<128x32xf32, #tpu.memory_space<vmem>>, vector<1x16xf32>,
      %parallel_loop3A_465 = vector.shape_cast %parallel_loop3A_464 : vector<1x16xf32> to vector<16xf32>
      %parallel_loop3A_466 = arith.addf %parallel_loop3A_461, %parallel_loop3A_465 : vector<16xf32>
      %parallel_loop3A_467 = arith.index_cast %parallel_loop3A_443 : i32 to index
      %parallel_loop3A_468 = arith.constant 112 : index
      %parallel_loop3A_469 = tpu.vector_load %arg13[%parallel_loop3A_467, %parallel_loop3A_468] {strides = array<i32>} : memref<128x128xf32, #tpu.memory_space<vmem>>, vector<1x16xf32>,
      %parallel_loop3A_470 = vector.shape_cast %parallel_loop3A_469 : vector<1x16xf32> to vector<16xf32>
      %parallel_loop3A_471 = vector.shape_cast %parallel_loop3A_466 : vector<16xf32> to vector<1x16xf32>
      tpu.vector_store %arg13[%parallel_loop3A_467, %parallel_loop3A_468], %parallel_loop3A_471 {strides = array<i32>} : memref<128x128xf32, #tpu.memory_space<vmem>>, vector<1x16xf32>,
    } {sc.loop_unroll_factor = 8 : i64, sc.parallel_access}
    %add3A_274 = arith.constant 224 : i32
    %add3A_275 = arith.addi %add3A_274, %add3A : i32
    %mul3A_276 = arith.constant 128 : i32
    %mul3A_277 = arith.muli %add3A_275, %mul3A_276 : i32
    %dma_start3A_278 = arith.constant 0 : i32
    %dma_start3A_279 = tpu.memref_slice %arg5[%mul3A_277, %dma_start3A_278] : memref<51200x128xf32, #tpu.memory_space<hbm>> -> memref<128x128xf32, #tpu.memory_space<hbm>>
    %dma_start3A_280 = arith.constant 0 : i32
    %dma_start3A_281 = tpu.memref_slice %arg5[%mul3A_277, %dma_start3A_280] : memref<51200x128xf32, #tpu.memory_space<hbm>> -> memref<128x128xf32, #tpu.memory_space<hbm>>
    tpu.enqueue_dma source(%arg13 : memref<128x128xf32, #tpu.memory_space<vmem>>) target(%dma_start3A_281 : memref<128x128xf32, #tpu.memory_space<hbm>>) target_semaphore(%arg29 : memref<!tpu.dma_semaphore, #tpu.memory_space<semaphore_mem>>)
    %add3A_282 = arith.constant 192 : i32
    %add3A_283 = arith.addi %add3A_282, %add3A : i32
    %mul3A_284 = arith.constant 128 : i32
    %mul3A_285 = arith.muli %add3A_283, %mul3A_284 : i32
    %dma_wait3A_286 = arith.constant 0 : i32
    %dma_wait3A_287 = tpu.memref_slice %arg5[%mul3A_285, %dma_wait3A_286] : memref<51200x128xf32, #tpu.memory_space<hbm>> -> memref<128x128xf32, #tpu.memory_space<hbm>>
    %dma_wait3A_288 = arith.constant 0 : i32
    %dma_wait3A_289 = tpu.memref_slice %arg5[%mul3A_285, %dma_wait3A_288] : memref<51200x128xf32, #tpu.memory_space<hbm>> -> memref<128x128xf32, #tpu.memory_space<hbm>>
    tpu.wait_dma2 semaphore(%arg28 : memref<!tpu.dma_semaphore, #tpu.memory_space<semaphore_mem>>) src(%arg12 : memref<128x128xf32, #tpu.memory_space<vmem>>) dst(%dma_wait3A_289 : memref<128x128xf32, #tpu.memory_space<hbm>>)
    %add3A_290 = arith.constant 320 : i32
    %add3A_291 = arith.addi %add3A_290, %add3A : i32
    %mul3A_292 = arith.constant 128 : i32
    %mul3A_293 = arith.muli %add3A_291, %mul3A_292 : i32
    "tpu.region"() ({
      %run_scoped3A = tpu.sem_alloc : memref<!tpu.dma_semaphore, #tpu.memory_space<semaphore_mem>>
      %dma_start3A_443 = tpu.memref_slice %arg2[%mul3A_293] : memref<51200xi32, #tpu.memory_space<hbm>> -> memref<128xi32, #tpu.memory_space<hbm>>
      %dma_start3A_444 = tpu.memref_slice %arg2[%mul3A_293] : memref<51200xi32, #tpu.memory_space<hbm>> -> memref<128xi32, #tpu.memory_space<hbm>>
      tpu.enqueue_dma source(%dma_start3A_444 : memref<128xi32, #tpu.memory_space<hbm>>) target(%arg8 : memref<128xi32, #tpu.memory_space<vmem>>) target_semaphore(%run_scoped3A : memref<!tpu.dma_semaphore, #tpu.memory_space<semaphore_mem>>)
      %dma_wait3A_445 = tpu.memref_slice %arg2[%mul3A_293] : memref<51200xi32, #tpu.memory_space<hbm>> -> memref<128xi32, #tpu.memory_space<hbm>>
      %dma_wait3A_446 = tpu.memref_slice %arg2[%mul3A_293] : memref<51200xi32, #tpu.memory_space<hbm>> -> memref<128xi32, #tpu.memory_space<hbm>>
      tpu.wait_dma2 semaphore(%run_scoped3A : memref<!tpu.dma_semaphore, #tpu.memory_space<semaphore_mem>>) src(%dma_wait3A_446 : memref<128xi32, #tpu.memory_space<hbm>>) dst(%arg8 : memref<128xi32, #tpu.memory_space<vmem>>)
      tpu.yield
    }) : () -> ()
    %dma_start3A_294 = arith.constant 0 : i32
    %dma_start3A_295 = arith.constant 0 : i32
    %dma_start3A_296 = tpu.memref_slice %arg3[%dma_start3A_294, %dma_start3A_295] : memref<100001x128xf32, #tpu.memory_space<hbm>> -> memref<100001x128xf32, #tpu.memory_space<hbm>>
    tpu.enqueue_indirect_dma source(%dma_start3A_296 : memref<100001x128xf32, #tpu.memory_space<hbm>>) target(%arg12 : memref<128x128xf32, #tpu.memory_space<vmem>>) offsets(%arg8 : memref<128xi32, #tpu.memory_space<vmem>>) semaphore(%arg20 : memref<!tpu.dma_semaphore, #tpu.memory_space<semaphore_mem>>)
    %dma_start3A_297 = arith.constant 0 : i32
    %dma_start3A_298 = arith.constant 0 : i32
    %dma_start3A_299 = tpu.memref_slice %arg4[%dma_start3A_297, %dma_start3A_298] : memref<100001x32xf32, #tpu.memory_space<hbm>> -> memref<100001x32xf32, #tpu.memory_space<hbm>>
    tpu.enqueue_indirect_dma source(%dma_start3A_299 : memref<100001x32xf32, #tpu.memory_space<hbm>>) target(%arg16 : memref<128x32xf32, #tpu.memory_space<vmem>>) offsets(%arg8 : memref<128xi32, #tpu.memory_space<vmem>>) semaphore(%arg24 : memref<!tpu.dma_semaphore, #tpu.memory_space<semaphore_mem>>)
    %dma_wait3A_300 = arith.constant 0 : i32
    %dma_wait3A_301 = arith.constant 0 : i32
    %dma_wait3A_302 = tpu.memref_slice %arg3[%dma_wait3A_300, %dma_wait3A_301] : memref<100001x128xf32, #tpu.memory_space<hbm>> -> memref<100001x128xf32, #tpu.memory_space<hbm>>
    tpu.wait_indirect_dma semaphore(%arg18 : memref<!tpu.dma_semaphore, #tpu.memory_space<semaphore_mem>>) src(%dma_wait3A_302 : memref<100001x128xf32, #tpu.memory_space<hbm>>) dst(%arg10 : memref<128x128xf32, #tpu.memory_space<vmem>>)
    %dma_wait3A_303 = arith.constant 0 : i32
    %dma_wait3A_304 = arith.constant 0 : i32
    %dma_wait3A_305 = tpu.memref_slice %arg4[%dma_wait3A_303, %dma_wait3A_304] : memref<100001x32xf32, #tpu.memory_space<hbm>> -> memref<100001x32xf32, #tpu.memory_space<hbm>>
    tpu.wait_indirect_dma semaphore(%arg22 : memref<!tpu.dma_semaphore, #tpu.memory_space<semaphore_mem>>) src(%dma_wait3A_305 : memref<100001x32xf32, #tpu.memory_space<hbm>>) dst(%arg14 : memref<128x32xf32, #tpu.memory_space<vmem>>)
    %parallel_loop3A_306 = arith.constant 0 : i32
    %parallel_loop3A_307 = arith.constant 128 : i32
    %parallel_loop3A_308 = arith.constant 1 : i32
    scf.for %parallel_loop3A_443 = %parallel_loop3A_306 to %parallel_loop3A_307 step %parallel_loop3A_308  : i32 {
      %parallel_loop3A_444 = arith.index_cast %parallel_loop3A_443 : i32 to index
      %parallel_loop3A_445 = arith.constant 96 : index
      %parallel_loop3A_446 = tpu.vector_load %arg10[%parallel_loop3A_444, %parallel_loop3A_445] {strides = array<i32>} : memref<128x128xf32, #tpu.memory_space<vmem>>, vector<1x16xf32>,
      %parallel_loop3A_447 = vector.shape_cast %parallel_loop3A_446 : vector<1x16xf32> to vector<16xf32>
      %parallel_loop3A_448 = arith.index_cast %parallel_loop3A_443 : i32 to index
      %parallel_loop3A_449 = arith.constant 0 : index
      %parallel_loop3A_450 = tpu.vector_load %arg14[%parallel_loop3A_448, %parallel_loop3A_449] {strides = array<i32>} : memref<128x32xf32, #tpu.memory_space<vmem>>, vector<1x16xf32>,
      %parallel_loop3A_451 = vector.shape_cast %parallel_loop3A_450 : vector<1x16xf32> to vector<16xf32>
      %parallel_loop3A_452 = arith.addf %parallel_loop3A_447, %parallel_loop3A_451 : vector<16xf32>
      %parallel_loop3A_453 = arith.index_cast %parallel_loop3A_443 : i32 to index
      %parallel_loop3A_454 = arith.constant 96 : index
      %parallel_loop3A_455 = tpu.vector_load %arg10[%parallel_loop3A_453, %parallel_loop3A_454] {strides = array<i32>} : memref<128x128xf32, #tpu.memory_space<vmem>>, vector<1x16xf32>,
      %parallel_loop3A_456 = vector.shape_cast %parallel_loop3A_455 : vector<1x16xf32> to vector<16xf32>
      %parallel_loop3A_457 = vector.shape_cast %parallel_loop3A_452 : vector<16xf32> to vector<1x16xf32>
      tpu.vector_store %arg10[%parallel_loop3A_453, %parallel_loop3A_454], %parallel_loop3A_457 {strides = array<i32>} : memref<128x128xf32, #tpu.memory_space<vmem>>, vector<1x16xf32>,
      %parallel_loop3A_458 = arith.index_cast %parallel_loop3A_443 : i32 to index
      %parallel_loop3A_459 = arith.constant 112 : index
      %parallel_loop3A_460 = tpu.vector_load %arg10[%parallel_loop3A_458, %parallel_loop3A_459] {strides = array<i32>} : memref<128x128xf32, #tpu.memory_space<vmem>>, vector<1x16xf32>,
      %parallel_loop3A_461 = vector.shape_cast %parallel_loop3A_460 : vector<1x16xf32> to vector<16xf32>
      %parallel_loop3A_462 = arith.index_cast %parallel_loop3A_443 : i32 to index
      %parallel_loop3A_463 = arith.constant 16 : index
      %parallel_loop3A_464 = tpu.vector_load %arg14[%parallel_loop3A_462, %parallel_loop3A_463] {strides = array<i32>} : memref<128x32xf32, #tpu.memory_space<vmem>>, vector<1x16xf32>,
      %parallel_loop3A_465 = vector.shape_cast %parallel_loop3A_464 : vector<1x16xf32> to vector<16xf32>
      %parallel_loop3A_466 = arith.addf %parallel_loop3A_461, %parallel_loop3A_465 : vector<16xf32>
      %parallel_loop3A_467 = arith.index_cast %parallel_loop3A_443 : i32 to index
      %parallel_loop3A_468 = arith.constant 112 : index
      %parallel_loop3A_469 = tpu.vector_load %arg10[%parallel_loop3A_467, %parallel_loop3A_468] {strides = array<i32>} : memref<128x128xf32, #tpu.memory_space<vmem>>, vector<1x16xf32>,
      %parallel_loop3A_470 = vector.shape_cast %parallel_loop3A_469 : vector<1x16xf32> to vector<16xf32>
      %parallel_loop3A_471 = vector.shape_cast %parallel_loop3A_466 : vector<16xf32> to vector<1x16xf32>
      tpu.vector_store %arg10[%parallel_loop3A_467, %parallel_loop3A_468], %parallel_loop3A_471 {strides = array<i32>} : memref<128x128xf32, #tpu.memory_space<vmem>>, vector<1x16xf32>,
    } {sc.loop_unroll_factor = 8 : i64, sc.parallel_access}
    %add3A_309 = arith.constant 256 : i32
    %add3A_310 = arith.addi %add3A_309, %add3A : i32
    %mul3A_311 = arith.constant 128 : i32
    %mul3A_312 = arith.muli %add3A_310, %mul3A_311 : i32
    %dma_start3A_313 = arith.constant 0 : i32
    %dma_start3A_314 = tpu.memref_slice %arg5[%mul3A_312, %dma_start3A_313] : memref<51200x128xf32, #tpu.memory_space<hbm>> -> memref<128x128xf32, #tpu.memory_space<hbm>>
    %dma_start3A_315 = arith.constant 0 : i32
    %dma_start3A_316 = tpu.memref_slice %arg5[%mul3A_312, %dma_start3A_315] : memref<51200x128xf32, #tpu.memory_space<hbm>> -> memref<128x128xf32, #tpu.memory_space<hbm>>
    tpu.enqueue_dma source(%arg10 : memref<128x128xf32, #tpu.memory_space<vmem>>) target(%dma_start3A_316 : memref<128x128xf32, #tpu.memory_space<hbm>>) target_semaphore(%arg26 : memref<!tpu.dma_semaphore, #tpu.memory_space<semaphore_mem>>)
    %add3A_317 = arith.constant 224 : i32
    %add3A_318 = arith.addi %add3A_317, %add3A : i32
    %mul3A_319 = arith.constant 128 : i32
    %mul3A_320 = arith.muli %add3A_318, %mul3A_319 : i32
    %dma_wait3A_321 = arith.constant 0 : i32
    %dma_wait3A_322 = tpu.memref_slice %arg5[%mul3A_320, %dma_wait3A_321] : memref<51200x128xf32, #tpu.memory_space<hbm>> -> memref<128x128xf32, #tpu.memory_space<hbm>>
    %dma_wait3A_323 = arith.constant 0 : i32
    %dma_wait3A_324 = tpu.memref_slice %arg5[%mul3A_320, %dma_wait3A_323] : memref<51200x128xf32, #tpu.memory_space<hbm>> -> memref<128x128xf32, #tpu.memory_space<hbm>>
    tpu.wait_dma2 semaphore(%arg29 : memref<!tpu.dma_semaphore, #tpu.memory_space<semaphore_mem>>) src(%arg13 : memref<128x128xf32, #tpu.memory_space<vmem>>) dst(%dma_wait3A_324 : memref<128x128xf32, #tpu.memory_space<hbm>>)
    %add3A_325 = arith.constant 352 : i32
    %add3A_326 = arith.addi %add3A_325, %add3A : i32
    %mul3A_327 = arith.constant 128 : i32
    %mul3A_328 = arith.muli %add3A_326, %mul3A_327 : i32
    "tpu.region"() ({
      %run_scoped3A = tpu.sem_alloc : memref<!tpu.dma_semaphore, #tpu.memory_space<semaphore_mem>>
      %dma_start3A_443 = tpu.memref_slice %arg2[%mul3A_328] : memref<51200xi32, #tpu.memory_space<hbm>> -> memref<128xi32, #tpu.memory_space<hbm>>
      %dma_start3A_444 = tpu.memref_slice %arg2[%mul3A_328] : memref<51200xi32, #tpu.memory_space<hbm>> -> memref<128xi32, #tpu.memory_space<hbm>>
      tpu.enqueue_dma source(%dma_start3A_444 : memref<128xi32, #tpu.memory_space<hbm>>) target(%arg9 : memref<128xi32, #tpu.memory_space<vmem>>) target_semaphore(%run_scoped3A : memref<!tpu.dma_semaphore, #tpu.memory_space<semaphore_mem>>)
      %dma_wait3A_445 = tpu.memref_slice %arg2[%mul3A_328] : memref<51200xi32, #tpu.memory_space<hbm>> -> memref<128xi32, #tpu.memory_space<hbm>>
      %dma_wait3A_446 = tpu.memref_slice %arg2[%mul3A_328] : memref<51200xi32, #tpu.memory_space<hbm>> -> memref<128xi32, #tpu.memory_space<hbm>>
      tpu.wait_dma2 semaphore(%run_scoped3A : memref<!tpu.dma_semaphore, #tpu.memory_space<semaphore_mem>>) src(%dma_wait3A_446 : memref<128xi32, #tpu.memory_space<hbm>>) dst(%arg9 : memref<128xi32, #tpu.memory_space<vmem>>)
      tpu.yield
    }) : () -> ()
    %dma_start3A_329 = arith.constant 0 : i32
    %dma_start3A_330 = arith.constant 0 : i32
    %dma_start3A_331 = tpu.memref_slice %arg3[%dma_start3A_329, %dma_start3A_330] : memref<100001x128xf32, #tpu.memory_space<hbm>> -> memref<100001x128xf32, #tpu.memory_space<hbm>>
    tpu.enqueue_indirect_dma source(%dma_start3A_331 : memref<100001x128xf32, #tpu.memory_space<hbm>>) target(%arg13 : memref<128x128xf32, #tpu.memory_space<vmem>>) offsets(%arg9 : memref<128xi32, #tpu.memory_space<vmem>>) semaphore(%arg21 : memref<!tpu.dma_semaphore, #tpu.memory_space<semaphore_mem>>)
    %dma_start3A_332 = arith.constant 0 : i32
    %dma_start3A_333 = arith.constant 0 : i32
    %dma_start3A_334 = tpu.memref_slice %arg4[%dma_start3A_332, %dma_start3A_333] : memref<100001x32xf32, #tpu.memory_space<hbm>> -> memref<100001x32xf32, #tpu.memory_space<hbm>>
    tpu.enqueue_indirect_dma source(%dma_start3A_334 : memref<100001x32xf32, #tpu.memory_space<hbm>>) target(%arg17 : memref<128x32xf32, #tpu.memory_space<vmem>>) offsets(%arg9 : memref<128xi32, #tpu.memory_space<vmem>>) semaphore(%arg25 : memref<!tpu.dma_semaphore, #tpu.memory_space<semaphore_mem>>)
    %dma_wait3A_335 = arith.constant 0 : i32
    %dma_wait3A_336 = arith.constant 0 : i32
    %dma_wait3A_337 = tpu.memref_slice %arg3[%dma_wait3A_335, %dma_wait3A_336] : memref<100001x128xf32, #tpu.memory_space<hbm>> -> memref<100001x128xf32, #tpu.memory_space<hbm>>
    tpu.wait_indirect_dma semaphore(%arg19 : memref<!tpu.dma_semaphore, #tpu.memory_space<semaphore_mem>>) src(%dma_wait3A_337 : memref<100001x128xf32, #tpu.memory_space<hbm>>) dst(%arg11 : memref<128x128xf32, #tpu.memory_space<vmem>>)
    %dma_wait3A_338 = arith.constant 0 : i32
    %dma_wait3A_339 = arith.constant 0 : i32
    %dma_wait3A_340 = tpu.memref_slice %arg4[%dma_wait3A_338, %dma_wait3A_339] : memref<100001x32xf32, #tpu.memory_space<hbm>> -> memref<100001x32xf32, #tpu.memory_space<hbm>>
    tpu.wait_indirect_dma semaphore(%arg23 : memref<!tpu.dma_semaphore, #tpu.memory_space<semaphore_mem>>) src(%dma_wait3A_340 : memref<100001x32xf32, #tpu.memory_space<hbm>>) dst(%arg15 : memref<128x32xf32, #tpu.memory_space<vmem>>)
    %parallel_loop3A_341 = arith.constant 0 : i32
    %parallel_loop3A_342 = arith.constant 128 : i32
    %parallel_loop3A_343 = arith.constant 1 : i32
    scf.for %parallel_loop3A_443 = %parallel_loop3A_341 to %parallel_loop3A_342 step %parallel_loop3A_343  : i32 {
      %parallel_loop3A_444 = arith.index_cast %parallel_loop3A_443 : i32 to index
      %parallel_loop3A_445 = arith.constant 96 : index
      %parallel_loop3A_446 = tpu.vector_load %arg11[%parallel_loop3A_444, %parallel_loop3A_445] {strides = array<i32>} : memref<128x128xf32, #tpu.memory_space<vmem>>, vector<1x16xf32>,
      %parallel_loop3A_447 = vector.shape_cast %parallel_loop3A_446 : vector<1x16xf32> to vector<16xf32>
      %parallel_loop3A_448 = arith.index_cast %parallel_loop3A_443 : i32 to index
      %parallel_loop3A_449 = arith.constant 0 : index
      %parallel_loop3A_450 = tpu.vector_load %arg15[%parallel_loop3A_448, %parallel_loop3A_449] {strides = array<i32>} : memref<128x32xf32, #tpu.memory_space<vmem>>, vector<1x16xf32>,
      %parallel_loop3A_451 = vector.shape_cast %parallel_loop3A_450 : vector<1x16xf32> to vector<16xf32>
      %parallel_loop3A_452 = arith.addf %parallel_loop3A_447, %parallel_loop3A_451 : vector<16xf32>
      %parallel_loop3A_453 = arith.index_cast %parallel_loop3A_443 : i32 to index
      %parallel_loop3A_454 = arith.constant 96 : index
      %parallel_loop3A_455 = tpu.vector_load %arg11[%parallel_loop3A_453, %parallel_loop3A_454] {strides = array<i32>} : memref<128x128xf32, #tpu.memory_space<vmem>>, vector<1x16xf32>,
      %parallel_loop3A_456 = vector.shape_cast %parallel_loop3A_455 : vector<1x16xf32> to vector<16xf32>
      %parallel_loop3A_457 = vector.shape_cast %parallel_loop3A_452 : vector<16xf32> to vector<1x16xf32>
      tpu.vector_store %arg11[%parallel_loop3A_453, %parallel_loop3A_454], %parallel_loop3A_457 {strides = array<i32>} : memref<128x128xf32, #tpu.memory_space<vmem>>, vector<1x16xf32>,
      %parallel_loop3A_458 = arith.index_cast %parallel_loop3A_443 : i32 to index
      %parallel_loop3A_459 = arith.constant 112 : index
      %parallel_loop3A_460 = tpu.vector_load %arg11[%parallel_loop3A_458, %parallel_loop3A_459] {strides = array<i32>} : memref<128x128xf32, #tpu.memory_space<vmem>>, vector<1x16xf32>,
      %parallel_loop3A_461 = vector.shape_cast %parallel_loop3A_460 : vector<1x16xf32> to vector<16xf32>
      %parallel_loop3A_462 = arith.index_cast %parallel_loop3A_443 : i32 to index
      %parallel_loop3A_463 = arith.constant 16 : index
      %parallel_loop3A_464 = tpu.vector_load %arg15[%parallel_loop3A_462, %parallel_loop3A_463] {strides = array<i32>} : memref<128x32xf32, #tpu.memory_space<vmem>>, vector<1x16xf32>,
      %parallel_loop3A_465 = vector.shape_cast %parallel_loop3A_464 : vector<1x16xf32> to vector<16xf32>
      %parallel_loop3A_466 = arith.addf %parallel_loop3A_461, %parallel_loop3A_465 : vector<16xf32>
      %parallel_loop3A_467 = arith.index_cast %parallel_loop3A_443 : i32 to index
      %parallel_loop3A_468 = arith.constant 112 : index
      %parallel_loop3A_469 = tpu.vector_load %arg11[%parallel_loop3A_467, %parallel_loop3A_468] {strides = array<i32>} : memref<128x128xf32, #tpu.memory_space<vmem>>, vector<1x16xf32>,
      %parallel_loop3A_470 = vector.shape_cast %parallel_loop3A_469 : vector<1x16xf32> to vector<16xf32>
      %parallel_loop3A_471 = vector.shape_cast %parallel_loop3A_466 : vector<16xf32> to vector<1x16xf32>
      tpu.vector_store %arg11[%parallel_loop3A_467, %parallel_loop3A_468], %parallel_loop3A_471 {strides = array<i32>} : memref<128x128xf32, #tpu.memory_space<vmem>>, vector<1x16xf32>,
    } {sc.loop_unroll_factor = 8 : i64, sc.parallel_access}
    %add3A_344 = arith.constant 288 : i32
    %add3A_345 = arith.addi %add3A_344, %add3A : i32
    %mul3A_346 = arith.constant 128 : i32
    %mul3A_347 = arith.muli %add3A_345, %mul3A_346 : i32
    %dma_start3A_348 = arith.constant 0 : i32
    %dma_start3A_349 = tpu.memref_slice %arg5[%mul3A_347, %dma_start3A_348] : memref<51200x128xf32, #tpu.memory_space<hbm>> -> memref<128x128xf32, #tpu.memory_space<hbm>>
    %dma_start3A_350 = arith.constant 0 : i32
    %dma_start3A_351 = tpu.memref_slice %arg5[%mul3A_347, %dma_start3A_350] : memref<51200x128xf32, #tpu.memory_space<hbm>> -> memref<128x128xf32, #tpu.memory_space<hbm>>
    tpu.enqueue_dma source(%arg11 : memref<128x128xf32, #tpu.memory_space<vmem>>) target(%dma_start3A_351 : memref<128x128xf32, #tpu.memory_space<hbm>>) target_semaphore(%arg27 : memref<!tpu.dma_semaphore, #tpu.memory_space<semaphore_mem>>)
    %add3A_352 = arith.constant 256 : i32
    %add3A_353 = arith.addi %add3A_352, %add3A : i32
    %mul3A_354 = arith.constant 128 : i32
    %mul3A_355 = arith.muli %add3A_353, %mul3A_354 : i32
    %dma_wait3A_356 = arith.constant 0 : i32
    %dma_wait3A_357 = tpu.memref_slice %arg5[%mul3A_355, %dma_wait3A_356] : memref<51200x128xf32, #tpu.memory_space<hbm>> -> memref<128x128xf32, #tpu.memory_space<hbm>>
    %dma_wait3A_358 = arith.constant 0 : i32
    %dma_wait3A_359 = tpu.memref_slice %arg5[%mul3A_355, %dma_wait3A_358] : memref<51200x128xf32, #tpu.memory_space<hbm>> -> memref<128x128xf32, #tpu.memory_space<hbm>>
    tpu.wait_dma2 semaphore(%arg26 : memref<!tpu.dma_semaphore, #tpu.memory_space<semaphore_mem>>) src(%arg10 : memref<128x128xf32, #tpu.memory_space<vmem>>) dst(%dma_wait3A_359 : memref<128x128xf32, #tpu.memory_space<hbm>>)
    %add3A_360 = arith.constant 384 : i32
    %add3A_361 = arith.addi %add3A_360, %add3A : i32
    %lt3A = arith.constant 400 : i32
    %lt3A_362 = arith.cmpi slt, %add3A_361, %lt3A : i32
    %convert_element_type3A = arith.extui %lt3A_362 : i1 to i32
    %cond3A = arith.constant 0 : i32
    %cond3A_363 = arith.cmpi ne, %convert_element_type3A, %cond3A : i32
    scf.if %cond3A_363 {
      %add3A_443 = arith.constant 384 : i32
      %add3A_444 = arith.addi %add3A_443, %add3A : i32
      %mul3A_445 = arith.constant 128 : i32
      %mul3A_446 = arith.muli %add3A_444, %mul3A_445 : i32
      "tpu.region"() ({
        %run_scoped3A = tpu.sem_alloc : memref<!tpu.dma_semaphore, #tpu.memory_space<semaphore_mem>>
        %dma_start3A_453 = tpu.memref_slice %arg2[%mul3A_446] : memref<51200xi32, #tpu.memory_space<hbm>> -> memref<128xi32, #tpu.memory_space<hbm>>
        %dma_start3A_454 = tpu.memref_slice %arg2[%mul3A_446] : memref<51200xi32, #tpu.memory_space<hbm>> -> memref<128xi32, #tpu.memory_space<hbm>>
        tpu.enqueue_dma source(%dma_start3A_454 : memref<128xi32, #tpu.memory_space<hbm>>) target(%arg6 : memref<128xi32, #tpu.memory_space<vmem>>) target_semaphore(%run_scoped3A : memref<!tpu.dma_semaphore, #tpu.memory_space<semaphore_mem>>)
        %dma_wait3A_455 = tpu.memref_slice %arg2[%mul3A_446] : memref<51200xi32, #tpu.memory_space<hbm>> -> memref<128xi32, #tpu.memory_space<hbm>>
        %dma_wait3A_456 = tpu.memref_slice %arg2[%mul3A_446] : memref<51200xi32, #tpu.memory_space<hbm>> -> memref<128xi32, #tpu.memory_space<hbm>>
        tpu.wait_dma2 semaphore(%run_scoped3A : memref<!tpu.dma_semaphore, #tpu.memory_space<semaphore_mem>>) src(%dma_wait3A_456 : memref<128xi32, #tpu.memory_space<hbm>>) dst(%arg6 : memref<128xi32, #tpu.memory_space<vmem>>)
        tpu.yield
      }) : () -> ()
      %dma_start3A_447 = arith.constant 0 : i32
      %dma_start3A_448 = arith.constant 0 : i32
      %dma_start3A_449 = tpu.memref_slice %arg3[%dma_start3A_447, %dma_start3A_448] : memref<100001x128xf32, #tpu.memory_space<hbm>> -> memref<100001x128xf32, #tpu.memory_space<hbm>>
      tpu.enqueue_indirect_dma source(%dma_start3A_449 : memref<100001x128xf32, #tpu.memory_space<hbm>>) target(%arg10 : memref<128x128xf32, #tpu.memory_space<vmem>>) offsets(%arg6 : memref<128xi32, #tpu.memory_space<vmem>>) semaphore(%arg18 : memref<!tpu.dma_semaphore, #tpu.memory_space<semaphore_mem>>)
      %dma_start3A_450 = arith.constant 0 : i32
      %dma_start3A_451 = arith.constant 0 : i32
      %dma_start3A_452 = tpu.memref_slice %arg4[%dma_start3A_450, %dma_start3A_451] : memref<100001x32xf32, #tpu.memory_space<hbm>> -> memref<100001x32xf32, #tpu.memory_space<hbm>>
      tpu.enqueue_indirect_dma source(%dma_start3A_452 : memref<100001x32xf32, #tpu.memory_space<hbm>>) target(%arg14 : memref<128x32xf32, #tpu.memory_space<vmem>>) offsets(%arg6 : memref<128xi32, #tpu.memory_space<vmem>>) semaphore(%arg22 : memref<!tpu.dma_semaphore, #tpu.memory_space<semaphore_mem>>)
    } else {
    }
    %dma_wait3A_364 = arith.constant 0 : i32
    %dma_wait3A_365 = arith.constant 0 : i32
    %dma_wait3A_366 = tpu.memref_slice %arg3[%dma_wait3A_364, %dma_wait3A_365] : memref<100001x128xf32, #tpu.memory_space<hbm>> -> memref<100001x128xf32, #tpu.memory_space<hbm>>
    tpu.wait_indirect_dma semaphore(%arg20 : memref<!tpu.dma_semaphore, #tpu.memory_space<semaphore_mem>>) src(%dma_wait3A_366 : memref<100001x128xf32, #tpu.memory_space<hbm>>) dst(%arg12 : memref<128x128xf32, #tpu.memory_space<vmem>>)
    %dma_wait3A_367 = arith.constant 0 : i32
    %dma_wait3A_368 = arith.constant 0 : i32
    %dma_wait3A_369 = tpu.memref_slice %arg4[%dma_wait3A_367, %dma_wait3A_368] : memref<100001x32xf32, #tpu.memory_space<hbm>> -> memref<100001x32xf32, #tpu.memory_space<hbm>>
    tpu.wait_indirect_dma semaphore(%arg24 : memref<!tpu.dma_semaphore, #tpu.memory_space<semaphore_mem>>) src(%dma_wait3A_369 : memref<100001x32xf32, #tpu.memory_space<hbm>>) dst(%arg16 : memref<128x32xf32, #tpu.memory_space<vmem>>)
    %parallel_loop3A_370 = arith.constant 0 : i32
    %parallel_loop3A_371 = arith.constant 128 : i32
    %parallel_loop3A_372 = arith.constant 1 : i32
    scf.for %parallel_loop3A_443 = %parallel_loop3A_370 to %parallel_loop3A_371 step %parallel_loop3A_372  : i32 {
      %parallel_loop3A_444 = arith.index_cast %parallel_loop3A_443 : i32 to index
      %parallel_loop3A_445 = arith.constant 96 : index
      %parallel_loop3A_446 = tpu.vector_load %arg12[%parallel_loop3A_444, %parallel_loop3A_445] {strides = array<i32>} : memref<128x128xf32, #tpu.memory_space<vmem>>, vector<1x16xf32>,
      %parallel_loop3A_447 = vector.shape_cast %parallel_loop3A_446 : vector<1x16xf32> to vector<16xf32>
      %parallel_loop3A_448 = arith.index_cast %parallel_loop3A_443 : i32 to index
      %parallel_loop3A_449 = arith.constant 0 : index
      %parallel_loop3A_450 = tpu.vector_load %arg16[%parallel_loop3A_448, %parallel_loop3A_449] {strides = array<i32>} : memref<128x32xf32, #tpu.memory_space<vmem>>, vector<1x16xf32>,
      %parallel_loop3A_451 = vector.shape_cast %parallel_loop3A_450 : vector<1x16xf32> to vector<16xf32>
      %parallel_loop3A_452 = arith.addf %parallel_loop3A_447, %parallel_loop3A_451 : vector<16xf32>
      %parallel_loop3A_453 = arith.index_cast %parallel_loop3A_443 : i32 to index
      %parallel_loop3A_454 = arith.constant 96 : index
      %parallel_loop3A_455 = tpu.vector_load %arg12[%parallel_loop3A_453, %parallel_loop3A_454] {strides = array<i32>} : memref<128x128xf32, #tpu.memory_space<vmem>>, vector<1x16xf32>,
      %parallel_loop3A_456 = vector.shape_cast %parallel_loop3A_455 : vector<1x16xf32> to vector<16xf32>
      %parallel_loop3A_457 = vector.shape_cast %parallel_loop3A_452 : vector<16xf32> to vector<1x16xf32>
      tpu.vector_store %arg12[%parallel_loop3A_453, %parallel_loop3A_454], %parallel_loop3A_457 {strides = array<i32>} : memref<128x128xf32, #tpu.memory_space<vmem>>, vector<1x16xf32>,
      %parallel_loop3A_458 = arith.index_cast %parallel_loop3A_443 : i32 to index
      %parallel_loop3A_459 = arith.constant 112 : index
      %parallel_loop3A_460 = tpu.vector_load %arg12[%parallel_loop3A_458, %parallel_loop3A_459] {strides = array<i32>} : memref<128x128xf32, #tpu.memory_space<vmem>>, vector<1x16xf32>,
      %parallel_loop3A_461 = vector.shape_cast %parallel_loop3A_460 : vector<1x16xf32> to vector<16xf32>
      %parallel_loop3A_462 = arith.index_cast %parallel_loop3A_443 : i32 to index
      %parallel_loop3A_463 = arith.constant 16 : index
      %parallel_loop3A_464 = tpu.vector_load %arg16[%parallel_loop3A_462, %parallel_loop3A_463] {strides = array<i32>} : memref<128x32xf32, #tpu.memory_space<vmem>>, vector<1x16xf32>,
      %parallel_loop3A_465 = vector.shape_cast %parallel_loop3A_464 : vector<1x16xf32> to vector<16xf32>
      %parallel_loop3A_466 = arith.addf %parallel_loop3A_461, %parallel_loop3A_465 : vector<16xf32>
      %parallel_loop3A_467 = arith.index_cast %parallel_loop3A_443 : i32 to index
      %parallel_loop3A_468 = arith.constant 112 : index
      %parallel_loop3A_469 = tpu.vector_load %arg12[%parallel_loop3A_467, %parallel_loop3A_468] {strides = array<i32>} : memref<128x128xf32, #tpu.memory_space<vmem>>, vector<1x16xf32>,
      %parallel_loop3A_470 = vector.shape_cast %parallel_loop3A_469 : vector<1x16xf32> to vector<16xf32>
      %parallel_loop3A_471 = vector.shape_cast %parallel_loop3A_466 : vector<16xf32> to vector<1x16xf32>
      tpu.vector_store %arg12[%parallel_loop3A_467, %parallel_loop3A_468], %parallel_loop3A_471 {strides = array<i32>} : memref<128x128xf32, #tpu.memory_space<vmem>>, vector<1x16xf32>,
    } {sc.loop_unroll_factor = 8 : i64, sc.parallel_access}
    %add3A_373 = arith.constant 320 : i32
    %add3A_374 = arith.addi %add3A_373, %add3A : i32
    %mul3A_375 = arith.constant 128 : i32
    %mul3A_376 = arith.muli %add3A_374, %mul3A_375 : i32
    %dma_start3A_377 = arith.constant 0 : i32
    %dma_start3A_378 = tpu.memref_slice %arg5[%mul3A_376, %dma_start3A_377] : memref<51200x128xf32, #tpu.memory_space<hbm>> -> memref<128x128xf32, #tpu.memory_space<hbm>>
    %dma_start3A_379 = arith.constant 0 : i32
    %dma_start3A_380 = tpu.memref_slice %arg5[%mul3A_376, %dma_start3A_379] : memref<51200x128xf32, #tpu.memory_space<hbm>> -> memref<128x128xf32, #tpu.memory_space<hbm>>
    tpu.enqueue_dma source(%arg12 : memref<128x128xf32, #tpu.memory_space<vmem>>) target(%dma_start3A_380 : memref<128x128xf32, #tpu.memory_space<hbm>>) target_semaphore(%arg28 : memref<!tpu.dma_semaphore, #tpu.memory_space<semaphore_mem>>)
    %dma_wait3A_381 = arith.constant 0 : i32
    %dma_wait3A_382 = arith.constant 0 : i32
    %dma_wait3A_383 = tpu.memref_slice %arg3[%dma_wait3A_381, %dma_wait3A_382] : memref<100001x128xf32, #tpu.memory_space<hbm>> -> memref<100001x128xf32, #tpu.memory_space<hbm>>
    tpu.wait_indirect_dma semaphore(%arg21 : memref<!tpu.dma_semaphore, #tpu.memory_space<semaphore_mem>>) src(%dma_wait3A_383 : memref<100001x128xf32, #tpu.memory_space<hbm>>) dst(%arg13 : memref<128x128xf32, #tpu.memory_space<vmem>>)
    %dma_wait3A_384 = arith.constant 0 : i32
    %dma_wait3A_385 = arith.constant 0 : i32
    %dma_wait3A_386 = tpu.memref_slice %arg4[%dma_wait3A_384, %dma_wait3A_385] : memref<100001x32xf32, #tpu.memory_space<hbm>> -> memref<100001x32xf32, #tpu.memory_space<hbm>>
    tpu.wait_indirect_dma semaphore(%arg25 : memref<!tpu.dma_semaphore, #tpu.memory_space<semaphore_mem>>) src(%dma_wait3A_386 : memref<100001x32xf32, #tpu.memory_space<hbm>>) dst(%arg17 : memref<128x32xf32, #tpu.memory_space<vmem>>)
    %parallel_loop3A_387 = arith.constant 0 : i32
    %parallel_loop3A_388 = arith.constant 128 : i32
    %parallel_loop3A_389 = arith.constant 1 : i32
    scf.for %parallel_loop3A_443 = %parallel_loop3A_387 to %parallel_loop3A_388 step %parallel_loop3A_389  : i32 {
      %parallel_loop3A_444 = arith.index_cast %parallel_loop3A_443 : i32 to index
      %parallel_loop3A_445 = arith.constant 96 : index
      %parallel_loop3A_446 = tpu.vector_load %arg13[%parallel_loop3A_444, %parallel_loop3A_445] {strides = array<i32>} : memref<128x128xf32, #tpu.memory_space<vmem>>, vector<1x16xf32>,
      %parallel_loop3A_447 = vector.shape_cast %parallel_loop3A_446 : vector<1x16xf32> to vector<16xf32>
      %parallel_loop3A_448 = arith.index_cast %parallel_loop3A_443 : i32 to index
      %parallel_loop3A_449 = arith.constant 0 : index
      %parallel_loop3A_450 = tpu.vector_load %arg17[%parallel_loop3A_448, %parallel_loop3A_449] {strides = array<i32>} : memref<128x32xf32, #tpu.memory_space<vmem>>, vector<1x16xf32>,
      %parallel_loop3A_451 = vector.shape_cast %parallel_loop3A_450 : vector<1x16xf32> to vector<16xf32>
      %parallel_loop3A_452 = arith.addf %parallel_loop3A_447, %parallel_loop3A_451 : vector<16xf32>
      %parallel_loop3A_453 = arith.index_cast %parallel_loop3A_443 : i32 to index
      %parallel_loop3A_454 = arith.constant 96 : index
      %parallel_loop3A_455 = tpu.vector_load %arg13[%parallel_loop3A_453, %parallel_loop3A_454] {strides = array<i32>} : memref<128x128xf32, #tpu.memory_space<vmem>>, vector<1x16xf32>,
      %parallel_loop3A_456 = vector.shape_cast %parallel_loop3A_455 : vector<1x16xf32> to vector<16xf32>
      %parallel_loop3A_457 = vector.shape_cast %parallel_loop3A_452 : vector<16xf32> to vector<1x16xf32>
      tpu.vector_store %arg13[%parallel_loop3A_453, %parallel_loop3A_454], %parallel_loop3A_457 {strides = array<i32>} : memref<128x128xf32, #tpu.memory_space<vmem>>, vector<1x16xf32>,
      %parallel_loop3A_458 = arith.index_cast %parallel_loop3A_443 : i32 to index
      %parallel_loop3A_459 = arith.constant 112 : index
      %parallel_loop3A_460 = tpu.vector_load %arg13[%parallel_loop3A_458, %parallel_loop3A_459] {strides = array<i32>} : memref<128x128xf32, #tpu.memory_space<vmem>>, vector<1x16xf32>,
      %parallel_loop3A_461 = vector.shape_cast %parallel_loop3A_460 : vector<1x16xf32> to vector<16xf32>
      %parallel_loop3A_462 = arith.index_cast %parallel_loop3A_443 : i32 to index
      %parallel_loop3A_463 = arith.constant 16 : index
      %parallel_loop3A_464 = tpu.vector_load %arg17[%parallel_loop3A_462, %parallel_loop3A_463] {strides = array<i32>} : memref<128x32xf32, #tpu.memory_space<vmem>>, vector<1x16xf32>,
      %parallel_loop3A_465 = vector.shape_cast %parallel_loop3A_464 : vector<1x16xf32> to vector<16xf32>
      %parallel_loop3A_466 = arith.addf %parallel_loop3A_461, %parallel_loop3A_465 : vector<16xf32>
      %parallel_loop3A_467 = arith.index_cast %parallel_loop3A_443 : i32 to index
      %parallel_loop3A_468 = arith.constant 112 : index
      %parallel_loop3A_469 = tpu.vector_load %arg13[%parallel_loop3A_467, %parallel_loop3A_468] {strides = array<i32>} : memref<128x128xf32, #tpu.memory_space<vmem>>, vector<1x16xf32>,
      %parallel_loop3A_470 = vector.shape_cast %parallel_loop3A_469 : vector<1x16xf32> to vector<16xf32>
      %parallel_loop3A_471 = vector.shape_cast %parallel_loop3A_466 : vector<16xf32> to vector<1x16xf32>
      tpu.vector_store %arg13[%parallel_loop3A_467, %parallel_loop3A_468], %parallel_loop3A_471 {strides = array<i32>} : memref<128x128xf32, #tpu.memory_space<vmem>>, vector<1x16xf32>,
    } {sc.loop_unroll_factor = 8 : i64, sc.parallel_access}
    %add3A_390 = arith.constant 352 : i32
    %add3A_391 = arith.addi %add3A_390, %add3A : i32
    %mul3A_392 = arith.constant 128 : i32
    %mul3A_393 = arith.muli %add3A_391, %mul3A_392 : i32
    %dma_start3A_394 = arith.constant 0 : i32
    %dma_start3A_395 = tpu.memref_slice %arg5[%mul3A_393, %dma_start3A_394] : memref<51200x128xf32, #tpu.memory_space<hbm>> -> memref<128x128xf32, #tpu.memory_space<hbm>>
    %dma_start3A_396 = arith.constant 0 : i32
    %dma_start3A_397 = tpu.memref_slice %arg5[%mul3A_393, %dma_start3A_396] : memref<51200x128xf32, #tpu.memory_space<hbm>> -> memref<128x128xf32, #tpu.memory_space<hbm>>
    tpu.enqueue_dma source(%arg13 : memref<128x128xf32, #tpu.memory_space<vmem>>) target(%dma_start3A_397 : memref<128x128xf32, #tpu.memory_space<hbm>>) target_semaphore(%arg29 : memref<!tpu.dma_semaphore, #tpu.memory_space<semaphore_mem>>)
    %add3A_398 = arith.constant 384 : i32
    %add3A_399 = arith.addi %add3A_398, %add3A : i32
    %lt3A_400 = arith.constant 400 : i32
    %lt3A_401 = arith.cmpi slt, %add3A_399, %lt3A_400 : i32
    %convert_element_type3A_402 = arith.extui %lt3A_401 : i1 to i32
    %cond3A_403 = arith.constant 0 : i32
    %cond3A_404 = arith.cmpi ne, %convert_element_type3A_402, %cond3A_403 : i32
    scf.if %cond3A_404 {
      %dma_wait3A_443 = arith.constant 0 : i32
      %dma_wait3A_444 = arith.constant 0 : i32
      %dma_wait3A_445 = tpu.memref_slice %arg3[%dma_wait3A_443, %dma_wait3A_444] : memref<100001x128xf32, #tpu.memory_space<hbm>> -> memref<100001x128xf32, #tpu.memory_space<hbm>>
      tpu.wait_indirect_dma semaphore(%arg18 : memref<!tpu.dma_semaphore, #tpu.memory_space<semaphore_mem>>) src(%dma_wait3A_445 : memref<100001x128xf32, #tpu.memory_space<hbm>>) dst(%arg10 : memref<128x128xf32, #tpu.memory_space<vmem>>)
      %dma_wait3A_446 = arith.constant 0 : i32
      %dma_wait3A_447 = arith.constant 0 : i32
      %dma_wait3A_448 = tpu.memref_slice %arg4[%dma_wait3A_446, %dma_wait3A_447] : memref<100001x32xf32, #tpu.memory_space<hbm>> -> memref<100001x32xf32, #tpu.memory_space<hbm>>
      tpu.wait_indirect_dma semaphore(%arg22 : memref<!tpu.dma_semaphore, #tpu.memory_space<semaphore_mem>>) src(%dma_wait3A_448 : memref<100001x32xf32, #tpu.memory_space<hbm>>) dst(%arg14 : memref<128x32xf32, #tpu.memory_space<vmem>>)
    } else {
    }
    %add3A_405 = arith.constant 384 : i32
    %add3A_406 = arith.addi %add3A_405, %add3A : i32
    %lt3A_407 = arith.constant 400 : i32
    %lt3A_408 = arith.cmpi slt, %add3A_406, %lt3A_407 : i32
    %convert_element_type3A_409 = arith.extui %lt3A_408 : i1 to i32
    %cond3A_410 = arith.constant 0 : i32
    %cond3A_411 = arith.cmpi ne, %convert_element_type3A_409, %cond3A_410 : i32
    scf.if %cond3A_411 {
      %parallel_loop3A_443 = arith.constant 0 : i32
      %parallel_loop3A_444 = arith.constant 128 : i32
      %parallel_loop3A_445 = arith.constant 1 : i32
      scf.for %parallel_loop3A_454 = %parallel_loop3A_443 to %parallel_loop3A_444 step %parallel_loop3A_445  : i32 {
        %parallel_loop3A_455 = arith.index_cast %parallel_loop3A_454 : i32 to index
        %parallel_loop3A_456 = arith.constant 96 : index
        %parallel_loop3A_457 = tpu.vector_load %arg10[%parallel_loop3A_455, %parallel_loop3A_456] {strides = array<i32>} : memref<128x128xf32, #tpu.memory_space<vmem>>, vector<1x16xf32>,
        %parallel_loop3A_458 = vector.shape_cast %parallel_loop3A_457 : vector<1x16xf32> to vector<16xf32>
        %parallel_loop3A_459 = arith.index_cast %parallel_loop3A_454 : i32 to index
        %parallel_loop3A_460 = arith.constant 0 : index
        %parallel_loop3A_461 = tpu.vector_load %arg14[%parallel_loop3A_459, %parallel_loop3A_460] {strides = array<i32>} : memref<128x32xf32, #tpu.memory_space<vmem>>, vector<1x16xf32>,
        %parallel_loop3A_462 = vector.shape_cast %parallel_loop3A_461 : vector<1x16xf32> to vector<16xf32>
        %parallel_loop3A_463 = arith.addf %parallel_loop3A_458, %parallel_loop3A_462 : vector<16xf32>
        %parallel_loop3A_464 = arith.index_cast %parallel_loop3A_454 : i32 to index
        %parallel_loop3A_465 = arith.constant 96 : index
        %parallel_loop3A_466 = tpu.vector_load %arg10[%parallel_loop3A_464, %parallel_loop3A_465] {strides = array<i32>} : memref<128x128xf32, #tpu.memory_space<vmem>>, vector<1x16xf32>,
        %parallel_loop3A_467 = vector.shape_cast %parallel_loop3A_466 : vector<1x16xf32> to vector<16xf32>
        %parallel_loop3A_468 = vector.shape_cast %parallel_loop3A_463 : vector<16xf32> to vector<1x16xf32>
        tpu.vector_store %arg10[%parallel_loop3A_464, %parallel_loop3A_465], %parallel_loop3A_468 {strides = array<i32>} : memref<128x128xf32, #tpu.memory_space<vmem>>, vector<1x16xf32>,
        %parallel_loop3A_469 = arith.index_cast %parallel_loop3A_454 : i32 to index
        %parallel_loop3A_470 = arith.constant 112 : index
        %parallel_loop3A_471 = tpu.vector_load %arg10[%parallel_loop3A_469, %parallel_loop3A_470] {strides = array<i32>} : memref<128x128xf32, #tpu.memory_space<vmem>>, vector<1x16xf32>,
        %parallel_loop3A_472 = vector.shape_cast %parallel_loop3A_471 : vector<1x16xf32> to vector<16xf32>
        %parallel_loop3A_473 = arith.index_cast %parallel_loop3A_454 : i32 to index
        %parallel_loop3A_474 = arith.constant 16 : index
        %parallel_loop3A_475 = tpu.vector_load %arg14[%parallel_loop3A_473, %parallel_loop3A_474] {strides = array<i32>} : memref<128x32xf32, #tpu.memory_space<vmem>>, vector<1x16xf32>,
        %parallel_loop3A_476 = vector.shape_cast %parallel_loop3A_475 : vector<1x16xf32> to vector<16xf32>
        %parallel_loop3A_477 = arith.addf %parallel_loop3A_472, %parallel_loop3A_476 : vector<16xf32>
        %parallel_loop3A_478 = arith.index_cast %parallel_loop3A_454 : i32 to index
        %parallel_loop3A_479 = arith.constant 112 : index
        %parallel_loop3A_480 = tpu.vector_load %arg10[%parallel_loop3A_478, %parallel_loop3A_479] {strides = array<i32>} : memref<128x128xf32, #tpu.memory_space<vmem>>, vector<1x16xf32>,
        %parallel_loop3A_481 = vector.shape_cast %parallel_loop3A_480 : vector<1x16xf32> to vector<16xf32>
        %parallel_loop3A_482 = vector.shape_cast %parallel_loop3A_477 : vector<16xf32> to vector<1x16xf32>
        tpu.vector_store %arg10[%parallel_loop3A_478, %parallel_loop3A_479], %parallel_loop3A_482 {strides = array<i32>} : memref<128x128xf32, #tpu.memory_space<vmem>>, vector<1x16xf32>,
      } {sc.loop_unroll_factor = 8 : i64, sc.parallel_access}
      %add3A_446 = arith.constant 384 : i32
      %add3A_447 = arith.addi %add3A_446, %add3A : i32
      %mul3A_448 = arith.constant 128 : i32
      %mul3A_449 = arith.muli %add3A_447, %mul3A_448 : i32
      %dma_start3A_450 = arith.constant 0 : i32
      %dma_start3A_451 = tpu.memref_slice %arg5[%mul3A_449, %dma_start3A_450] : memref<51200x128xf32, #tpu.memory_space<hbm>> -> memref<128x128xf32, #tpu.memory_space<hbm>>
      %dma_start3A_452 = arith.constant 0 : i32
      %dma_start3A_453 = tpu.memref_slice %arg5[%mul3A_449, %dma_start3A_452] : memref<51200x128xf32, #tpu.memory_space<hbm>> -> memref<128x128xf32, #tpu.memory_space<hbm>>
      tpu.enqueue_dma source(%arg10 : memref<128x128xf32, #tpu.memory_space<vmem>>) target(%dma_start3A_453 : memref<128x128xf32, #tpu.memory_space<hbm>>) target_semaphore(%arg26 : memref<!tpu.dma_semaphore, #tpu.memory_space<semaphore_mem>>)
    } else {
    }
    %add3A_412 = arith.constant 288 : i32
    %add3A_413 = arith.addi %add3A_412, %add3A : i32
    %mul3A_414 = arith.constant 128 : i32
    %mul3A_415 = arith.muli %add3A_413, %mul3A_414 : i32
    %dma_wait3A_416 = arith.constant 0 : i32
    %dma_wait3A_417 = tpu.memref_slice %arg5[%mul3A_415, %dma_wait3A_416] : memref<51200x128xf32, #tpu.memory_space<hbm>> -> memref<128x128xf32, #tpu.memory_space<hbm>>
    %dma_wait3A_418 = arith.constant 0 : i32
    %dma_wait3A_419 = tpu.memref_slice %arg5[%mul3A_415, %dma_wait3A_418] : memref<51200x128xf32, #tpu.memory_space<hbm>> -> memref<128x128xf32, #tpu.memory_space<hbm>>
    tpu.wait_dma2 semaphore(%arg27 : memref<!tpu.dma_semaphore, #tpu.memory_space<semaphore_mem>>) src(%arg11 : memref<128x128xf32, #tpu.memory_space<vmem>>) dst(%dma_wait3A_419 : memref<128x128xf32, #tpu.memory_space<hbm>>)
    %add3A_420 = arith.constant 320 : i32
    %add3A_421 = arith.addi %add3A_420, %add3A : i32
    %mul3A_422 = arith.constant 128 : i32
    %mul3A_423 = arith.muli %add3A_421, %mul3A_422 : i32
    %dma_wait3A_424 = arith.constant 0 : i32
    %dma_wait3A_425 = tpu.memref_slice %arg5[%mul3A_423, %dma_wait3A_424] : memref<51200x128xf32, #tpu.memory_space<hbm>> -> memref<128x128xf32, #tpu.memory_space<hbm>>
    %dma_wait3A_426 = arith.constant 0 : i32
    %dma_wait3A_427 = tpu.memref_slice %arg5[%mul3A_423, %dma_wait3A_426] : memref<51200x128xf32, #tpu.memory_space<hbm>> -> memref<128x128xf32, #tpu.memory_space<hbm>>
    tpu.wait_dma2 semaphore(%arg28 : memref<!tpu.dma_semaphore, #tpu.memory_space<semaphore_mem>>) src(%arg12 : memref<128x128xf32, #tpu.memory_space<vmem>>) dst(%dma_wait3A_427 : memref<128x128xf32, #tpu.memory_space<hbm>>)
    %add3A_428 = arith.constant 352 : i32
    %add3A_429 = arith.addi %add3A_428, %add3A : i32
    %mul3A_430 = arith.constant 128 : i32
    %mul3A_431 = arith.muli %add3A_429, %mul3A_430 : i32
    %dma_wait3A_432 = arith.constant 0 : i32
    %dma_wait3A_433 = tpu.memref_slice %arg5[%mul3A_431, %dma_wait3A_432] : memref<51200x128xf32, #tpu.memory_space<hbm>> -> memref<128x128xf32, #tpu.memory_space<hbm>>
    %dma_wait3A_434 = arith.constant 0 : i32
    %dma_wait3A_435 = tpu.memref_slice %arg5[%mul3A_431, %dma_wait3A_434] : memref<51200x128xf32, #tpu.memory_space<hbm>> -> memref<128x128xf32, #tpu.memory_space<hbm>>
    tpu.wait_dma2 semaphore(%arg29 : memref<!tpu.dma_semaphore, #tpu.memory_space<semaphore_mem>>) src(%arg13 : memref<128x128xf32, #tpu.memory_space<vmem>>) dst(%dma_wait3A_435 : memref<128x128xf32, #tpu.memory_space<hbm>>)
    %add3A_436 = arith.constant 384 : i32
    %add3A_437 = arith.addi %add3A_436, %add3A : i32
    %lt3A_438 = arith.constant 400 : i32
    %lt3A_439 = arith.cmpi slt, %add3A_437, %lt3A_438 : i32
    %convert_element_type3A_440 = arith.extui %lt3A_439 : i1 to i32
    %cond3A_441 = arith.constant 0 : i32
    %cond3A_442 = arith.cmpi ne, %convert_element_type3A_440, %cond3A_441 : i32
    scf.if %cond3A_442 {
      %add3A_443 = arith.constant 384 : i32
      %add3A_444 = arith.addi %add3A_443, %add3A : i32
      %mul3A_445 = arith.constant 128 : i32
      %mul3A_446 = arith.muli %add3A_444, %mul3A_445 : i32
      %dma_wait3A_447 = arith.constant 0 : i32
      %dma_wait3A_448 = tpu.memref_slice %arg5[%mul3A_446, %dma_wait3A_447] : memref<51200x128xf32, #tpu.memory_space<hbm>> -> memref<128x128xf32, #tpu.memory_space<hbm>>
      %dma_wait3A_449 = arith.constant 0 : i32
      %dma_wait3A_450 = tpu.memref_slice %arg5[%mul3A_446, %dma_wait3A_449] : memref<51200x128xf32, #tpu.memory_space<hbm>> -> memref<128x128xf32, #tpu.memory_space<hbm>>
      tpu.wait_dma2 semaphore(%arg26 : memref<!tpu.dma_semaphore, #tpu.memory_space<semaphore_mem>>) src(%arg10 : memref<128x128xf32, #tpu.memory_space<vmem>>) dst(%dma_wait3A_450 : memref<128x128xf32, #tpu.memory_space<hbm>>)
    } else {
    }
    return
  }
}

</mosaic_0001>

<sc_bundles>
// kernel: kernel.3.cloned.1.call-start
scs
__scs_entry_jumppad:
0x0: {  	(pc) =	sbr.rel $0x88, $3  }
0x1: {  	(tag) =	ssettag $0x0;
	lr =	simm.s32 $0x1  }
0x2: {  	[smem:$0x3F9E] =	sst lr;
	_ =	strace $0xD0000000  }
0x3: {  	_ = 	snop  }
0x4: {  	_ = 	snop  }
0x5: {  	_ = 	snop  }
0x6: {  	_ = 	snop  }
0x7: {  	_ = 	snop  }
__scs_overlays_trampoline_lowered:
0x8: {  	[smem:$0x3FAD] =	sst s0  }
0x9: {  	[smem:$0x3FAE] =	sst s1  }
0xa: {  	[smem:$0x3FAF] =	sst s2  }
0xb: {  	[smem:$0x3FB0] =	sst s3  }
0xc: {  	[smem:$0x3FB1] =	sst s4  }
0xd: {  	[smem:$0x3FB2] =	sst s5  }
0xe: {  	[smem:$0x3FB3] =	sst s6  }
0xf: {  	[smem:$0x3FB4] =	sst s7  }
0x10: {  	[smem:$0x3FB5] =	sst s8  }
0x11: {  	[smem:$0x3FB6] =	sst s9;
	s0 =	simm.s32 @!p0 $0x0  }
0x12: {  	s1 =	sld [smem:$0x3F9C];
	s0 =	simm.s32 @p0 $0x1  }
0x13: {  	[smem:$0x3FB7] =	sst s0;
	s0 =	simm.s32 @!p1 $0x0  }
0x14: {  	s2 =	sld [smem:$0x3F9B];
	s0 =	simm.s32 @p1 $0x1  }
0x15: {  	[smem:$0x3FB8] =	sst s0;
	s0 =	simm.s32 @!p2 $0x0  }
0x16: {  	s3 =	sld [smem:$0x3FDB];
	s0 =	simm.s32 @p2 $0x1  }
0x17: {  	s4 =	simm.s32 $0x1BF5;
	[smem:$0x3FBA] =	sst s0  }
0x18: {  	s0 =	sld [smem:$0x3F9D];
	_ =	swait.ge [sflag:s4], $0x0  }
0x19: {  	s7 =	sld [smem:$0x3F9E]  }
0x1a: {  	s8 =	sadd.s32 $0xFFFFE003, lr  }
0x1b: {  	s9 =	sadd.s32 $0xFFFFFEF7, lr;
	s5 =	simm.s32 $0xFFFFFFFF;
	p2 =	slt.u32 s8, $0xFFFFF086  }
0x1c: {  	p1 =	slt.u32 s9, $0xF7A;
	s5 =	simm.s32 @!p2 $0x0  }
0x1d: {  	s5 =	simm.s32 @p1 $0x1;
	p0 =	seq.s32 s7, s2  }
0x1e: {  	s7 =	smul.u32 @!p0 $0xF7A, s2;
	p2 =	seq.s32 @!p0 s5, $0x0  }
0x1f: {  	s9 =	smul.u32 $0xF7A, s1;
	s8 =	simm.s32 @!p0 $0x1BF5;
	p2 =	por !p2, p0  }
0x20: {  	[sflag:s8] =	ssyncset.s32 @!p0 $0xFFFFF086;
	s6 =	sadd.s32 @!p0 s3, s7;
	s7 =	simm.s32 @!p0 $0x108  }
0x21: {  	s3 =	sadd.s32 s3, s9;
	s6 =	sadd.s32 @!p0 $0x88, s6;
	s7 =	simm.s32 @p2 $0x1082  }
0x22: {  	[simem:s7], [sflag:s8] =	dma.local @!p0 [hbm:s6], $0xF7A  }
0x23: {  	s9 =	sor.u32 $0xD0000000, s2;
	s6 =	simm.s32 $0x108;
	_ =	swait.ge @!p0 [sflag:s8], $0x0  }
0x24: {  	s3 =	sadd.s32 $0x88, s3;
	s6 =	simm.s32 @!p1 $0x1082;
	[sflag:s4] =	ssyncset.s32 $0xFFFFF086  }
0x25: {  	[simem:s6], [sflag:s4] =	dma.local [hbm:s3], $0xF7A  }
0x26: {  	[smem:$0x3F9E] =	sst s1;
	(tag) =	ssettag s2;
	_ =	strace s9  }
0x27: {  	s1 =	sld [smem:$0x3FAE]  }
0x28: {  	s2 =	sld [smem:$0x3FAF]  }
0x29: {  	s4 =	sld [smem:$0x3FB1]  }
0x2a: {  	p0 =	seq.s32 s5, $0x0;
	s5 =	sld [smem:$0x3FB2]  }
0x2b: {  	s6 =	sld [smem:$0x3FB3]  }
0x2c: {  	s7 =	sld [smem:$0x3FB4]  }
0x2d: {  	s3 =	simm.s32 $0x108;
	s8 =	sld [smem:$0x3FB5]  }
0x2e: {  	s3 =	simm.s32 @!p0 $0x1082;
	s9 =	sld [smem:$0x3FB6]  }
0x2f: {  	lr =	sadd.s32 s0, s3;
	s0 =	sld [smem:$0x3FAD]  }
0x30: {  	s3 =	sld [smem:$0x3FB0]  }
0x31: {  	[smem:$0x3FB9] =	sst s10  }
0x32: {  	s10 =	sld [smem:$0x3FB7];
	_ =	sdelay $0x3  }
0x33: {  	p0 =	seq.s32 s10, $0x1;
	s10 =	sld [smem:$0x3FB9];
	_ =	sdelay $0x3  }
0x34: {  	[smem:$0x3FB9] =	sst s10  }
0x35: {  	s10 =	sld [smem:$0x3FB8];
	_ =	sdelay $0x3  }
0x36: {  	p1 =	seq.s32 s10, $0x1;
	s10 =	sld [smem:$0x3FB9];
	_ =	sdelay $0x3  }
0x37: {  	[smem:$0x3FB9] =	sst s10  }
0x38: {  	s10 =	sld [smem:$0x3FBA]  }
0x39: {  	_ = 	snop;
	(pc) =	sbr.ind lr, $3  }
0x3a: {  	_ = 	snop  }
0x3b: {  	_ = 	snop  }
0x3c: {  	p2 =	seq.s32 s10, $0x1;
	s10 =	sld [smem:$0x3FB9]  }
0x3d: {  	_ =	shalt  }
0x3e: {  	_ =	shalt  }
0x3f: {  	_ =	shalt  }
0x40: {  	_ =	shalt  }
0x41: {  	_ =	shalt  }
0x42: {  	_ =	shalt  }
0x43: {  	_ =	shalt  }
0x44: {  	_ =	shalt  }
0x45: {  	_ =	shalt  }
0x46: {  	_ =	shalt  }
0x47: {  	_ =	shalt  }
0x48: {  	_ =	shalt  }
0x49: {  	_ =	shalt  }
0x4a: {  	_ =	shalt  }
0x4b: {  	_ =	shalt  }
0x4c: {  	_ =	shalt  }
0x4d: {  	_ =	shalt  }
0x4e: {  	_ =	shalt  }
0x4f: {  	_ =	shalt  }
0x50: {  	_ =	shalt  }
0x51: {  	_ =	shalt  }
0x52: {  	_ =	shalt  }
0x53: {  	_ =	shalt  }
0x54: {  	_ =	shalt  }
0x55: {  	_ =	shalt  }
0x56: {  	_ =	shalt  }
0x57: {  	_ =	shalt  }
0x58: {  	_ =	shalt  }
0x59: {  	_ =	shalt  }
0x5a: {  	_ =	shalt  }
0x5b: {  	_ =	shalt  }
0x5c: {  	_ =	shalt  }
0x5d: {  	_ =	shalt  }
0x5e: {  	_ =	shalt  }
0x5f: {  	_ =	shalt  }
0x60: {  	_ =	shalt  }
0x61: {  	_ =	shalt  }
0x62: {  	_ =	shalt  }
0x63: {  	_ =	shalt  }
0x64: {  	_ =	shalt  }
0x65: {  	_ =	shalt  }
0x66: {  	_ =	shalt  }
0x67: {  	_ =	shalt  }
0x68: {  	_ =	shalt  }
0x69: {  	_ =	shalt  }
0x6a: {  	_ =	shalt  }
0x6b: {  	_ =	shalt  }
0x6c: {  	_ =	shalt  }
0x6d: {  	_ =	shalt  }
0x6e: {  	_ =	shalt  }
0x6f: {  	_ =	shalt  }
0x70: {  	_ =	shalt  }
0x71: {  	_ =	shalt  }
0x72: {  	_ =	shalt  }
0x73: {  	_ =	shalt  }
0x74: {  	_ =	shalt  }
0x75: {  	_ =	shalt  }
0x76: {  	_ =	shalt  }
0x77: {  	_ =	shalt  }
0x78: {  	_ =	shalt  }
0x79: {  	_ =	shalt  }
0x7a: {  	_ =	shalt  }
0x7b: {  	_ =	shalt  }
0x7c: {  	_ =	shalt  }
0x7d: {  	_ =	shalt  }
0x7e: {  	_ =	shalt  }
0x7f: {  	_ =	shalt  }
0x80: {  	_ =	shalt  }
0x81: {  	_ =	shalt  }
0x82: {  	_ =	shalt  }
0x83: {  	_ =	shalt  }
0x84: {  	_ =	shalt  }
0x85: {  	_ =	shalt  }
0x86: {  	_ =	shalt  }
0x87: {  	_ =	shalt  }
.Lfunc_end0:
.L_simem_size_0:
called_computation_lowered:
.L_overlay_start_0:
0x88: {  	s2 =	sld [smem:$0x3FD9]  }
0x89: {  	s3 =	sld [smem:$0x3FFE];
	_ =	sdelay $0x1  }
0x8a: {  	s1 =	srdreg.scid  }
0x8b: {  	s0 =	sand.u32 $0x1, s1  }
0x8c: {  	s17 =	sshll.u32 s0, $0xA;
	s2 =	sadd.s32 s3, s2  }
0x8d: {  	s2 =	sadd.s32 s2, s17  }
0x8e: {  	[smem:$0x3FC5] =	sst s2  }
0x8f: {  	_ = 	snop  }
0x90: {  	s2 =	sld [smem:$0x3FC8]  }
0x91: {  	s18 =	sld [smem:$0x3FD0];
	(tm) =	ssettm $0x1  }
0x92: {  	s4 =	sld [smem:$0x3FFB];
	_ =	sdelay $0x3  }
0x93: {  	_ =	strace s4  }
0x94: {  	s4 =	sld [smem:$0x3FFC];
	_ =	sdelay $0x3  }
0x95: {  	_ =	strace s4  }
0x96: {  	s4 =	sld [smem:$0x3FFD];
	_ =	sdelay $0x3  }
0x97: {  	_ =	strace s4  }
0x98: {  	_ =	strace $0x8FFFFFFF  }
0x99: {  	s19 =	sld [smem:$0x3FDB];
	_ =	sdelay $0x1  }
0x9a: {  	s5 =	simm.s32 $_scs_section_size  }
0x9b: {  	s6 =	simm.s32 $_size__tile_overlayer_lowered;
	s7 =	simm.s32 $_tile_overlayer_lowered  }
0x9c: {  	s22 =	simm.s32 $0x1BFF;
	s21 =	sshll.u32 s7, $0x1;
	s4 =	sadd.s32 s5, s19  }
0x9d: {  	s8 =	simm.s32 $0x0;
	s20 =	sshll.u32 s6, $0x1;
	s6 =	sadd.s32 s21, s4  }
0x9e: {  	[timem:s8], [sflag:s22] =	dma.local [hbm:s6], s20  }
0x9f: {  	_ =	swait.ge [sflag:s22], s20  }
0xa0: {  	s5 =	ssub.s32 $0x0, s20;
	[sflag:s22] =	ssyncset.done $0x0  }
0xa1: {  	[sflag:s22] =	ssyncadd.s32 s5;
	_ =	sdelay $0x1  }
0xa2: {  	s23 =	simm.s32 $0x1B8B  }
0xa3: {  	_ =	swait.ge [sflag:s23], $0x1  }
0xa4: {  	[sflag:s23] =	ssyncset.done $0x0  }
0xa5: {  	s25 =	simm.s32 $0x1B8E;
	s24 =	sld [smem:$0x3FFE];
	[sflag:s23] =	ssyncadd.s32 $0xFFFFFFFF  }
0xa6: {  	s26 =	simm.s32 $execute0_lowered;
	[smem:$0x3FD2] =	sst s25  }
0xa7: {  	s6 =	sshll.u32 s26, $0x1;
	_ =	strace $0x80000046;
	[dreg:$0x1] =	wrdreg $0xFFFFFFFF  }
0xa8: {  	s28 =	simm.s32 $_size_execute0_lowered;
	s4 =	sadd.s32 s4, s6;
	[dreg:$0x0] =	wrdreg $0x0  }
0xa9: {  	s6 =	sshll.u32 s28, $0x1;
	[dreg:$0x2] =	wrdreg s4  }
0xaa: {  	[dreg:$0x3] =	wrdreg s6  }
0xab: {  	[dreg:$0x4] =	wrdreg $0xC0  }
0xac: {  	_ =	task [dreg:s8], $0x5FFFF  }
0xad: {  	[dreg:$0x1] =	wrdreg $0xFFFFFFFF  }
0xae: {  	[dreg:$0x0] =	wrdreg $0x60  }
0xaf: {  	[dreg:$0x2] =	wrdreg s24  }
0xb0: {  	[dreg:$0x3] =	wrdreg s2  }
0xb1: {  	[dreg:$0x4] =	wrdreg s18  }
0xb2: {  	[dreg:$0x5] =	wrdreg $0x9  }
0xb3: {  	_ =	task.clear_ibuf [dreg:s8], $0x6FFFF;
	_ =	strace $0x90000046  }
0xb4: {  	s29 =	simm.s32 $0x9;
	_ =	strace $0x80000048  }
0xb5: {  	_ =	swait.ge [sflag:s29], $0x1  }
0xb6: {  	[sflag:s29] =	ssyncadd.s32 $0xFFFFFFFF  }
0xb7: {  	_ =	strace $0x90000048  }
0xb8: {  	_ =	sfence  }
0xb9: {  	s30 =	sld [smem:$0x0];
	_ =	sdelay $0x2  }
0xba: {  	s31 =	sshll.u32 s1, $0xD;
	s1 =	sshrl.u32 s1, $0x2  }
0xbb: {  	s3 =	sand.u32 $0x4000, s31;
	s1 =	sadd.s32 s1, s30  }
0xbc: {  	s0 =	sor.u32 s3, s0;
	s1 =	sshll.u32 s1, $0x11  }
0xbd: {  	s0 =	sor.u32 s1, s0  }
0xbe: {  	s0 =	sadd.s32 $0x8F2B, s0  }
0xbf: {  	[sflag:s0] =	ssyncadd.remote.s32 $0x1  }
0xc0: {  	_ =	sfence.sel $0xFFFF  }
0xc1: {  	[dreg:$0x0] =	wrdreg $0xFFFFFFFF;
	(pc) =	sbr.abs _section_cstart, $3  }
0xc2: {  	[dreg:$0x1] =	wrdreg $0xFFFFFFFF  }
0xc3: {  	_ =	task.clear_ibuf [dreg:s8], $0x2FFFF;
	_ =	strace $0x9FFFFFFF  }
0xc4: {  	(tm) =	ssettm $0x7FFFFFFF  }
0xc5: {  	_ =	shalt  }
tec
execute0_lowered:
.L_overlay_start_1:
0x0: {  	(tag) =	ssettag $0x1  }
0x1: {  	s0 =	srdreg.scid  }
0x2: {  	s19 =	stileid.u32;
	s28 =	rddreg [dreg:$0x1]  }
0x3: {  	s30 =	simm.s32 $0x80;
	s1 =	sand.u32 $0x1, s0;
	s2 =	sshll.u32 s19, $0x1  }
0x4: {  	s0 =	rddreg [dreg:$0x0];
	p0 =	sgt.u32 s19, $0x7;
	s19 =	simm.s32 $0xA  }
0x5: {  	s3 =	ssub.s32 $0x2, s1;
	s2 =	sor.u32 s1, s2;
	s4 =	sadd.s32 $0x600, s0  }
0x6: {  	s31 =	sadd.s32 $0x187200, s0;
	s0 =	simm.s32 $0xD;
	s24 =	sshrl.u32 s3, $0x1  }
0x7: {  	s5 =	sshll.u32 s2, $0x4;
	s26 =	sshll.u32 s2, $0x7;
	s1 =	ssub.s32 s3, s24  }
0x8: {  	s25 =	sadd.s32 s4, s5;
	s29 =	sor.u32 $0x1000, s26;
	s6 =	sor.u32 $0x2000, s26  }
0x9: {  	s7 =	sor.u32 $0x3000, s26;
	s20 =	sor.u32 $0x7000, s26;
	s21 =	sor.u32 $0x8000, s26  }
0xa: {  	s24 =	sor.u32 $0xA000, s26;
	s3 =	sor.u32 $0xB000, s26;
	[dreg:$0x4] =	wrdreg s25  }
0xb: {  	s8 =	sshrl.u32 s29, $0x3;
	s9 =	sshrl.u32 s6, $0x3;
	s10 =	sshrl.u32 s7, $0x3  }
0xc: {  	s14 =	sshrl.u32 s20, $0x3;
	s25 =	sshrl.u32 s24, $0x3;
	s29 =	sshll.u32 s29, $0x4  }
0xd: {  	s5 =	sshll.u32 s6, $0x4;
	s6 =	sshll.u32 s7, $0x4;
	s20 =	sshll.u32 s20, $0x4  }
0xe: {  	s24 =	sshll.u32 s24, $0x4;
	s8 =	sadd.s32 s4, s8;
	s15 =	sadd.s32 s4, s9  }
0xf: {  	s16 =	sadd.s32 s4, s10;
	s9 =	sor.u32 $0x5000, s26;
	[dreg:$0x5] =	wrdreg s8  }
0x10: {  	s10 =	sor.u32 $0x6000, s26;
	s14 =	sadd.s32 s4, s14;
	[dreg:$0x6] =	wrdreg s15  }
0x11: {  	[dreg:$0x7] =	wrdreg s16;
	s8 =	sor.u32 $0x4000, s26;
	s12 =	sshrl.u32 s9, $0x3  }
0x12: {  	s13 =	sshrl.u32 s10, $0x3;
	s15 =	sshrl.u32 s21, $0x3;
	[dreg:$0xb] =	wrdreg s14  }
0x13: {  	s14 =	sadd.s32 s4, s25;
	s9 =	sshll.u32 s9, $0x4;
	s21 =	sshll.u32 s21, $0x4  }
0x14: {  	s25 =	sshll.u32 s3, $0x4;
	s11 =	sshrl.u32 s8, $0x3;
	s17 =	sadd.s32 s4, s12  }
0x15: {  	s18 =	sadd.s32 s4, s13;
	s13 =	sor.u32 $0x9000, s26;
	[dreg:$0xe] =	wrdreg s14  }
0x16: {  	s22 =	sadd.s32 s4, s15;
	s14 =	simm.s32 $0x0;
	[dreg:$0x9] =	wrdreg s17  }
0x17: {  	s8 =	sshll.u32 s8, $0x4;
	s12 =	simm.s32 $0x13200;
	[dreg:$0xa] =	wrdreg s18  }
0x18: {  	s15 =	simm.s32 $0x6;
	s11 =	sadd.s32 s4, s11;
	[dreg:$0xc] =	wrdreg s22  }
0x19: {  	s16 =	sshrl.u32 s13, $0x3;
	s17 =	sshrl.u32 s3, $0x3;
	[smem:$0x7FF] =	sst s14  }
0x1a: {  	s22 =	sshll.u32 s13, $0x4;
	s3 =	simm.s32 $0x4200;
	s13 =	simm.s32 $0x2  }
0x1b: {  	[dreg:$0x8] =	wrdreg s11;
	s23 =	sadd.s32 s4, s16;
	s16 =	sor.u32 $0x180, s2  }
0x1c: {  	s26 =	sadd.s32 s4, s17;
	[dreg:$0xd] =	wrdreg s23;
	s18 =	sshll.u32 s16, $0x4  }
0x1d: {  	s2 =	sshll.u32 s2, $0xB;
	[dreg:$0xf] =	wrdreg s26;
	s4 =	sadd.s32 s4, s18  }
0x1e: {  	s17 =	sshll.u32 s10, $0x4;
	s10 =	simm.s32 $0x180;
	[dreg:$0x10] =	wrdreg s4  }
0x1f: {  	s11 =	simm.s32 $0xC200;
	s26 =	sshll.u32 s16, $0xB;
	s4 =	rddreg [dreg:$0x2]  }
0x20: {  	s16 =	simm.s32 $0x9;
	s2 =	sadd.s32 s4, s2;
	s7 =	sadd.s32 s4, s6  }
0x21: {  	s18 =	sadd.s32 s4, s17;
	s23 =	sadd.s32 s4, s22;
	[dreg:$0x11] =	wrdreg s2  }
0x22: {  	s6 =	simm.s32 $0x8200;
	s17 =	simm.s32 $0x3;
	[dreg:$0x14] =	wrdreg s7  }
0x23: {  	s22 =	simm.s32 $0xB;
	s2 =	sadd.s32 s4, s29;
	[dreg:$0x17] =	wrdreg s18  }
0x24: {  	[dreg:$0x1a] =	wrdreg s23;
	s29 =	smax.u32 s1, $0x1;
	s1 =	simm.s32 $0x200  }
0x25: {  	s7 =	simm.s32 $0x12200;
	[dreg:$0x12] =	wrdreg s2;
	s2 =	sadd.s32 s4, s5  }
0x26: {  	s18 =	simm.s32 $0x7;
	[dreg:$0x13] =	wrdreg s2;
	s2 =	sadd.s32 s4, s8  }
0x27: {  	s23 =	simm.s32 $0xC;
	[dreg:$0x15] =	wrdreg s2;
	s2 =	sadd.s32 s4, s9  }
0x28: {  	s5 =	simm.s32 $0x100;
	[dreg:$0x16] =	wrdreg s2;
	s2 =	sadd.s32 s4, s20  }
0x29: {  	s8 =	simm.s32 $0x1;
	[dreg:$0x18] =	wrdreg s2;
	s2 =	sadd.s32 s4, s21  }
.Ltmp0:
0x2a: {  	[dreg:$0x19] =	wrdreg s2;
	s2 =	sadd.s32 s4, s24;
	(pc) =	sbr.rel .LBB2_1-.Ltmp0, $4  }
0x2b: {  	s9 =	simm.s32 $0x5;
	[dreg:$0x1b] =	wrdreg s2;
	s2 =	sadd.s32 s4, s25  }
0x2c: {  	s20 =	simm.s32 $0x4;
	[dreg:$0x1c] =	wrdreg s2;
	s2 =	sadd.s32 s4, s26  }
0x2d: {  	s21 =	simm.s32 $0x8;
	s24 =	simm.s32 $0x0;
	[dreg:$0x1d] =	wrdreg s2  }
0x2e: {  	s4 =	simm.s32 $0x11200;
	_ =	strace $0x80000047;
	[dreg:$0x1e] =	wrdreg s29  }
.LBB2_26:
0x2f: {  	s2 =	simm.s32 $0xC;
	s25 =	simm.s32 $0xB;
	s26 =	simm.s32 $0xA  }
.LBB2_30:
0x30: {  	_ =	swait.ge [sflag:s26], $0x4000  }
0x31: {  	[sflag:s26] =	ssyncset.done $0x0  }
0x32: {  	[sflag:s26] =	ssyncadd.s32 $0xFFFFC000  }
0x33: {  	_ =	swait.ge [sflag:s25], $0x4000  }
0x34: {  	[sflag:s25] =	ssyncset.done $0x0  }
0x35: {  	[sflag:s25] =	ssyncadd.s32 $0xFFFFC000  }
0x36: {  	_ =	swait.ge [sflag:s2], $0x4000  }
0x37: {  	s24 =	sadd.s32 $0x1, s24;
	s29 =	rddreg [dreg:$0x1e]  }
0x38: {  	p1 =	sne.s32 s24, s29  }
.Ltmp1:
0x39: {  	_ = 	snop;
	(pc) =	sbr.rel @!p1 .LBB2_31-.Ltmp1, $3  }
0x3a: {  	_ =	sdelay $0x1  }
0x3b: {  	[sflag:s2] =	ssyncset.done $0x0  }
0x3c: {  	[sflag:s2] =	ssyncadd.s32 $0xFFFFC000  }
.LBB2_1:
0x3d: {  	s2 =	rddreg [dreg:$0x4]  }
0x3e: {  	[tilespmem:s14], [sflag:$0xD] =	stream.linear.gather [hbm4b:s2+s14], $0x80, $0x38;
	[tilespmem:$0x14200] =	vst v63  }
0x3f: {  	_ =	swait.ge [sflag:s0], $0x80  }
0x40: {  	[sflag:s0] =	ssyncset.done $0x0  }
0x41: {  	[sflag:s0] =	ssyncadd.s32 $0xFFFFFF80  }
0x42: {  	[tilespmem:s1], [sflag:$0x1] =	stream.indirect.gather [hbm4b:s28+s30], $0x80, s14, s30, $0xb8;
	[tilespmem:$0x14200] =	vst v63  }
0x43: {  	s26 =	simm.s32 $0x10200  }
0x44: {  	[tilespmem:s26], [sflag:$0x5] =	stream.indirect.gather [hbm4b:s31+s30], $0x20, s14, s30, $0xb8;
	[tilespmem:$0x14200] =	vst v63  }
0x45: {  	s25 =	rddreg [dreg:$0x5]  }
0x46: {  	[tilespmem:s30], [sflag:$0xD] =	stream.linear.gather [hbm4b:s25+s14], $0x80, $0x38;
	[tilespmem:$0x14200] =	vst v63  }
0x47: {  	_ =	swait.ge [sflag:s0], $0x80  }
0x48: {  	[sflag:s0] =	ssyncset.done $0x0  }
0x49: {  	[sflag:s0] =	ssyncadd.s32 $0xFFFFFF80  }
0x4a: {  	[tilespmem:s3], [sflag:$0x2] =	stream.indirect.gather [hbm4b:s28+s30], $0x80, s30, s30, $0xb8;
	[tilespmem:$0x14200] =	vst v63  }
0x4b: {  	_ = 	snop  }
0x4c: {  	[tilespmem:s4], [sflag:$0x6] =	stream.indirect.gather [hbm4b:s31+s30], $0x20, s30, s30, $0xb8;
	[tilespmem:$0x14200] =	vst v63  }
0x4d: {  	s26 =	rddreg [dreg:$0x6]  }
0x4e: {  	[tilespmem:s5], [sflag:$0xD] =	stream.linear.gather [hbm4b:s26+s14], $0x80, $0x38;
	[tilespmem:$0x14200] =	vst v63  }
0x4f: {  	_ =	swait.ge [sflag:s0], $0x80  }
0x50: {  	[sflag:s0] =	ssyncset.done $0x0  }
0x51: {  	[sflag:s0] =	ssyncadd.s32 $0xFFFFFF80  }
0x52: {  	[tilespmem:s6], [sflag:$0x3] =	stream.indirect.gather [hbm4b:s28+s30], $0x80, s5, s30, $0xb8;
	[tilespmem:$0x14200] =	vst v63  }
0x53: {  	_ = 	snop  }
0x54: {  	[tilespmem:s7], [sflag:$0x7] =	stream.indirect.gather [hbm4b:s31+s30], $0x20, s5, s30, $0xb8;
	[tilespmem:$0x14200] =	vst v63  }
0x55: {  	_ =	swait.ge [sflag:s8], $0x4000  }
0x56: {  	[sflag:s8] =	ssyncset.done $0x0  }
0x57: {  	[sflag:s8] =	ssyncadd.s32 $0xFFFFC000  }
0x58: {  	_ =	swait.ge [sflag:s9], $0x1000  }
0x59: {  	[sflag:s9] =	ssyncset.done $0x0  }
0x5a: {  	s26 =	simm.s32 $0x460;
	[sflag:s9] =	ssyncadd.s32 $0xFFFFF000  }
0x5b: {  	s29 =	simm.s32 $0x10280;
	v0 =	vld [tilespmem:s26+$0x180]  }
0x5c: {  	v1 =	vld [tilespmem:s29+$0x60]  }
0x5d: {  	v4 =	vld [tilespmem:s29+$0xFFFFFF80]  }
0x5e: {  	v2 =	vld [tilespmem:s26+$0xFFFFFE80]  }
0x5f: {  	v3 =	vld [tilespmem:s29+$0xFFFFFFA0]  }
0x60: {  	v5 =	vld [tilespmem:s26+$0xFFFFFF00]  }
0x61: {  	v6 =	vld [tilespmem:s26+$0xFFFFFF80]  }
0x62: {  	v7 =	vld [tilespmem:s26+$0x190]  }
0x63: {  	v8 =	vld [tilespmem:s26+$0x0]  }
0x64: {  	v9 =	vld [tilespmem:s29+$0x0]  }
0x65: {  	v11 =	vld [tilespmem:s26+$0x80];
	v0 =	vadd.f32 v1, v0  }
0x66: {  	v12 =	vld [tilespmem:s29+$0x20]  }
0x67: {  	[tilespmem:s26+$0x180] =	vst v0;
	v0 =	vld [tilespmem:s29+$0xFFFFFFE0]  }
0x68: {  	v1 =	vld [tilespmem:s29+$0xFFFFFFC0]  }
0x69: {  	v13 =	vld [tilespmem:s26+$0x100]  }
0x6a: {  	v63 =	vld [tilespmem:s26+$0xFFFFFE90];
	v2 =	vadd.f32 v3, v2  }
0x6b: {  	v10 =	vld [tilespmem:s29+$0x70]  }
0x6c: {  	[tilespmem:s26+$0xFFFFFE80] =	vst v2;
	v0 =	vadd.f32 v0, v6;
	v6 =	vld [tilespmem:s26+$0xFFFFFE00]  }
0x6d: {  	v14 =	vld [tilespmem:s29+$0xFFFFFFB0];
	v1 =	vadd.f32 v1, v5  }
0x6e: {  	v5 =	vld [tilespmem:s29+$0x40]  }
0x6f: {  	[tilespmem:s26+$0xFFFFFF00] =	vst v1;
	v1 =	vadd.f32 v9, v8;
	v8 =	vadd.f32 v12, v11;
	v11 =	vld [tilespmem:s26+$0xFFFFFE10]  }
0x70: {  	v9 =	vld [tilespmem:s26+$0xFFFFFF10]  }
0x71: {  	v3 =	vld [tilespmem:s29+$0xFFFFFFD0];
	[tilespmem:s26+$0xFFFFFF80] =	vst v0;
	v4 =	vadd.f32 v4, v6  }
0x72: {  	[tilespmem:s26+$0x80] =	vst v8;
	v8 =	vld [tilespmem:s26+$0xFFFFFF90]  }
0x73: {  	v2 =	vld [tilespmem:s29+$0xFFFFFFF0];
	[tilespmem:s26+$0xFFFFFE00] =	vst v4  }
0x74: {  	[tilespmem:s26+$0x0] =	vst v1;
	v62 =	vld [tilespmem:s29+$0xFFFFFF90]  }
0x75: {  	v7 =	vadd.f32 v10, v7;
	v0 =	vld [tilespmem:s29+$0x10]  }
0x76: {  	v1 =	vld [tilespmem:s29+$0x30]  }
0x77: {  	v5 =	vadd.f32 v5, v13;
	[tilespmem:s26+$0x190] =	vst v7;
	v7 =	vld [tilespmem:s26+$0x110]  }
0x78: {  	v6 =	vld [tilespmem:s26+$0x10]  }
0x79: {  	[tilespmem:s26+$0x100] =	vst v5;
	v5 =	vld [tilespmem:s26+$0x90];
	v11 =	vadd.f32 v62, v11  }
0x7a: {  	s2 =	simm.s32 $0x860;
	s25 =	simm.s32 $0x0;
	v10 =	vadd.f32 v14, v63;
	v4 =	vld [tilespmem:s29+$0x50]  }
.LBB2_2:
0x7b: {  	v12 =	vld [tilespmem:s2+$0x180];
	[tilespmem:s26+$0xFFFFFE10] =	vst v11;
	v3 =	vadd.f32 v3, v9;
	s29 =	sadd.s32 $0x100, s29  }
0x7c: {  	s25 =	sadd.s32 $0x8, s25;
	v9 =	vld [tilespmem:s29+$0x60];
	[tilespmem:s26+$0xFFFFFE90] =	vst v10;
	v2 =	vadd.f32 v2, v8  }
0x7d: {  	p1 =	slt.u32 s25, $0x78;
	v8 =	vld [tilespmem:s29+$0xFFFFFF80];
	[tilespmem:s26+$0xFFFFFF10] =	vst v3;
	v0 =	vadd.f32 v0, v6  }
0x7e: {  	v3 =	vld [tilespmem:s2+$0xFFFFFE80];
	[tilespmem:s26+$0xFFFFFF90] =	vst v2;
	v1 =	vadd.f32 v1, v5  }
0x7f: {  	v2 =	vld [tilespmem:s29+$0xFFFFFFA0];
	[tilespmem:s26+$0x10] =	vst v0;
	v0 =	vadd.f32 v4, v7  }
0x80: {  	v4 =	vld [tilespmem:s2+$0xFFFFFF00];
	[tilespmem:s26+$0x90] =	vst v1  }
0x81: {  	v1 =	vld [tilespmem:s29+$0xFFFFFFC0];
	v5 =	vadd.f32 v9, v12;
	[tilespmem:s26+$0x110] =	vst v0;
	s26 =	smov.u32 s2  }
0x82: {  	v0 =	vld [tilespmem:s2+$0xFFFFFF80]  }
0x83: {  	[tilespmem:s2+$0x180] =	vst v5;
	v5 =	vld [tilespmem:s2+$0x190]  }
0x84: {  	v2 =	vadd.f32 v2, v3;
	v3 =	vld [tilespmem:s29+$0x70]  }
0x85: {  	v6 =	vld [tilespmem:s29+$0xFFFFFFE0]  }
0x86: {  	[tilespmem:s2+$0xFFFFFE80] =	vst v2;
	v1 =	vadd.f32 v1, v4;
	v2 =	vld [tilespmem:s2+$0x0]  }
0x87: {  	v4 =	vld [tilespmem:s29+$0x0]  }
0x88: {  	[tilespmem:s2+$0xFFFFFF00] =	vst v1;
	v1 =	vld [tilespmem:s2+$0x80]  }
0x89: {  	v7 =	vld [tilespmem:s29+$0x20];
	v3 =	vadd.f32 v3, v5  }
0x8a: {  	v0 =	vadd.f32 v6, v0;
	v5 =	vld [tilespmem:s2+$0x100]  }
0x8b: {  	v6 =	vld [tilespmem:s29+$0x40];
	[tilespmem:s2+$0x190] =	vst v3  }
0x8c: {  	v9 =	vld [tilespmem:s2+$0xFFFFFE00];
	[tilespmem:s2+$0xFFFFFF80] =	vst v0;
	v0 =	vadd.f32 v4, v2  }
0x8d: {  	v10 =	vld [tilespmem:s29+$0xFFFFFFB0]  }
0x8e: {  	v3 =	vld [tilespmem:s29+$0xFFFFFFD0];
	[tilespmem:s2+$0x0] =	vst v0;
	v1 =	vadd.f32 v7, v1  }
0x8f: {  	v2 =	vld [tilespmem:s29+$0xFFFFFFF0]  }
0x90: {  	v0 =	vld [tilespmem:s29+$0x10];
	[tilespmem:s2+$0x80] =	vst v1;
	v4 =	vadd.f32 v6, v5  }
0x91: {  	v5 =	vadd.f32 v8, v9;
	v1 =	vld [tilespmem:s29+$0x30]  }
0x92: {  	v7 =	vld [tilespmem:s2+$0xFFFFFE10];
	[tilespmem:s2+$0x100] =	vst v4  }
0x93: {  	[tilespmem:s2+$0xFFFFFE00] =	vst v5;
	v4 =	vld [tilespmem:s29+$0x50]  }
0x94: {  	v5 =	vld [tilespmem:s29+$0xFFFFFF90]  }
0x95: {  	v12 =	vld [tilespmem:s2+$0xFFFFFE90]  }
.Ltmp2:
0x96: {  	v9 =	vld [tilespmem:s2+$0xFFFFFF10];
	(pc) =	sbr.rel @p1 .LBB2_2-.Ltmp2, $4  }
0x97: {  	v8 =	vld [tilespmem:s2+$0xFFFFFF90]  }
0x98: {  	v6 =	vld [tilespmem:s2+$0x10]  }
0x99: {  	v11 =	vadd.f32 v5, v7;
	v5 =	vld [tilespmem:s2+$0x90]  }
0x9a: {  	s2 =	sadd.s32 $0x400, s2;
	v10 =	vadd.f32 v10, v12;
	v7 =	vld [tilespmem:s26+$0x110]  }
0x9b: {  	[tilespmem:s26+$0xFFFFFE10] =	vst v11;
	v3 =	vadd.f32 v3, v9  }
0x9c: {  	[tilespmem:s26+$0xFFFFFE90] =	vst v10;
	v2 =	vadd.f32 v2, v8  }
0x9d: {  	[tilespmem:s26+$0xFFFFFF10] =	vst v3;
	v0 =	vadd.f32 v0, v6  }
0x9e: {  	[tilespmem:s26+$0xFFFFFF90] =	vst v2;
	v1 =	vadd.f32 v1, v5  }
0x9f: {  	[tilespmem:s26+$0x10] =	vst v0;
	v0 =	vadd.f32 v4, v7  }
0xa0: {  	[tilespmem:s26+$0x90] =	vst v1  }
0xa1: {  	[tilespmem:s26+$0x110] =	vst v0  }
0xa2: {  	s2 =	rddreg [dreg:$0x11]  }
0xa3: {  	[hbm4b:s2+s14] =	stream.linear.scatter [tilespmem:s1], [sflag:$0x9], $0x4000, $0x38;
	[tilespmem:$0x14200] =	vst v63  }
0xa4: {  	s26 =	rddreg [dreg:$0x7]  }
0xa5: {  	[tilespmem:s10], [sflag:$0xD] =	stream.linear.gather [hbm4b:s26+s14], $0x80, $0x38;
	[tilespmem:$0x14200] =	vst v63  }
0xa6: {  	_ =	swait.ge [sflag:s0], $0x80  }
0xa7: {  	[sflag:s0] =	ssyncset.done $0x0  }
0xa8: {  	[sflag:s0] =	ssyncadd.s32 $0xFFFFFF80  }
0xa9: {  	[tilespmem:s11], [sflag:$0x4] =	stream.indirect.gather [hbm4b:s28+s30], $0x80, s10, s30, $0xb8;
	[tilespmem:$0x14200] =	vst v63  }
0xaa: {  	_ = 	snop  }
0xab: {  	[tilespmem:s12], [sflag:$0x8] =	stream.indirect.gather [hbm4b:s31+s30], $0x20, s10, s30, $0xb8;
	[tilespmem:$0x14200] =	vst v63  }
0xac: {  	_ =	swait.ge [sflag:s13], $0x4000  }
0xad: {  	[sflag:s13] =	ssyncset.done $0x0  }
0xae: {  	[sflag:s13] =	ssyncadd.s32 $0xFFFFC000  }
0xaf: {  	_ =	swait.ge [sflag:s15], $0x1000  }
0xb0: {  	[sflag:s15] =	ssyncset.done $0x0  }
0xb1: {  	s26 =	simm.s32 $0x4460;
	[sflag:s15] =	ssyncadd.s32 $0xFFFFF000  }
0xb2: {  	s29 =	simm.s32 $0x11280;
	v0 =	vld [tilespmem:s26+$0x180]  }
0xb3: {  	v1 =	vld [tilespmem:s29+$0x60]  }
0xb4: {  	v4 =	vld [tilespmem:s29+$0xFFFFFF80]  }
0xb5: {  	v2 =	vld [tilespmem:s26+$0xFFFFFE80]  }
0xb6: {  	v3 =	vld [tilespmem:s29+$0xFFFFFFA0]  }
0xb7: {  	v5 =	vld [tilespmem:s26+$0xFFFFFF00]  }
0xb8: {  	v6 =	vld [tilespmem:s26+$0xFFFFFF80]  }
0xb9: {  	v7 =	vld [tilespmem:s26+$0x190]  }
0xba: {  	v8 =	vld [tilespmem:s26+$0x0]  }
0xbb: {  	v9 =	vld [tilespmem:s29+$0x0]  }
0xbc: {  	v11 =	vld [tilespmem:s26+$0x80];
	v0 =	vadd.f32 v1, v0  }
0xbd: {  	v12 =	vld [tilespmem:s29+$0x20]  }
0xbe: {  	[tilespmem:s26+$0x180] =	vst v0;
	v0 =	vld [tilespmem:s29+$0xFFFFFFE0]  }
0xbf: {  	v1 =	vld [tilespmem:s29+$0xFFFFFFC0]  }
0xc0: {  	v13 =	vld [tilespmem:s26+$0x100]  }
0xc1: {  	v63 =	vld [tilespmem:s26+$0xFFFFFE90];
	v2 =	vadd.f32 v3, v2  }
0xc2: {  	v10 =	vld [tilespmem:s29+$0x70]  }
0xc3: {  	[tilespmem:s26+$0xFFFFFE80] =	vst v2;
	v0 =	vadd.f32 v0, v6;
	v6 =	vld [tilespmem:s26+$0xFFFFFE00]  }
0xc4: {  	v14 =	vld [tilespmem:s29+$0xFFFFFFB0];
	v1 =	vadd.f32 v1, v5  }
0xc5: {  	v5 =	vld [tilespmem:s29+$0x40]  }
0xc6: {  	[tilespmem:s26+$0xFFFFFF00] =	vst v1;
	v1 =	vadd.f32 v9, v8;
	v8 =	vadd.f32 v12, v11;
	v11 =	vld [tilespmem:s26+$0xFFFFFE10]  }
0xc7: {  	v9 =	vld [tilespmem:s26+$0xFFFFFF10]  }
0xc8: {  	v3 =	vld [tilespmem:s29+$0xFFFFFFD0];
	[tilespmem:s26+$0xFFFFFF80] =	vst v0;
	v4 =	vadd.f32 v4, v6  }
0xc9: {  	[tilespmem:s26+$0x80] =	vst v8;
	v8 =	vld [tilespmem:s26+$0xFFFFFF90]  }
0xca: {  	v2 =	vld [tilespmem:s29+$0xFFFFFFF0];
	[tilespmem:s26+$0xFFFFFE00] =	vst v4  }
0xcb: {  	[tilespmem:s26+$0x0] =	vst v1;
	v62 =	vld [tilespmem:s29+$0xFFFFFF90]  }
0xcc: {  	v7 =	vadd.f32 v10, v7;
	v0 =	vld [tilespmem:s29+$0x10]  }
0xcd: {  	v1 =	vld [tilespmem:s29+$0x30]  }
0xce: {  	v5 =	vadd.f32 v5, v13;
	[tilespmem:s26+$0x190] =	vst v7;
	v7 =	vld [tilespmem:s26+$0x110]  }
0xcf: {  	v6 =	vld [tilespmem:s26+$0x10]  }
0xd0: {  	[tilespmem:s26+$0x100] =	vst v5;
	v5 =	vld [tilespmem:s26+$0x90];
	v11 =	vadd.f32 v62, v11  }
0xd1: {  	s25 =	simm.s32 $0x0;
	s2 =	simm.s32 $0x4860;
	v10 =	vadd.f32 v14, v63;
	v4 =	vld [tilespmem:s29+$0x50]  }
.LBB2_4:
0xd2: {  	v12 =	vld [tilespmem:s2+$0x180];
	[tilespmem:s26+$0xFFFFFE10] =	vst v11;
	v3 =	vadd.f32 v3, v9;
	s29 =	sadd.s32 $0x100, s29  }
0xd3: {  	s25 =	sadd.s32 $0x8, s25;
	v9 =	vld [tilespmem:s29+$0x60];
	[tilespmem:s26+$0xFFFFFE90] =	vst v10;
	v2 =	vadd.f32 v2, v8  }
0xd4: {  	p1 =	slt.u32 s25, $0x78;
	v8 =	vld [tilespmem:s29+$0xFFFFFF80];
	[tilespmem:s26+$0xFFFFFF10] =	vst v3;
	v0 =	vadd.f32 v0, v6  }
0xd5: {  	v3 =	vld [tilespmem:s2+$0xFFFFFE80];
	[tilespmem:s26+$0xFFFFFF90] =	vst v2;
	v1 =	vadd.f32 v1, v5  }
0xd6: {  	v2 =	vld [tilespmem:s29+$0xFFFFFFA0];
	[tilespmem:s26+$0x10] =	vst v0;
	v0 =	vadd.f32 v4, v7  }
0xd7: {  	v4 =	vld [tilespmem:s2+$0xFFFFFF00];
	[tilespmem:s26+$0x90] =	vst v1  }
0xd8: {  	v1 =	vld [tilespmem:s29+$0xFFFFFFC0];
	v5 =	vadd.f32 v9, v12;
	[tilespmem:s26+$0x110] =	vst v0;
	s26 =	smov.u32 s2  }
0xd9: {  	v0 =	vld [tilespmem:s2+$0xFFFFFF80]  }
0xda: {  	[tilespmem:s2+$0x180] =	vst v5;
	v5 =	vld [tilespmem:s2+$0x190]  }
0xdb: {  	v2 =	vadd.f32 v2, v3;
	v3 =	vld [tilespmem:s29+$0x70]  }
0xdc: {  	v6 =	vld [tilespmem:s29+$0xFFFFFFE0]  }
0xdd: {  	[tilespmem:s2+$0xFFFFFE80] =	vst v2;
	v1 =	vadd.f32 v1, v4;
	v2 =	vld [tilespmem:s2+$0x0]  }
0xde: {  	v4 =	vld [tilespmem:s29+$0x0]  }
0xdf: {  	[tilespmem:s2+$0xFFFFFF00] =	vst v1;
	v1 =	vld [tilespmem:s2+$0x80]  }
0xe0: {  	v7 =	vld [tilespmem:s29+$0x20];
	v3 =	vadd.f32 v3, v5  }
0xe1: {  	v0 =	vadd.f32 v6, v0;
	v5 =	vld [tilespmem:s2+$0x100]  }
0xe2: {  	v6 =	vld [tilespmem:s29+$0x40];
	[tilespmem:s2+$0x190] =	vst v3  }
0xe3: {  	v9 =	vld [tilespmem:s2+$0xFFFFFE00];
	[tilespmem:s2+$0xFFFFFF80] =	vst v0;
	v0 =	vadd.f32 v4, v2  }
0xe4: {  	v10 =	vld [tilespmem:s29+$0xFFFFFFB0]  }
0xe5: {  	v3 =	vld [tilespmem:s29+$0xFFFFFFD0];
	[tilespmem:s2+$0x0] =	vst v0;
	v1 =	vadd.f32 v7, v1  }
0xe6: {  	v2 =	vld [tilespmem:s29+$0xFFFFFFF0]  }
0xe7: {  	v0 =	vld [tilespmem:s29+$0x10];
	[tilespmem:s2+$0x80] =	vst v1;
	v4 =	vadd.f32 v6, v5  }
0xe8: {  	v5 =	vadd.f32 v8, v9;
	v1 =	vld [tilespmem:s29+$0x30]  }
0xe9: {  	v7 =	vld [tilespmem:s2+$0xFFFFFE10];
	[tilespmem:s2+$0x100] =	vst v4  }
0xea: {  	[tilespmem:s2+$0xFFFFFE00] =	vst v5;
	v4 =	vld [tilespmem:s29+$0x50]  }
0xeb: {  	v5 =	vld [tilespmem:s29+$0xFFFFFF90]  }
0xec: {  	v12 =	vld [tilespmem:s2+$0xFFFFFE90]  }
.Ltmp3:
0xed: {  	v9 =	vld [tilespmem:s2+$0xFFFFFF10];
	(pc) =	sbr.rel @p1 .LBB2_4-.Ltmp3, $4  }
0xee: {  	v8 =	vld [tilespmem:s2+$0xFFFFFF90]  }
0xef: {  	v6 =	vld [tilespmem:s2+$0x10]  }
0xf0: {  	v11 =	vadd.f32 v5, v7;
	v5 =	vld [tilespmem:s2+$0x90]  }
0xf1: {  	s2 =	sadd.s32 $0x400, s2;
	v10 =	vadd.f32 v10, v12;
	v7 =	vld [tilespmem:s26+$0x110]  }
0xf2: {  	[tilespmem:s26+$0xFFFFFE10] =	vst v11;
	v3 =	vadd.f32 v3, v9  }
0xf3: {  	[tilespmem:s26+$0xFFFFFE90] =	vst v10;
	v2 =	vadd.f32 v2, v8  }
0xf4: {  	[tilespmem:s26+$0xFFFFFF10] =	vst v3;
	v0 =	vadd.f32 v0, v6  }
0xf5: {  	[tilespmem:s26+$0xFFFFFF90] =	vst v2;
	v1 =	vadd.f32 v1, v5  }
0xf6: {  	[tilespmem:s26+$0x10] =	vst v0;
	v0 =	vadd.f32 v4, v7  }
0xf7: {  	[tilespmem:s26+$0x90] =	vst v1  }
0xf8: {  	[tilespmem:s26+$0x110] =	vst v0  }
0xf9: {  	s2 =	rddreg [dreg:$0x12]  }
0xfa: {  	[hbm4b:s2+s14] =	stream.linear.scatter [tilespmem:s3], [sflag:$0xA], $0x4000, $0x38;
	[tilespmem:$0x14200] =	vst v63  }
0xfb: {  	_ =	swait.ge [sflag:s16], $0x4000  }
0xfc: {  	[sflag:s16] =	ssyncset.done $0x0  }
0xfd: {  	s25 =	rddreg [dreg:$0x8];
	[sflag:s16] =	ssyncadd.s32 $0xFFFFC000  }
0xfe: {  	[tilespmem:s14], [sflag:$0xD] =	stream.linear.gather [hbm4b:s25+s14], $0x80, $0x38;
	[tilespmem:$0x14200] =	vst v63  }
0xff: {  	_ =	swait.ge [sflag:s0], $0x80  }
0x100: {  	[sflag:s0] =	ssyncset.done $0x0  }
0x101: {  	[sflag:s0] =	ssyncadd.s32 $0xFFFFFF80  }
0x102: {  	[tilespmem:s1], [sflag:$0x1] =	stream.indirect.gather [hbm4b:s28+s30], $0x80, s14, s30, $0xb8;
	[tilespmem:$0x14200] =	vst v63  }
0x103: {  	s26 =	simm.s32 $0x10200  }
0x104: {  	[tilespmem:s26], [sflag:$0x5] =	stream.indirect.gather [hbm4b:s31+s30], $0x20, s14, s30, $0xb8;
	[tilespmem:$0x14200] =	vst v63  }
0x105: {  	_ =	swait.ge [sflag:s17], $0x4000  }
0x106: {  	[sflag:s17] =	ssyncset.done $0x0  }
0x107: {  	[sflag:s17] =	ssyncadd.s32 $0xFFFFC000  }
0x108: {  	_ =	swait.ge [sflag:s18], $0x1000  }
0x109: {  	[sflag:s18] =	ssyncset.done $0x0  }
0x10a: {  	s26 =	simm.s32 $0x8460;
	[sflag:s18] =	ssyncadd.s32 $0xFFFFF000  }
0x10b: {  	s29 =	simm.s32 $0x12280;
	v0 =	vld [tilespmem:s26+$0x180]  }
0x10c: {  	v1 =	vld [tilespmem:s29+$0x60]  }
0x10d: {  	v4 =	vld [tilespmem:s29+$0xFFFFFF80]  }
0x10e: {  	v2 =	vld [tilespmem:s26+$0xFFFFFE80]  }
0x10f: {  	v3 =	vld [tilespmem:s29+$0xFFFFFFA0]  }
0x110: {  	v5 =	vld [tilespmem:s26+$0xFFFFFF00]  }
0x111: {  	v6 =	vld [tilespmem:s26+$0xFFFFFF80]  }
0x112: {  	v7 =	vld [tilespmem:s26+$0x190]  }
0x113: {  	v8 =	vld [tilespmem:s26+$0x0]  }
0x114: {  	v9 =	vld [tilespmem:s29+$0x0]  }
0x115: {  	v11 =	vld [tilespmem:s26+$0x80];
	v0 =	vadd.f32 v1, v0  }
0x116: {  	v12 =	vld [tilespmem:s29+$0x20]  }
0x117: {  	[tilespmem:s26+$0x180] =	vst v0;
	v0 =	vld [tilespmem:s29+$0xFFFFFFE0]  }
0x118: {  	v1 =	vld [tilespmem:s29+$0xFFFFFFC0]  }
0x119: {  	v13 =	vld [tilespmem:s26+$0x100]  }
0x11a: {  	v63 =	vld [tilespmem:s26+$0xFFFFFE90];
	v2 =	vadd.f32 v3, v2  }
0x11b: {  	v10 =	vld [tilespmem:s29+$0x70]  }
0x11c: {  	[tilespmem:s26+$0xFFFFFE80] =	vst v2;
	v0 =	vadd.f32 v0, v6;
	v6 =	vld [tilespmem:s26+$0xFFFFFE00]  }
0x11d: {  	v14 =	vld [tilespmem:s29+$0xFFFFFFB0];
	v1 =	vadd.f32 v1, v5  }
0x11e: {  	v5 =	vld [tilespmem:s29+$0x40]  }
0x11f: {  	[tilespmem:s26+$0xFFFFFF00] =	vst v1;
	v1 =	vadd.f32 v9, v8;
	v8 =	vadd.f32 v12, v11;
	v11 =	vld [tilespmem:s26+$0xFFFFFE10]  }
0x120: {  	v9 =	vld [tilespmem:s26+$0xFFFFFF10]  }
0x121: {  	v3 =	vld [tilespmem:s29+$0xFFFFFFD0];
	[tilespmem:s26+$0xFFFFFF80] =	vst v0;
	v4 =	vadd.f32 v4, v6  }
0x122: {  	[tilespmem:s26+$0x80] =	vst v8;
	v8 =	vld [tilespmem:s26+$0xFFFFFF90]  }
0x123: {  	v2 =	vld [tilespmem:s29+$0xFFFFFFF0];
	[tilespmem:s26+$0xFFFFFE00] =	vst v4  }
0x124: {  	[tilespmem:s26+$0x0] =	vst v1;
	v62 =	vld [tilespmem:s29+$0xFFFFFF90]  }
0x125: {  	v7 =	vadd.f32 v10, v7;
	v0 =	vld [tilespmem:s29+$0x10]  }
0x126: {  	v1 =	vld [tilespmem:s29+$0x30]  }
0x127: {  	v5 =	vadd.f32 v5, v13;
	[tilespmem:s26+$0x190] =	vst v7;
	v7 =	vld [tilespmem:s26+$0x110]  }
0x128: {  	v6 =	vld [tilespmem:s26+$0x10]  }
0x129: {  	[tilespmem:s26+$0x100] =	vst v5;
	v5 =	vld [tilespmem:s26+$0x90];
	v11 =	vadd.f32 v62, v11  }
0x12a: {  	s2 =	simm.s32 $0x8860;
	s25 =	simm.s32 $0x0;
	v10 =	vadd.f32 v14, v63;
	v4 =	vld [tilespmem:s29+$0x50]  }
.LBB2_6:
0x12b: {  	v12 =	vld [tilespmem:s2+$0x180];
	[tilespmem:s26+$0xFFFFFE10] =	vst v11;
	v3 =	vadd.f32 v3, v9;
	s29 =	sadd.s32 $0x100, s29  }
0x12c: {  	s25 =	sadd.s32 $0x8, s25;
	v9 =	vld [tilespmem:s29+$0x60];
	[tilespmem:s26+$0xFFFFFE90] =	vst v10;
	v2 =	vadd.f32 v2, v8  }
0x12d: {  	p1 =	slt.u32 s25, $0x78;
	v8 =	vld [tilespmem:s29+$0xFFFFFF80];
	[tilespmem:s26+$0xFFFFFF10] =	vst v3;
	v0 =	vadd.f32 v0, v6  }
0x12e: {  	v3 =	vld [tilespmem:s2+$0xFFFFFE80];
	[tilespmem:s26+$0xFFFFFF90] =	vst v2;
	v1 =	vadd.f32 v1, v5  }
0x12f: {  	v2 =	vld [tilespmem:s29+$0xFFFFFFA0];
	[tilespmem:s26+$0x10] =	vst v0;
	v0 =	vadd.f32 v4, v7  }
0x130: {  	v4 =	vld [tilespmem:s2+$0xFFFFFF00];
	[tilespmem:s26+$0x90] =	vst v1  }
0x131: {  	v1 =	vld [tilespmem:s29+$0xFFFFFFC0];
	v5 =	vadd.f32 v9, v12;
	[tilespmem:s26+$0x110] =	vst v0;
	s26 =	smov.u32 s2  }
0x132: {  	v0 =	vld [tilespmem:s2+$0xFFFFFF80]  }
0x133: {  	[tilespmem:s2+$0x180] =	vst v5;
	v5 =	vld [tilespmem:s2+$0x190]  }
0x134: {  	v2 =	vadd.f32 v2, v3;
	v3 =	vld [tilespmem:s29+$0x70]  }
0x135: {  	v6 =	vld [tilespmem:s29+$0xFFFFFFE0]  }
0x136: {  	[tilespmem:s2+$0xFFFFFE80] =	vst v2;
	v1 =	vadd.f32 v1, v4;
	v2 =	vld [tilespmem:s2+$0x0]  }
0x137: {  	v4 =	vld [tilespmem:s29+$0x0]  }
0x138: {  	[tilespmem:s2+$0xFFFFFF00] =	vst v1;
	v1 =	vld [tilespmem:s2+$0x80]  }
0x139: {  	v7 =	vld [tilespmem:s29+$0x20];
	v3 =	vadd.f32 v3, v5  }
0x13a: {  	v0 =	vadd.f32 v6, v0;
	v5 =	vld [tilespmem:s2+$0x100]  }
0x13b: {  	v6 =	vld [tilespmem:s29+$0x40];
	[tilespmem:s2+$0x190] =	vst v3  }
0x13c: {  	v9 =	vld [tilespmem:s2+$0xFFFFFE00];
	[tilespmem:s2+$0xFFFFFF80] =	vst v0;
	v0 =	vadd.f32 v4, v2  }
0x13d: {  	v10 =	vld [tilespmem:s29+$0xFFFFFFB0]  }
0x13e: {  	v3 =	vld [tilespmem:s29+$0xFFFFFFD0];
	[tilespmem:s2+$0x0] =	vst v0;
	v1 =	vadd.f32 v7, v1  }
0x13f: {  	v2 =	vld [tilespmem:s29+$0xFFFFFFF0]  }
0x140: {  	v0 =	vld [tilespmem:s29+$0x10];
	[tilespmem:s2+$0x80] =	vst v1;
	v4 =	vadd.f32 v6, v5  }
0x141: {  	v5 =	vadd.f32 v8, v9;
	v1 =	vld [tilespmem:s29+$0x30]  }
0x142: {  	v7 =	vld [tilespmem:s2+$0xFFFFFE10];
	[tilespmem:s2+$0x100] =	vst v4  }
0x143: {  	[tilespmem:s2+$0xFFFFFE00] =	vst v5;
	v4 =	vld [tilespmem:s29+$0x50]  }
0x144: {  	v5 =	vld [tilespmem:s29+$0xFFFFFF90]  }
0x145: {  	v12 =	vld [tilespmem:s2+$0xFFFFFE90]  }
.Ltmp4:
0x146: {  	v9 =	vld [tilespmem:s2+$0xFFFFFF10];
	(pc) =	sbr.rel @p1 .LBB2_6-.Ltmp4, $4  }
0x147: {  	v8 =	vld [tilespmem:s2+$0xFFFFFF90]  }
0x148: {  	v6 =	vld [tilespmem:s2+$0x10]  }
0x149: {  	v11 =	vadd.f32 v5, v7;
	v5 =	vld [tilespmem:s2+$0x90]  }
0x14a: {  	s2 =	sadd.s32 $0x400, s2;
	v10 =	vadd.f32 v10, v12;
	v7 =	vld [tilespmem:s26+$0x110]  }
0x14b: {  	[tilespmem:s26+$0xFFFFFE10] =	vst v11;
	v3 =	vadd.f32 v3, v9  }
0x14c: {  	[tilespmem:s26+$0xFFFFFE90] =	vst v10;
	v2 =	vadd.f32 v2, v8  }
0x14d: {  	[tilespmem:s26+$0xFFFFFF10] =	vst v3;
	v0 =	vadd.f32 v0, v6  }
0x14e: {  	[tilespmem:s26+$0xFFFFFF90] =	vst v2;
	v1 =	vadd.f32 v1, v5  }
0x14f: {  	[tilespmem:s26+$0x10] =	vst v0;
	v0 =	vadd.f32 v4, v7  }
0x150: {  	[tilespmem:s26+$0x90] =	vst v1  }
0x151: {  	[tilespmem:s26+$0x110] =	vst v0  }
0x152: {  	s2 =	rddreg [dreg:$0x13]  }
0x153: {  	[hbm4b:s2+s14] =	stream.linear.scatter [tilespmem:s6], [sflag:$0xB], $0x4000, $0x38;
	[tilespmem:$0x14200] =	vst v63  }
0x154: {  	_ =	swait.ge [sflag:s19], $0x4000  }
0x155: {  	[sflag:s19] =	ssyncset.done $0x0  }
0x156: {  	s26 =	rddreg [dreg:$0x9];
	[sflag:s19] =	ssyncadd.s32 $0xFFFFC000  }
0x157: {  	[tilespmem:s30], [sflag:$0xD] =	stream.linear.gather [hbm4b:s26+s14], $0x80, $0x38;
	[tilespmem:$0x14200] =	vst v63  }
0x158: {  	_ =	swait.ge [sflag:s0], $0x80  }
0x159: {  	[sflag:s0] =	ssyncset.done $0x0  }
0x15a: {  	[sflag:s0] =	ssyncadd.s32 $0xFFFFFF80  }
0x15b: {  	[tilespmem:s3], [sflag:$0x2] =	stream.indirect.gather [hbm4b:s28+s30], $0x80, s30, s30, $0xb8;
	[tilespmem:$0x14200] =	vst v63  }
0x15c: {  	_ = 	snop  }
0x15d: {  	[tilespmem:s4], [sflag:$0x6] =	stream.indirect.gather [hbm4b:s31+s30], $0x20, s30, s30, $0xb8;
	[tilespmem:$0x14200] =	vst v63  }
0x15e: {  	_ =	swait.ge [sflag:s20], $0x4000  }
0x15f: {  	[sflag:s20] =	ssyncset.done $0x0  }
0x160: {  	[sflag:s20] =	ssyncadd.s32 $0xFFFFC000  }
0x161: {  	_ =	swait.ge [sflag:s21], $0x1000  }
0x162: {  	[sflag:s21] =	ssyncset.done $0x0  }
0x163: {  	s26 =	simm.s32 $0xC460;
	[sflag:s21] =	ssyncadd.s32 $0xFFFFF000  }
0x164: {  	s29 =	simm.s32 $0x13280;
	v0 =	vld [tilespmem:s26+$0x180]  }
0x165: {  	v1 =	vld [tilespmem:s29+$0x60]  }
0x166: {  	v4 =	vld [tilespmem:s29+$0xFFFFFF80]  }
0x167: {  	v2 =	vld [tilespmem:s26+$0xFFFFFE80]  }
0x168: {  	v3 =	vld [tilespmem:s29+$0xFFFFFFA0]  }
0x169: {  	v5 =	vld [tilespmem:s26+$0xFFFFFF00]  }
0x16a: {  	v6 =	vld [tilespmem:s26+$0xFFFFFF80]  }
0x16b: {  	v7 =	vld [tilespmem:s26+$0x190]  }
0x16c: {  	v8 =	vld [tilespmem:s26+$0x0]  }
0x16d: {  	v9 =	vld [tilespmem:s29+$0x0]  }
0x16e: {  	v11 =	vld [tilespmem:s26+$0x80];
	v0 =	vadd.f32 v1, v0  }
0x16f: {  	v12 =	vld [tilespmem:s29+$0x20]  }
0x170: {  	[tilespmem:s26+$0x180] =	vst v0;
	v0 =	vld [tilespmem:s29+$0xFFFFFFE0]  }
0x171: {  	v1 =	vld [tilespmem:s29+$0xFFFFFFC0]  }
0x172: {  	v13 =	vld [tilespmem:s26+$0x100]  }
0x173: {  	v63 =	vld [tilespmem:s26+$0xFFFFFE90];
	v2 =	vadd.f32 v3, v2  }
0x174: {  	v10 =	vld [tilespmem:s29+$0x70]  }
0x175: {  	[tilespmem:s26+$0xFFFFFE80] =	vst v2;
	v0 =	vadd.f32 v0, v6;
	v6 =	vld [tilespmem:s26+$0xFFFFFE00]  }
0x176: {  	v14 =	vld [tilespmem:s29+$0xFFFFFFB0];
	v1 =	vadd.f32 v1, v5  }
0x177: {  	v5 =	vld [tilespmem:s29+$0x40]  }
0x178: {  	[tilespmem:s26+$0xFFFFFF00] =	vst v1;
	v1 =	vadd.f32 v9, v8;
	v8 =	vadd.f32 v12, v11;
	v11 =	vld [tilespmem:s26+$0xFFFFFE10]  }
0x179: {  	v9 =	vld [tilespmem:s26+$0xFFFFFF10]  }
0x17a: {  	v3 =	vld [tilespmem:s29+$0xFFFFFFD0];
	[tilespmem:s26+$0xFFFFFF80] =	vst v0;
	v4 =	vadd.f32 v4, v6  }
0x17b: {  	[tilespmem:s26+$0x80] =	vst v8;
	v8 =	vld [tilespmem:s26+$0xFFFFFF90]  }
0x17c: {  	v2 =	vld [tilespmem:s29+$0xFFFFFFF0];
	[tilespmem:s26+$0xFFFFFE00] =	vst v4  }
0x17d: {  	[tilespmem:s26+$0x0] =	vst v1;
	v62 =	vld [tilespmem:s29+$0xFFFFFF90]  }
0x17e: {  	v7 =	vadd.f32 v10, v7;
	v0 =	vld [tilespmem:s29+$0x10]  }
0x17f: {  	v1 =	vld [tilespmem:s29+$0x30]  }
0x180: {  	v5 =	vadd.f32 v5, v13;
	[tilespmem:s26+$0x190] =	vst v7;
	v7 =	vld [tilespmem:s26+$0x110]  }
0x181: {  	v6 =	vld [tilespmem:s26+$0x10]  }
0x182: {  	[tilespmem:s26+$0x100] =	vst v5;
	v5 =	vld [tilespmem:s26+$0x90];
	v11 =	vadd.f32 v62, v11  }
0x183: {  	s25 =	simm.s32 $0x0;
	s2 =	simm.s32 $0xC860;
	v10 =	vadd.f32 v14, v63;
	v4 =	vld [tilespmem:s29+$0x50]  }
.LBB2_8:
0x184: {  	v12 =	vld [tilespmem:s2+$0x180];
	[tilespmem:s26+$0xFFFFFE10] =	vst v11;
	v3 =	vadd.f32 v3, v9;
	s29 =	sadd.s32 $0x100, s29  }
0x185: {  	s25 =	sadd.s32 $0x8, s25;
	v9 =	vld [tilespmem:s29+$0x60];
	[tilespmem:s26+$0xFFFFFE90] =	vst v10;
	v2 =	vadd.f32 v2, v8  }
0x186: {  	p1 =	slt.u32 s25, $0x78;
	v8 =	vld [tilespmem:s29+$0xFFFFFF80];
	[tilespmem:s26+$0xFFFFFF10] =	vst v3;
	v0 =	vadd.f32 v0, v6  }
0x187: {  	v3 =	vld [tilespmem:s2+$0xFFFFFE80];
	[tilespmem:s26+$0xFFFFFF90] =	vst v2;
	v1 =	vadd.f32 v1, v5  }
0x188: {  	v2 =	vld [tilespmem:s29+$0xFFFFFFA0];
	[tilespmem:s26+$0x10] =	vst v0;
	v0 =	vadd.f32 v4, v7  }
0x189: {  	v4 =	vld [tilespmem:s2+$0xFFFFFF00];
	[tilespmem:s26+$0x90] =	vst v1  }
0x18a: {  	v1 =	vld [tilespmem:s29+$0xFFFFFFC0];
	v5 =	vadd.f32 v9, v12;
	[tilespmem:s26+$0x110] =	vst v0;
	s26 =	smov.u32 s2  }
0x18b: {  	v0 =	vld [tilespmem:s2+$0xFFFFFF80]  }
0x18c: {  	[tilespmem:s2+$0x180] =	vst v5;
	v5 =	vld [tilespmem:s2+$0x190]  }
0x18d: {  	v2 =	vadd.f32 v2, v3;
	v3 =	vld [tilespmem:s29+$0x70]  }
0x18e: {  	v6 =	vld [tilespmem:s29+$0xFFFFFFE0]  }
0x18f: {  	[tilespmem:s2+$0xFFFFFE80] =	vst v2;
	v1 =	vadd.f32 v1, v4;
	v2 =	vld [tilespmem:s2+$0x0]  }
0x190: {  	v4 =	vld [tilespmem:s29+$0x0]  }
0x191: {  	[tilespmem:s2+$0xFFFFFF00] =	vst v1;
	v1 =	vld [tilespmem:s2+$0x80]  }
0x192: {  	v7 =	vld [tilespmem:s29+$0x20];
	v3 =	vadd.f32 v3, v5  }
0x193: {  	v0 =	vadd.f32 v6, v0;
	v5 =	vld [tilespmem:s2+$0x100]  }
0x194: {  	v6 =	vld [tilespmem:s29+$0x40];
	[tilespmem:s2+$0x190] =	vst v3  }
0x195: {  	v9 =	vld [tilespmem:s2+$0xFFFFFE00];
	[tilespmem:s2+$0xFFFFFF80] =	vst v0;
	v0 =	vadd.f32 v4, v2  }
0x196: {  	v10 =	vld [tilespmem:s29+$0xFFFFFFB0]  }
0x197: {  	v3 =	vld [tilespmem:s29+$0xFFFFFFD0];
	[tilespmem:s2+$0x0] =	vst v0;
	v1 =	vadd.f32 v7, v1  }
0x198: {  	v2 =	vld [tilespmem:s29+$0xFFFFFFF0]  }
0x199: {  	v0 =	vld [tilespmem:s29+$0x10];
	[tilespmem:s2+$0x80] =	vst v1;
	v4 =	vadd.f32 v6, v5  }
0x19a: {  	v5 =	vadd.f32 v8, v9;
	v1 =	vld [tilespmem:s29+$0x30]  }
0x19b: {  	v7 =	vld [tilespmem:s2+$0xFFFFFE10];
	[tilespmem:s2+$0x100] =	vst v4  }
0x19c: {  	[tilespmem:s2+$0xFFFFFE00] =	vst v5;
	v4 =	vld [tilespmem:s29+$0x50]  }
0x19d: {  	v5 =	vld [tilespmem:s29+$0xFFFFFF90]  }
0x19e: {  	v12 =	vld [tilespmem:s2+$0xFFFFFE90]  }
.Ltmp5:
0x19f: {  	v9 =	vld [tilespmem:s2+$0xFFFFFF10];
	(pc) =	sbr.rel @p1 .LBB2_8-.Ltmp5, $4  }
0x1a0: {  	v8 =	vld [tilespmem:s2+$0xFFFFFF90]  }
0x1a1: {  	v6 =	vld [tilespmem:s2+$0x10]  }
0x1a2: {  	v11 =	vadd.f32 v5, v7;
	v5 =	vld [tilespmem:s2+$0x90]  }
0x1a3: {  	s2 =	sadd.s32 $0x400, s2;
	v10 =	vadd.f32 v10, v12;
	v7 =	vld [tilespmem:s26+$0x110]  }
0x1a4: {  	[tilespmem:s26+$0xFFFFFE10] =	vst v11;
	v3 =	vadd.f32 v3, v9  }
0x1a5: {  	[tilespmem:s26+$0xFFFFFE90] =	vst v10;
	v2 =	vadd.f32 v2, v8  }
0x1a6: {  	[tilespmem:s26+$0xFFFFFF10] =	vst v3;
	v0 =	vadd.f32 v0, v6  }
0x1a7: {  	[tilespmem:s26+$0xFFFFFF90] =	vst v2;
	v1 =	vadd.f32 v1, v5  }
0x1a8: {  	[tilespmem:s26+$0x10] =	vst v0;
	v0 =	vadd.f32 v4, v7  }
0x1a9: {  	[tilespmem:s26+$0x90] =	vst v1  }
0x1aa: {  	[tilespmem:s26+$0x110] =	vst v0  }
0x1ab: {  	s2 =	rddreg [dreg:$0x14]  }
0x1ac: {  	[hbm4b:s2+s14] =	stream.linear.scatter [tilespmem:s11], [sflag:$0xC], $0x4000, $0x38;
	[tilespmem:$0x14200] =	vst v63  }
0x1ad: {  	_ =	swait.ge [sflag:s22], $0x4000  }
0x1ae: {  	[sflag:s22] =	ssyncset.done $0x0  }
0x1af: {  	s26 =	rddreg [dreg:$0xa];
	[sflag:s22] =	ssyncadd.s32 $0xFFFFC000  }
0x1b0: {  	[tilespmem:s5], [sflag:$0xD] =	stream.linear.gather [hbm4b:s26+s14], $0x80, $0x38;
	[tilespmem:$0x14200] =	vst v63  }
0x1b1: {  	_ =	swait.ge [sflag:s0], $0x80  }
0x1b2: {  	[sflag:s0] =	ssyncset.done $0x0  }
0x1b3: {  	[sflag:s0] =	ssyncadd.s32 $0xFFFFFF80  }
0x1b4: {  	[tilespmem:s6], [sflag:$0x3] =	stream.indirect.gather [hbm4b:s28+s30], $0x80, s5, s30, $0xb8;
	[tilespmem:$0x14200] =	vst v63  }
0x1b5: {  	_ = 	snop  }
0x1b6: {  	[tilespmem:s7], [sflag:$0x7] =	stream.indirect.gather [hbm4b:s31+s30], $0x20, s5, s30, $0xb8;
	[tilespmem:$0x14200] =	vst v63  }
0x1b7: {  	_ =	swait.ge [sflag:s8], $0x4000  }
0x1b8: {  	[sflag:s8] =	ssyncset.done $0x0  }
0x1b9: {  	[sflag:s8] =	ssyncadd.s32 $0xFFFFC000  }
0x1ba: {  	_ =	swait.ge [sflag:s9], $0x1000  }
0x1bb: {  	[sflag:s9] =	ssyncset.done $0x0  }
0x1bc: {  	s26 =	simm.s32 $0x460;
	[sflag:s9] =	ssyncadd.s32 $0xFFFFF000  }
0x1bd: {  	s29 =	simm.s32 $0x10280;
	v0 =	vld [tilespmem:s26+$0x180]  }
0x1be: {  	v1 =	vld [tilespmem:s29+$0x60]  }
0x1bf: {  	v4 =	vld [tilespmem:s29+$0xFFFFFF80]  }
0x1c0: {  	v2 =	vld [tilespmem:s26+$0xFFFFFE80]  }
0x1c1: {  	v3 =	vld [tilespmem:s29+$0xFFFFFFA0]  }
0x1c2: {  	v5 =	vld [tilespmem:s26+$0xFFFFFF00]  }
0x1c3: {  	v6 =	vld [tilespmem:s26+$0xFFFFFF80]  }
0x1c4: {  	v7 =	vld [tilespmem:s26+$0x190]  }
0x1c5: {  	v8 =	vld [tilespmem:s26+$0x0]  }
0x1c6: {  	v9 =	vld [tilespmem:s29+$0x0]  }
0x1c7: {  	v11 =	vld [tilespmem:s26+$0x80];
	v0 =	vadd.f32 v1, v0  }
0x1c8: {  	v12 =	vld [tilespmem:s29+$0x20]  }
0x1c9: {  	[tilespmem:s26+$0x180] =	vst v0;
	v0 =	vld [tilespmem:s29+$0xFFFFFFE0]  }
0x1ca: {  	v1 =	vld [tilespmem:s29+$0xFFFFFFC0]  }
0x1cb: {  	v13 =	vld [tilespmem:s26+$0x100]  }
0x1cc: {  	v63 =	vld [tilespmem:s26+$0xFFFFFE90];
	v2 =	vadd.f32 v3, v2  }
0x1cd: {  	v10 =	vld [tilespmem:s29+$0x70]  }
0x1ce: {  	[tilespmem:s26+$0xFFFFFE80] =	vst v2;
	v0 =	vadd.f32 v0, v6;
	v6 =	vld [tilespmem:s26+$0xFFFFFE00]  }
0x1cf: {  	v14 =	vld [tilespmem:s29+$0xFFFFFFB0];
	v1 =	vadd.f32 v1, v5  }
0x1d0: {  	v5 =	vld [tilespmem:s29+$0x40]  }
0x1d1: {  	[tilespmem:s26+$0xFFFFFF00] =	vst v1;
	v1 =	vadd.f32 v9, v8;
	v8 =	vadd.f32 v12, v11;
	v11 =	vld [tilespmem:s26+$0xFFFFFE10]  }
0x1d2: {  	v9 =	vld [tilespmem:s26+$0xFFFFFF10]  }
0x1d3: {  	v3 =	vld [tilespmem:s29+$0xFFFFFFD0];
	[tilespmem:s26+$0xFFFFFF80] =	vst v0;
	v4 =	vadd.f32 v4, v6  }
0x1d4: {  	[tilespmem:s26+$0x80] =	vst v8;
	v8 =	vld [tilespmem:s26+$0xFFFFFF90]  }
0x1d5: {  	v2 =	vld [tilespmem:s29+$0xFFFFFFF0];
	[tilespmem:s26+$0xFFFFFE00] =	vst v4  }
0x1d6: {  	[tilespmem:s26+$0x0] =	vst v1;
	v62 =	vld [tilespmem:s29+$0xFFFFFF90]  }
0x1d7: {  	v7 =	vadd.f32 v10, v7;
	v0 =	vld [tilespmem:s29+$0x10]  }
0x1d8: {  	v1 =	vld [tilespmem:s29+$0x30]  }
0x1d9: {  	v5 =	vadd.f32 v5, v13;
	[tilespmem:s26+$0x190] =	vst v7;
	v7 =	vld [tilespmem:s26+$0x110]  }
0x1da: {  	v6 =	vld [tilespmem:s26+$0x10]  }
0x1db: {  	[tilespmem:s26+$0x100] =	vst v5;
	v5 =	vld [tilespmem:s26+$0x90];
	v11 =	vadd.f32 v62, v11  }
0x1dc: {  	s25 =	simm.s32 $0x0;
	s2 =	simm.s32 $0x860;
	v10 =	vadd.f32 v14, v63;
	v4 =	vld [tilespmem:s29+$0x50]  }
.LBB2_10:
0x1dd: {  	v12 =	vld [tilespmem:s2+$0x180];
	[tilespmem:s26+$0xFFFFFE10] =	vst v11;
	v3 =	vadd.f32 v3, v9;
	s29 =	sadd.s32 $0x100, s29  }
0x1de: {  	s25 =	sadd.s32 $0x8, s25;
	v9 =	vld [tilespmem:s29+$0x60];
	[tilespmem:s26+$0xFFFFFE90] =	vst v10;
	v2 =	vadd.f32 v2, v8  }
0x1df: {  	p1 =	slt.u32 s25, $0x78;
	v8 =	vld [tilespmem:s29+$0xFFFFFF80];
	[tilespmem:s26+$0xFFFFFF10] =	vst v3;
	v0 =	vadd.f32 v0, v6  }
0x1e0: {  	v3 =	vld [tilespmem:s2+$0xFFFFFE80];
	[tilespmem:s26+$0xFFFFFF90] =	vst v2;
	v1 =	vadd.f32 v1, v5  }
0x1e1: {  	v2 =	vld [tilespmem:s29+$0xFFFFFFA0];
	[tilespmem:s26+$0x10] =	vst v0;
	v0 =	vadd.f32 v4, v7  }
0x1e2: {  	v4 =	vld [tilespmem:s2+$0xFFFFFF00];
	[tilespmem:s26+$0x90] =	vst v1  }
0x1e3: {  	v1 =	vld [tilespmem:s29+$0xFFFFFFC0];
	v5 =	vadd.f32 v9, v12;
	[tilespmem:s26+$0x110] =	vst v0;
	s26 =	smov.u32 s2  }
0x1e4: {  	v0 =	vld [tilespmem:s2+$0xFFFFFF80]  }
0x1e5: {  	[tilespmem:s2+$0x180] =	vst v5;
	v5 =	vld [tilespmem:s2+$0x190]  }
0x1e6: {  	v2 =	vadd.f32 v2, v3;
	v3 =	vld [tilespmem:s29+$0x70]  }
0x1e7: {  	v6 =	vld [tilespmem:s29+$0xFFFFFFE0]  }
0x1e8: {  	[tilespmem:s2+$0xFFFFFE80] =	vst v2;
	v1 =	vadd.f32 v1, v4;
	v2 =	vld [tilespmem:s2+$0x0]  }
0x1e9: {  	v4 =	vld [tilespmem:s29+$0x0]  }
0x1ea: {  	[tilespmem:s2+$0xFFFFFF00] =	vst v1;
	v1 =	vld [tilespmem:s2+$0x80]  }
0x1eb: {  	v7 =	vld [tilespmem:s29+$0x20];
	v3 =	vadd.f32 v3, v5  }
0x1ec: {  	v0 =	vadd.f32 v6, v0;
	v5 =	vld [tilespmem:s2+$0x100]  }
0x1ed: {  	v6 =	vld [tilespmem:s29+$0x40];
	[tilespmem:s2+$0x190] =	vst v3  }
0x1ee: {  	v9 =	vld [tilespmem:s2+$0xFFFFFE00];
	[tilespmem:s2+$0xFFFFFF80] =	vst v0;
	v0 =	vadd.f32 v4, v2  }
0x1ef: {  	v10 =	vld [tilespmem:s29+$0xFFFFFFB0]  }
0x1f0: {  	v3 =	vld [tilespmem:s29+$0xFFFFFFD0];
	[tilespmem:s2+$0x0] =	vst v0;
	v1 =	vadd.f32 v7, v1  }
0x1f1: {  	v2 =	vld [tilespmem:s29+$0xFFFFFFF0]  }
0x1f2: {  	v0 =	vld [tilespmem:s29+$0x10];
	[tilespmem:s2+$0x80] =	vst v1;
	v4 =	vadd.f32 v6, v5  }
0x1f3: {  	v5 =	vadd.f32 v8, v9;
	v1 =	vld [tilespmem:s29+$0x30]  }
0x1f4: {  	v7 =	vld [tilespmem:s2+$0xFFFFFE10];
	[tilespmem:s2+$0x100] =	vst v4  }
0x1f5: {  	[tilespmem:s2+$0xFFFFFE00] =	vst v5;
	v4 =	vld [tilespmem:s29+$0x50]  }
0x1f6: {  	v5 =	vld [tilespmem:s29+$0xFFFFFF90]  }
0x1f7: {  	v12 =	vld [tilespmem:s2+$0xFFFFFE90]  }
.Ltmp6:
0x1f8: {  	v9 =	vld [tilespmem:s2+$0xFFFFFF10];
	(pc) =	sbr.rel @p1 .LBB2_10-.Ltmp6, $4  }
0x1f9: {  	v8 =	vld [tilespmem:s2+$0xFFFFFF90]  }
0x1fa: {  	v6 =	vld [tilespmem:s2+$0x10]  }
0x1fb: {  	v11 =	vadd.f32 v5, v7;
	v5 =	vld [tilespmem:s2+$0x90]  }
0x1fc: {  	s2 =	sadd.s32 $0x400, s2;
	v10 =	vadd.f32 v10, v12;
	v7 =	vld [tilespmem:s26+$0x110]  }
0x1fd: {  	[tilespmem:s26+$0xFFFFFE10] =	vst v11;
	v3 =	vadd.f32 v3, v9  }
0x1fe: {  	[tilespmem:s26+$0xFFFFFE90] =	vst v10;
	v2 =	vadd.f32 v2, v8  }
0x1ff: {  	[tilespmem:s26+$0xFFFFFF10] =	vst v3;
	v0 =	vadd.f32 v0, v6  }
0x200: {  	[tilespmem:s26+$0xFFFFFF90] =	vst v2;
	v1 =	vadd.f32 v1, v5  }
0x201: {  	[tilespmem:s26+$0x10] =	vst v0;
	v0 =	vadd.f32 v4, v7  }
0x202: {  	[tilespmem:s26+$0x90] =	vst v1  }
0x203: {  	[tilespmem:s26+$0x110] =	vst v0  }
0x204: {  	s2 =	rddreg [dreg:$0x15]  }
0x205: {  	[hbm4b:s2+s14] =	stream.linear.scatter [tilespmem:s1], [sflag:$0x9], $0x4000, $0x38;
	[tilespmem:$0x14200] =	vst v63  }
0x206: {  	_ =	swait.ge [sflag:s23], $0x4000  }
0x207: {  	[sflag:s23] =	ssyncset.done $0x0  }
0x208: {  	s26 =	rddreg [dreg:$0xb];
	[sflag:s23] =	ssyncadd.s32 $0xFFFFC000  }
0x209: {  	[tilespmem:s10], [sflag:$0xD] =	stream.linear.gather [hbm4b:s26+s14], $0x80, $0x38;
	[tilespmem:$0x14200] =	vst v63  }
0x20a: {  	_ =	swait.ge [sflag:s0], $0x80  }
0x20b: {  	[sflag:s0] =	ssyncset.done $0x0  }
0x20c: {  	[sflag:s0] =	ssyncadd.s32 $0xFFFFFF80  }
0x20d: {  	[tilespmem:s11], [sflag:$0x4] =	stream.indirect.gather [hbm4b:s28+s30], $0x80, s10, s30, $0xb8;
	[tilespmem:$0x14200] =	vst v63  }
0x20e: {  	_ = 	snop  }
0x20f: {  	[tilespmem:s12], [sflag:$0x8] =	stream.indirect.gather [hbm4b:s31+s30], $0x20, s10, s30, $0xb8;
	[tilespmem:$0x14200] =	vst v63  }
0x210: {  	_ =	swait.ge [sflag:s13], $0x4000  }
0x211: {  	[sflag:s13] =	ssyncset.done $0x0  }
0x212: {  	[sflag:s13] =	ssyncadd.s32 $0xFFFFC000  }
0x213: {  	_ =	swait.ge [sflag:s15], $0x1000  }
0x214: {  	[sflag:s15] =	ssyncset.done $0x0  }
0x215: {  	s26 =	simm.s32 $0x4460;
	[sflag:s15] =	ssyncadd.s32 $0xFFFFF000  }
0x216: {  	s29 =	simm.s32 $0x11280;
	v0 =	vld [tilespmem:s26+$0x180]  }
0x217: {  	v1 =	vld [tilespmem:s29+$0x60]  }
0x218: {  	v4 =	vld [tilespmem:s29+$0xFFFFFF80]  }
0x219: {  	v2 =	vld [tilespmem:s26+$0xFFFFFE80]  }
0x21a: {  	v3 =	vld [tilespmem:s29+$0xFFFFFFA0]  }
0x21b: {  	v5 =	vld [tilespmem:s26+$0xFFFFFF00]  }
0x21c: {  	v6 =	vld [tilespmem:s26+$0xFFFFFF80]  }
0x21d: {  	v7 =	vld [tilespmem:s26+$0x190]  }
0x21e: {  	v8 =	vld [tilespmem:s26+$0x0]  }
0x21f: {  	v9 =	vld [tilespmem:s29+$0x0]  }
0x220: {  	v11 =	vld [tilespmem:s26+$0x80];
	v0 =	vadd.f32 v1, v0  }
0x221: {  	v12 =	vld [tilespmem:s29+$0x20]  }
0x222: {  	[tilespmem:s26+$0x180] =	vst v0;
	v0 =	vld [tilespmem:s29+$0xFFFFFFE0]  }
0x223: {  	v1 =	vld [tilespmem:s29+$0xFFFFFFC0]  }
0x224: {  	v13 =	vld [tilespmem:s26+$0x100]  }
0x225: {  	v63 =	vld [tilespmem:s26+$0xFFFFFE90];
	v2 =	vadd.f32 v3, v2  }
0x226: {  	v10 =	vld [tilespmem:s29+$0x70]  }
0x227: {  	[tilespmem:s26+$0xFFFFFE80] =	vst v2;
	v0 =	vadd.f32 v0, v6;
	v6 =	vld [tilespmem:s26+$0xFFFFFE00]  }
0x228: {  	v14 =	vld [tilespmem:s29+$0xFFFFFFB0];
	v1 =	vadd.f32 v1, v5  }
0x229: {  	v5 =	vld [tilespmem:s29+$0x40]  }
0x22a: {  	[tilespmem:s26+$0xFFFFFF00] =	vst v1;
	v1 =	vadd.f32 v9, v8;
	v8 =	vadd.f32 v12, v11;
	v11 =	vld [tilespmem:s26+$0xFFFFFE10]  }
0x22b: {  	v9 =	vld [tilespmem:s26+$0xFFFFFF10]  }
0x22c: {  	v3 =	vld [tilespmem:s29+$0xFFFFFFD0];
	[tilespmem:s26+$0xFFFFFF80] =	vst v0;
	v4 =	vadd.f32 v4, v6  }
0x22d: {  	[tilespmem:s26+$0x80] =	vst v8;
	v8 =	vld [tilespmem:s26+$0xFFFFFF90]  }
0x22e: {  	v2 =	vld [tilespmem:s29+$0xFFFFFFF0];
	[tilespmem:s26+$0xFFFFFE00] =	vst v4  }
0x22f: {  	[tilespmem:s26+$0x0] =	vst v1;
	v62 =	vld [tilespmem:s29+$0xFFFFFF90]  }
0x230: {  	v7 =	vadd.f32 v10, v7;
	v0 =	vld [tilespmem:s29+$0x10]  }
0x231: {  	v1 =	vld [tilespmem:s29+$0x30]  }
0x232: {  	v5 =	vadd.f32 v5, v13;
	[tilespmem:s26+$0x190] =	vst v7;
	v7 =	vld [tilespmem:s26+$0x110]  }
0x233: {  	v6 =	vld [tilespmem:s26+$0x10]  }
0x234: {  	[tilespmem:s26+$0x100] =	vst v5;
	v5 =	vld [tilespmem:s26+$0x90];
	v11 =	vadd.f32 v62, v11  }
0x235: {  	s25 =	simm.s32 $0x0;
	s2 =	simm.s32 $0x4860;
	v10 =	vadd.f32 v14, v63;
	v4 =	vld [tilespmem:s29+$0x50]  }
.LBB2_12:
0x236: {  	v12 =	vld [tilespmem:s2+$0x180];
	[tilespmem:s26+$0xFFFFFE10] =	vst v11;
	v3 =	vadd.f32 v3, v9;
	s29 =	sadd.s32 $0x100, s29  }
0x237: {  	s25 =	sadd.s32 $0x8, s25;
	v9 =	vld [tilespmem:s29+$0x60];
	[tilespmem:s26+$0xFFFFFE90] =	vst v10;
	v2 =	vadd.f32 v2, v8  }
0x238: {  	p1 =	slt.u32 s25, $0x78;
	v8 =	vld [tilespmem:s29+$0xFFFFFF80];
	[tilespmem:s26+$0xFFFFFF10] =	vst v3;
	v0 =	vadd.f32 v0, v6  }
0x239: {  	v3 =	vld [tilespmem:s2+$0xFFFFFE80];
	[tilespmem:s26+$0xFFFFFF90] =	vst v2;
	v1 =	vadd.f32 v1, v5  }
0x23a: {  	v2 =	vld [tilespmem:s29+$0xFFFFFFA0];
	[tilespmem:s26+$0x10] =	vst v0;
	v0 =	vadd.f32 v4, v7  }
0x23b: {  	v4 =	vld [tilespmem:s2+$0xFFFFFF00];
	[tilespmem:s26+$0x90] =	vst v1  }
0x23c: {  	v1 =	vld [tilespmem:s29+$0xFFFFFFC0];
	v5 =	vadd.f32 v9, v12;
	[tilespmem:s26+$0x110] =	vst v0;
	s26 =	smov.u32 s2  }
0x23d: {  	v0 =	vld [tilespmem:s2+$0xFFFFFF80]  }
0x23e: {  	[tilespmem:s2+$0x180] =	vst v5;
	v5 =	vld [tilespmem:s2+$0x190]  }
0x23f: {  	v2 =	vadd.f32 v2, v3;
	v3 =	vld [tilespmem:s29+$0x70]  }
0x240: {  	v6 =	vld [tilespmem:s29+$0xFFFFFFE0]  }
0x241: {  	[tilespmem:s2+$0xFFFFFE80] =	vst v2;
	v1 =	vadd.f32 v1, v4;
	v2 =	vld [tilespmem:s2+$0x0]  }
0x242: {  	v4 =	vld [tilespmem:s29+$0x0]  }
0x243: {  	[tilespmem:s2+$0xFFFFFF00] =	vst v1;
	v1 =	vld [tilespmem:s2+$0x80]  }
0x244: {  	v7 =	vld [tilespmem:s29+$0x20];
	v3 =	vadd.f32 v3, v5  }
0x245: {  	v0 =	vadd.f32 v6, v0;
	v5 =	vld [tilespmem:s2+$0x100]  }
0x246: {  	v6 =	vld [tilespmem:s29+$0x40];
	[tilespmem:s2+$0x190] =	vst v3  }
0x247: {  	v9 =	vld [tilespmem:s2+$0xFFFFFE00];
	[tilespmem:s2+$0xFFFFFF80] =	vst v0;
	v0 =	vadd.f32 v4, v2  }
0x248: {  	v10 =	vld [tilespmem:s29+$0xFFFFFFB0]  }
0x249: {  	v3 =	vld [tilespmem:s29+$0xFFFFFFD0];
	[tilespmem:s2+$0x0] =	vst v0;
	v1 =	vadd.f32 v7, v1  }
0x24a: {  	v2 =	vld [tilespmem:s29+$0xFFFFFFF0]  }
0x24b: {  	v0 =	vld [tilespmem:s29+$0x10];
	[tilespmem:s2+$0x80] =	vst v1;
	v4 =	vadd.f32 v6, v5  }
0x24c: {  	v5 =	vadd.f32 v8, v9;
	v1 =	vld [tilespmem:s29+$0x30]  }
0x24d: {  	v7 =	vld [tilespmem:s2+$0xFFFFFE10];
	[tilespmem:s2+$0x100] =	vst v4  }
0x24e: {  	[tilespmem:s2+$0xFFFFFE00] =	vst v5;
	v4 =	vld [tilespmem:s29+$0x50]  }
0x24f: {  	v5 =	vld [tilespmem:s29+$0xFFFFFF90]  }
0x250: {  	v12 =	vld [tilespmem:s2+$0xFFFFFE90]  }
.Ltmp7:
0x251: {  	v9 =	vld [tilespmem:s2+$0xFFFFFF10];
	(pc) =	sbr.rel @p1 .LBB2_12-.Ltmp7, $4  }
0x252: {  	v8 =	vld [tilespmem:s2+$0xFFFFFF90]  }
0x253: {  	v6 =	vld [tilespmem:s2+$0x10]  }
0x254: {  	v11 =	vadd.f32 v5, v7;
	v5 =	vld [tilespmem:s2+$0x90]  }
0x255: {  	s2 =	sadd.s32 $0x400, s2;
	v10 =	vadd.f32 v10, v12;
	v7 =	vld [tilespmem:s26+$0x110]  }
0x256: {  	[tilespmem:s26+$0xFFFFFE10] =	vst v11;
	v3 =	vadd.f32 v3, v9  }
0x257: {  	[tilespmem:s26+$0xFFFFFE90] =	vst v10;
	v2 =	vadd.f32 v2, v8  }
0x258: {  	[tilespmem:s26+$0xFFFFFF10] =	vst v3;
	v0 =	vadd.f32 v0, v6  }
0x259: {  	[tilespmem:s26+$0xFFFFFF90] =	vst v2;
	v1 =	vadd.f32 v1, v5  }
0x25a: {  	[tilespmem:s26+$0x10] =	vst v0;
	v0 =	vadd.f32 v4, v7  }
0x25b: {  	[tilespmem:s26+$0x90] =	vst v1  }
0x25c: {  	[tilespmem:s26+$0x110] =	vst v0  }
0x25d: {  	s2 =	rddreg [dreg:$0x16]  }
0x25e: {  	[hbm4b:s2+s14] =	stream.linear.scatter [tilespmem:s3], [sflag:$0xA], $0x4000, $0x38;
	[tilespmem:$0x14200] =	vst v63  }
0x25f: {  	_ =	swait.ge [sflag:s16], $0x4000  }
0x260: {  	[sflag:s16] =	ssyncset.done $0x0  }
0x261: {  	s25 =	rddreg [dreg:$0xc];
	[sflag:s16] =	ssyncadd.s32 $0xFFFFC000  }
0x262: {  	[tilespmem:s14], [sflag:$0xD] =	stream.linear.gather [hbm4b:s25+s14], $0x80, $0x38;
	[tilespmem:$0x14200] =	vst v63  }
0x263: {  	_ =	swait.ge [sflag:s0], $0x80  }
0x264: {  	[sflag:s0] =	ssyncset.done $0x0  }
0x265: {  	[sflag:s0] =	ssyncadd.s32 $0xFFFFFF80  }
0x266: {  	[tilespmem:s1], [sflag:$0x1] =	stream.indirect.gather [hbm4b:s28+s30], $0x80, s14, s30, $0xb8;
	[tilespmem:$0x14200] =	vst v63  }
0x267: {  	s26 =	simm.s32 $0x10200  }
0x268: {  	[tilespmem:s26], [sflag:$0x5] =	stream.indirect.gather [hbm4b:s31+s30], $0x20, s14, s30, $0xb8;
	[tilespmem:$0x14200] =	vst v63  }
0x269: {  	_ =	swait.ge [sflag:s17], $0x4000  }
0x26a: {  	[sflag:s17] =	ssyncset.done $0x0  }
0x26b: {  	[sflag:s17] =	ssyncadd.s32 $0xFFFFC000  }
0x26c: {  	_ =	swait.ge [sflag:s18], $0x1000  }
0x26d: {  	[sflag:s18] =	ssyncset.done $0x0  }
0x26e: {  	s26 =	simm.s32 $0x8460;
	[sflag:s18] =	ssyncadd.s32 $0xFFFFF000  }
0x26f: {  	s29 =	simm.s32 $0x12280;
	v0 =	vld [tilespmem:s26+$0x180]  }
0x270: {  	v1 =	vld [tilespmem:s29+$0x60]  }
0x271: {  	v4 =	vld [tilespmem:s29+$0xFFFFFF80]  }
0x272: {  	v2 =	vld [tilespmem:s26+$0xFFFFFE80]  }
0x273: {  	v3 =	vld [tilespmem:s29+$0xFFFFFFA0]  }
0x274: {  	v5 =	vld [tilespmem:s26+$0xFFFFFF00]  }
0x275: {  	v6 =	vld [tilespmem:s26+$0xFFFFFF80]  }
0x276: {  	v7 =	vld [tilespmem:s26+$0x190]  }
0x277: {  	v8 =	vld [tilespmem:s26+$0x0]  }
0x278: {  	v9 =	vld [tilespmem:s29+$0x0]  }
0x279: {  	v11 =	vld [tilespmem:s26+$0x80];
	v0 =	vadd.f32 v1, v0  }
0x27a: {  	v12 =	vld [tilespmem:s29+$0x20]  }
0x27b: {  	[tilespmem:s26+$0x180] =	vst v0;
	v0 =	vld [tilespmem:s29+$0xFFFFFFE0]  }
0x27c: {  	v1 =	vld [tilespmem:s29+$0xFFFFFFC0]  }
0x27d: {  	v13 =	vld [tilespmem:s26+$0x100]  }
0x27e: {  	v63 =	vld [tilespmem:s26+$0xFFFFFE90];
	v2 =	vadd.f32 v3, v2  }
0x27f: {  	v10 =	vld [tilespmem:s29+$0x70]  }
0x280: {  	[tilespmem:s26+$0xFFFFFE80] =	vst v2;
	v0 =	vadd.f32 v0, v6;
	v6 =	vld [tilespmem:s26+$0xFFFFFE00]  }
0x281: {  	v14 =	vld [tilespmem:s29+$0xFFFFFFB0];
	v1 =	vadd.f32 v1, v5  }
0x282: {  	v5 =	vld [tilespmem:s29+$0x40]  }
0x283: {  	[tilespmem:s26+$0xFFFFFF00] =	vst v1;
	v1 =	vadd.f32 v9, v8;
	v8 =	vadd.f32 v12, v11;
	v11 =	vld [tilespmem:s26+$0xFFFFFE10]  }
0x284: {  	v9 =	vld [tilespmem:s26+$0xFFFFFF10]  }
0x285: {  	v3 =	vld [tilespmem:s29+$0xFFFFFFD0];
	[tilespmem:s26+$0xFFFFFF80] =	vst v0;
	v4 =	vadd.f32 v4, v6  }
0x286: {  	[tilespmem:s26+$0x80] =	vst v8;
	v8 =	vld [tilespmem:s26+$0xFFFFFF90]  }
0x287: {  	v2 =	vld [tilespmem:s29+$0xFFFFFFF0];
	[tilespmem:s26+$0xFFFFFE00] =	vst v4  }
0x288: {  	[tilespmem:s26+$0x0] =	vst v1;
	v62 =	vld [tilespmem:s29+$0xFFFFFF90]  }
0x289: {  	v7 =	vadd.f32 v10, v7;
	v0 =	vld [tilespmem:s29+$0x10]  }
0x28a: {  	v1 =	vld [tilespmem:s29+$0x30]  }
0x28b: {  	v5 =	vadd.f32 v5, v13;
	[tilespmem:s26+$0x190] =	vst v7;
	v7 =	vld [tilespmem:s26+$0x110]  }
0x28c: {  	v6 =	vld [tilespmem:s26+$0x10]  }
0x28d: {  	[tilespmem:s26+$0x100] =	vst v5;
	v5 =	vld [tilespmem:s26+$0x90];
	v11 =	vadd.f32 v62, v11  }
0x28e: {  	s2 =	simm.s32 $0x8860;
	s25 =	simm.s32 $0x0;
	v10 =	vadd.f32 v14, v63;
	v4 =	vld [tilespmem:s29+$0x50]  }
.LBB2_14:
0x28f: {  	v12 =	vld [tilespmem:s2+$0x180];
	[tilespmem:s26+$0xFFFFFE10] =	vst v11;
	v3 =	vadd.f32 v3, v9;
	s29 =	sadd.s32 $0x100, s29  }
0x290: {  	s25 =	sadd.s32 $0x8, s25;
	v9 =	vld [tilespmem:s29+$0x60];
	[tilespmem:s26+$0xFFFFFE90] =	vst v10;
	v2 =	vadd.f32 v2, v8  }
0x291: {  	p1 =	slt.u32 s25, $0x78;
	v8 =	vld [tilespmem:s29+$0xFFFFFF80];
	[tilespmem:s26+$0xFFFFFF10] =	vst v3;
	v0 =	vadd.f32 v0, v6  }
0x292: {  	v3 =	vld [tilespmem:s2+$0xFFFFFE80];
	[tilespmem:s26+$0xFFFFFF90] =	vst v2;
	v1 =	vadd.f32 v1, v5  }
0x293: {  	v2 =	vld [tilespmem:s29+$0xFFFFFFA0];
	[tilespmem:s26+$0x10] =	vst v0;
	v0 =	vadd.f32 v4, v7  }
0x294: {  	v4 =	vld [tilespmem:s2+$0xFFFFFF00];
	[tilespmem:s26+$0x90] =	vst v1  }
0x295: {  	v1 =	vld [tilespmem:s29+$0xFFFFFFC0];
	v5 =	vadd.f32 v9, v12;
	[tilespmem:s26+$0x110] =	vst v0;
	s26 =	smov.u32 s2  }
0x296: {  	v0 =	vld [tilespmem:s2+$0xFFFFFF80]  }
0x297: {  	[tilespmem:s2+$0x180] =	vst v5;
	v5 =	vld [tilespmem:s2+$0x190]  }
0x298: {  	v2 =	vadd.f32 v2, v3;
	v3 =	vld [tilespmem:s29+$0x70]  }
0x299: {  	v6 =	vld [tilespmem:s29+$0xFFFFFFE0]  }
0x29a: {  	[tilespmem:s2+$0xFFFFFE80] =	vst v2;
	v1 =	vadd.f32 v1, v4;
	v2 =	vld [tilespmem:s2+$0x0]  }
0x29b: {  	v4 =	vld [tilespmem:s29+$0x0]  }
0x29c: {  	[tilespmem:s2+$0xFFFFFF00] =	vst v1;
	v1 =	vld [tilespmem:s2+$0x80]  }
0x29d: {  	v7 =	vld [tilespmem:s29+$0x20];
	v3 =	vadd.f32 v3, v5  }
0x29e: {  	v0 =	vadd.f32 v6, v0;
	v5 =	vld [tilespmem:s2+$0x100]  }
0x29f: {  	v6 =	vld [tilespmem:s29+$0x40];
	[tilespmem:s2+$0x190] =	vst v3  }
0x2a0: {  	v9 =	vld [tilespmem:s2+$0xFFFFFE00];
	[tilespmem:s2+$0xFFFFFF80] =	vst v0;
	v0 =	vadd.f32 v4, v2  }
0x2a1: {  	v10 =	vld [tilespmem:s29+$0xFFFFFFB0]  }
0x2a2: {  	v3 =	vld [tilespmem:s29+$0xFFFFFFD0];
	[tilespmem:s2+$0x0] =	vst v0;
	v1 =	vadd.f32 v7, v1  }
0x2a3: {  	v2 =	vld [tilespmem:s29+$0xFFFFFFF0]  }
0x2a4: {  	v0 =	vld [tilespmem:s29+$0x10];
	[tilespmem:s2+$0x80] =	vst v1;
	v4 =	vadd.f32 v6, v5  }
0x2a5: {  	v5 =	vadd.f32 v8, v9;
	v1 =	vld [tilespmem:s29+$0x30]  }
0x2a6: {  	v7 =	vld [tilespmem:s2+$0xFFFFFE10];
	[tilespmem:s2+$0x100] =	vst v4  }
0x2a7: {  	[tilespmem:s2+$0xFFFFFE00] =	vst v5;
	v4 =	vld [tilespmem:s29+$0x50]  }
0x2a8: {  	v5 =	vld [tilespmem:s29+$0xFFFFFF90]  }
0x2a9: {  	v12 =	vld [tilespmem:s2+$0xFFFFFE90]  }
.Ltmp8:
0x2aa: {  	v9 =	vld [tilespmem:s2+$0xFFFFFF10];
	(pc) =	sbr.rel @p1 .LBB2_14-.Ltmp8, $4  }
0x2ab: {  	v8 =	vld [tilespmem:s2+$0xFFFFFF90]  }
0x2ac: {  	v6 =	vld [tilespmem:s2+$0x10]  }
0x2ad: {  	v11 =	vadd.f32 v5, v7;
	v5 =	vld [tilespmem:s2+$0x90]  }
0x2ae: {  	s2 =	sadd.s32 $0x400, s2;
	v10 =	vadd.f32 v10, v12;
	v7 =	vld [tilespmem:s26+$0x110]  }
0x2af: {  	[tilespmem:s26+$0xFFFFFE10] =	vst v11;
	v3 =	vadd.f32 v3, v9  }
0x2b0: {  	[tilespmem:s26+$0xFFFFFE90] =	vst v10;
	v2 =	vadd.f32 v2, v8  }
0x2b1: {  	[tilespmem:s26+$0xFFFFFF10] =	vst v3;
	v0 =	vadd.f32 v0, v6  }
0x2b2: {  	[tilespmem:s26+$0xFFFFFF90] =	vst v2;
	v1 =	vadd.f32 v1, v5  }
0x2b3: {  	[tilespmem:s26+$0x10] =	vst v0;
	v0 =	vadd.f32 v4, v7  }
0x2b4: {  	[tilespmem:s26+$0x90] =	vst v1  }
0x2b5: {  	[tilespmem:s26+$0x110] =	vst v0  }
0x2b6: {  	s2 =	rddreg [dreg:$0x17]  }
0x2b7: {  	[hbm4b:s2+s14] =	stream.linear.scatter [tilespmem:s6], [sflag:$0xB], $0x4000, $0x38;
	[tilespmem:$0x14200] =	vst v63  }
0x2b8: {  	_ =	swait.ge [sflag:s19], $0x4000  }
0x2b9: {  	[sflag:s19] =	ssyncset.done $0x0  }
0x2ba: {  	s26 =	rddreg [dreg:$0xd];
	[sflag:s19] =	ssyncadd.s32 $0xFFFFC000  }
0x2bb: {  	[tilespmem:s30], [sflag:$0xD] =	stream.linear.gather [hbm4b:s26+s14], $0x80, $0x38;
	[tilespmem:$0x14200] =	vst v63  }
0x2bc: {  	_ =	swait.ge [sflag:s0], $0x80  }
0x2bd: {  	[sflag:s0] =	ssyncset.done $0x0  }
0x2be: {  	[sflag:s0] =	ssyncadd.s32 $0xFFFFFF80  }
0x2bf: {  	[tilespmem:s3], [sflag:$0x2] =	stream.indirect.gather [hbm4b:s28+s30], $0x80, s30, s30, $0xb8;
	[tilespmem:$0x14200] =	vst v63  }
0x2c0: {  	_ = 	snop  }
0x2c1: {  	[tilespmem:s4], [sflag:$0x6] =	stream.indirect.gather [hbm4b:s31+s30], $0x20, s30, s30, $0xb8;
	[tilespmem:$0x14200] =	vst v63  }
0x2c2: {  	_ =	swait.ge [sflag:s20], $0x4000  }
0x2c3: {  	[sflag:s20] =	ssyncset.done $0x0  }
0x2c4: {  	[sflag:s20] =	ssyncadd.s32 $0xFFFFC000  }
0x2c5: {  	_ =	swait.ge [sflag:s21], $0x1000  }
0x2c6: {  	[sflag:s21] =	ssyncset.done $0x0  }
0x2c7: {  	s26 =	simm.s32 $0xC460;
	[sflag:s21] =	ssyncadd.s32 $0xFFFFF000  }
0x2c8: {  	s29 =	simm.s32 $0x13280;
	v0 =	vld [tilespmem:s26+$0x180]  }
0x2c9: {  	v1 =	vld [tilespmem:s29+$0x60]  }
0x2ca: {  	v4 =	vld [tilespmem:s29+$0xFFFFFF80]  }
0x2cb: {  	v2 =	vld [tilespmem:s26+$0xFFFFFE80]  }
0x2cc: {  	v3 =	vld [tilespmem:s29+$0xFFFFFFA0]  }
0x2cd: {  	v5 =	vld [tilespmem:s26+$0xFFFFFF00]  }
0x2ce: {  	v6 =	vld [tilespmem:s26+$0xFFFFFF80]  }
0x2cf: {  	v7 =	vld [tilespmem:s26+$0x190]  }
0x2d0: {  	v8 =	vld [tilespmem:s26+$0x0]  }
0x2d1: {  	v9 =	vld [tilespmem:s29+$0x0]  }
0x2d2: {  	v11 =	vld [tilespmem:s26+$0x80];
	v0 =	vadd.f32 v1, v0  }
0x2d3: {  	v12 =	vld [tilespmem:s29+$0x20]  }
0x2d4: {  	[tilespmem:s26+$0x180] =	vst v0;
	v0 =	vld [tilespmem:s29+$0xFFFFFFE0]  }
0x2d5: {  	v1 =	vld [tilespmem:s29+$0xFFFFFFC0]  }
0x2d6: {  	v13 =	vld [tilespmem:s26+$0x100]  }
0x2d7: {  	v63 =	vld [tilespmem:s26+$0xFFFFFE90];
	v2 =	vadd.f32 v3, v2  }
0x2d8: {  	v10 =	vld [tilespmem:s29+$0x70]  }
0x2d9: {  	[tilespmem:s26+$0xFFFFFE80] =	vst v2;
	v0 =	vadd.f32 v0, v6;
	v6 =	vld [tilespmem:s26+$0xFFFFFE00]  }
0x2da: {  	v14 =	vld [tilespmem:s29+$0xFFFFFFB0];
	v1 =	vadd.f32 v1, v5  }
0x2db: {  	v5 =	vld [tilespmem:s29+$0x40]  }
0x2dc: {  	[tilespmem:s26+$0xFFFFFF00] =	vst v1;
	v1 =	vadd.f32 v9, v8;
	v8 =	vadd.f32 v12, v11;
	v11 =	vld [tilespmem:s26+$0xFFFFFE10]  }
0x2dd: {  	v9 =	vld [tilespmem:s26+$0xFFFFFF10]  }
0x2de: {  	v3 =	vld [tilespmem:s29+$0xFFFFFFD0];
	[tilespmem:s26+$0xFFFFFF80] =	vst v0;
	v4 =	vadd.f32 v4, v6  }
0x2df: {  	[tilespmem:s26+$0x80] =	vst v8;
	v8 =	vld [tilespmem:s26+$0xFFFFFF90]  }
0x2e0: {  	v2 =	vld [tilespmem:s29+$0xFFFFFFF0];
	[tilespmem:s26+$0xFFFFFE00] =	vst v4  }
0x2e1: {  	[tilespmem:s26+$0x0] =	vst v1;
	v62 =	vld [tilespmem:s29+$0xFFFFFF90]  }
0x2e2: {  	v7 =	vadd.f32 v10, v7;
	v0 =	vld [tilespmem:s29+$0x10]  }
0x2e3: {  	v1 =	vld [tilespmem:s29+$0x30]  }
0x2e4: {  	v5 =	vadd.f32 v5, v13;
	[tilespmem:s26+$0x190] =	vst v7;
	v7 =	vld [tilespmem:s26+$0x110]  }
0x2e5: {  	v6 =	vld [tilespmem:s26+$0x10]  }
0x2e6: {  	[tilespmem:s26+$0x100] =	vst v5;
	v5 =	vld [tilespmem:s26+$0x90];
	v11 =	vadd.f32 v62, v11  }
0x2e7: {  	s25 =	simm.s32 $0x0;
	s2 =	simm.s32 $0xC860;
	v10 =	vadd.f32 v14, v63;
	v4 =	vld [tilespmem:s29+$0x50]  }
.LBB2_16:
0x2e8: {  	v12 =	vld [tilespmem:s2+$0x180];
	[tilespmem:s26+$0xFFFFFE10] =	vst v11;
	v3 =	vadd.f32 v3, v9;
	s29 =	sadd.s32 $0x100, s29  }
0x2e9: {  	s25 =	sadd.s32 $0x8, s25;
	v9 =	vld [tilespmem:s29+$0x60];
	[tilespmem:s26+$0xFFFFFE90] =	vst v10;
	v2 =	vadd.f32 v2, v8  }
0x2ea: {  	p1 =	slt.u32 s25, $0x78;
	v8 =	vld [tilespmem:s29+$0xFFFFFF80];
	[tilespmem:s26+$0xFFFFFF10] =	vst v3;
	v0 =	vadd.f32 v0, v6  }
0x2eb: {  	v3 =	vld [tilespmem:s2+$0xFFFFFE80];
	[tilespmem:s26+$0xFFFFFF90] =	vst v2;
	v1 =	vadd.f32 v1, v5  }
0x2ec: {  	v2 =	vld [tilespmem:s29+$0xFFFFFFA0];
	[tilespmem:s26+$0x10] =	vst v0;
	v0 =	vadd.f32 v4, v7  }
0x2ed: {  	v4 =	vld [tilespmem:s2+$0xFFFFFF00];
	[tilespmem:s26+$0x90] =	vst v1  }
0x2ee: {  	v1 =	vld [tilespmem:s29+$0xFFFFFFC0];
	v5 =	vadd.f32 v9, v12;
	[tilespmem:s26+$0x110] =	vst v0;
	s26 =	smov.u32 s2  }
0x2ef: {  	v0 =	vld [tilespmem:s2+$0xFFFFFF80]  }
0x2f0: {  	[tilespmem:s2+$0x180] =	vst v5;
	v5 =	vld [tilespmem:s2+$0x190]  }
0x2f1: {  	v2 =	vadd.f32 v2, v3;
	v3 =	vld [tilespmem:s29+$0x70]  }
0x2f2: {  	v6 =	vld [tilespmem:s29+$0xFFFFFFE0]  }
0x2f3: {  	[tilespmem:s2+$0xFFFFFE80] =	vst v2;
	v1 =	vadd.f32 v1, v4;
	v2 =	vld [tilespmem:s2+$0x0]  }
0x2f4: {  	v4 =	vld [tilespmem:s29+$0x0]  }
0x2f5: {  	[tilespmem:s2+$0xFFFFFF00] =	vst v1;
	v1 =	vld [tilespmem:s2+$0x80]  }
0x2f6: {  	v7 =	vld [tilespmem:s29+$0x20];
	v3 =	vadd.f32 v3, v5  }
0x2f7: {  	v0 =	vadd.f32 v6, v0;
	v5 =	vld [tilespmem:s2+$0x100]  }
0x2f8: {  	v6 =	vld [tilespmem:s29+$0x40];
	[tilespmem:s2+$0x190] =	vst v3  }
0x2f9: {  	v9 =	vld [tilespmem:s2+$0xFFFFFE00];
	[tilespmem:s2+$0xFFFFFF80] =	vst v0;
	v0 =	vadd.f32 v4, v2  }
0x2fa: {  	v10 =	vld [tilespmem:s29+$0xFFFFFFB0]  }
0x2fb: {  	v3 =	vld [tilespmem:s29+$0xFFFFFFD0];
	[tilespmem:s2+$0x0] =	vst v0;
	v1 =	vadd.f32 v7, v1  }
0x2fc: {  	v2 =	vld [tilespmem:s29+$0xFFFFFFF0]  }
0x2fd: {  	v0 =	vld [tilespmem:s29+$0x10];
	[tilespmem:s2+$0x80] =	vst v1;
	v4 =	vadd.f32 v6, v5  }
0x2fe: {  	v5 =	vadd.f32 v8, v9;
	v1 =	vld [tilespmem:s29+$0x30]  }
0x2ff: {  	v7 =	vld [tilespmem:s2+$0xFFFFFE10];
	[tilespmem:s2+$0x100] =	vst v4  }
0x300: {  	[tilespmem:s2+$0xFFFFFE00] =	vst v5;
	v4 =	vld [tilespmem:s29+$0x50]  }
0x301: {  	v5 =	vld [tilespmem:s29+$0xFFFFFF90]  }
0x302: {  	v12 =	vld [tilespmem:s2+$0xFFFFFE90]  }
.Ltmp9:
0x303: {  	v9 =	vld [tilespmem:s2+$0xFFFFFF10];
	(pc) =	sbr.rel @p1 .LBB2_16-.Ltmp9, $4  }
0x304: {  	v8 =	vld [tilespmem:s2+$0xFFFFFF90]  }
0x305: {  	v6 =	vld [tilespmem:s2+$0x10]  }
0x306: {  	v11 =	vadd.f32 v5, v7;
	v5 =	vld [tilespmem:s2+$0x90]  }
0x307: {  	s2 =	sadd.s32 $0x400, s2;
	v10 =	vadd.f32 v10, v12;
	v7 =	vld [tilespmem:s26+$0x110]  }
0x308: {  	[tilespmem:s26+$0xFFFFFE10] =	vst v11;
	v3 =	vadd.f32 v3, v9  }
0x309: {  	[tilespmem:s26+$0xFFFFFE90] =	vst v10;
	v2 =	vadd.f32 v2, v8  }
0x30a: {  	[tilespmem:s26+$0xFFFFFF10] =	vst v3;
	v0 =	vadd.f32 v0, v6  }
0x30b: {  	[tilespmem:s26+$0xFFFFFF90] =	vst v2;
	v1 =	vadd.f32 v1, v5  }
0x30c: {  	[tilespmem:s26+$0x10] =	vst v0;
	v0 =	vadd.f32 v4, v7  }
0x30d: {  	[tilespmem:s26+$0x90] =	vst v1  }
0x30e: {  	[tilespmem:s26+$0x110] =	vst v0  }
0x30f: {  	s2 =	rddreg [dreg:$0x18]  }
0x310: {  	[hbm4b:s2+s14] =	stream.linear.scatter [tilespmem:s11], [sflag:$0xC], $0x4000, $0x38;
	[tilespmem:$0x14200] =	vst v63  }
0x311: {  	_ =	swait.ge [sflag:s22], $0x4000  }
0x312: {  	[sflag:s22] =	ssyncset.done $0x0  }
0x313: {  	s26 =	rddreg [dreg:$0xe];
	[sflag:s22] =	ssyncadd.s32 $0xFFFFC000  }
0x314: {  	[tilespmem:s5], [sflag:$0xD] =	stream.linear.gather [hbm4b:s26+s14], $0x80, $0x38;
	[tilespmem:$0x14200] =	vst v63  }
0x315: {  	_ =	swait.ge [sflag:s0], $0x80  }
0x316: {  	[sflag:s0] =	ssyncset.done $0x0  }
0x317: {  	[sflag:s0] =	ssyncadd.s32 $0xFFFFFF80  }
0x318: {  	[tilespmem:s6], [sflag:$0x3] =	stream.indirect.gather [hbm4b:s28+s30], $0x80, s5, s30, $0xb8;
	[tilespmem:$0x14200] =	vst v63  }
0x319: {  	_ = 	snop  }
0x31a: {  	[tilespmem:s7], [sflag:$0x7] =	stream.indirect.gather [hbm4b:s31+s30], $0x20, s5, s30, $0xb8;
	[tilespmem:$0x14200] =	vst v63  }
0x31b: {  	_ =	swait.ge [sflag:s8], $0x4000  }
0x31c: {  	[sflag:s8] =	ssyncset.done $0x0  }
0x31d: {  	[sflag:s8] =	ssyncadd.s32 $0xFFFFC000  }
0x31e: {  	_ =	swait.ge [sflag:s9], $0x1000  }
0x31f: {  	[sflag:s9] =	ssyncset.done $0x0  }
0x320: {  	s26 =	simm.s32 $0x460;
	[sflag:s9] =	ssyncadd.s32 $0xFFFFF000  }
0x321: {  	s29 =	simm.s32 $0x10280;
	v0 =	vld [tilespmem:s26+$0x180]  }
0x322: {  	v1 =	vld [tilespmem:s29+$0x60]  }
0x323: {  	v4 =	vld [tilespmem:s29+$0xFFFFFF80]  }
0x324: {  	v2 =	vld [tilespmem:s26+$0xFFFFFE80]  }
0x325: {  	v3 =	vld [tilespmem:s29+$0xFFFFFFA0]  }
0x326: {  	v5 =	vld [tilespmem:s26+$0xFFFFFF00]  }
0x327: {  	v6 =	vld [tilespmem:s26+$0xFFFFFF80]  }
0x328: {  	v7 =	vld [tilespmem:s26+$0x190]  }
0x329: {  	v8 =	vld [tilespmem:s26+$0x0]  }
0x32a: {  	v9 =	vld [tilespmem:s29+$0x0]  }
0x32b: {  	v11 =	vld [tilespmem:s26+$0x80];
	v0 =	vadd.f32 v1, v0  }
0x32c: {  	v12 =	vld [tilespmem:s29+$0x20]  }
0x32d: {  	[tilespmem:s26+$0x180] =	vst v0;
	v0 =	vld [tilespmem:s29+$0xFFFFFFE0]  }
0x32e: {  	v1 =	vld [tilespmem:s29+$0xFFFFFFC0]  }
0x32f: {  	v13 =	vld [tilespmem:s26+$0x100]  }
0x330: {  	v63 =	vld [tilespmem:s26+$0xFFFFFE90];
	v2 =	vadd.f32 v3, v2  }
0x331: {  	v10 =	vld [tilespmem:s29+$0x70]  }
0x332: {  	[tilespmem:s26+$0xFFFFFE80] =	vst v2;
	v0 =	vadd.f32 v0, v6;
	v6 =	vld [tilespmem:s26+$0xFFFFFE00]  }
0x333: {  	v14 =	vld [tilespmem:s29+$0xFFFFFFB0];
	v1 =	vadd.f32 v1, v5  }
0x334: {  	v5 =	vld [tilespmem:s29+$0x40]  }
0x335: {  	[tilespmem:s26+$0xFFFFFF00] =	vst v1;
	v1 =	vadd.f32 v9, v8;
	v8 =	vadd.f32 v12, v11;
	v11 =	vld [tilespmem:s26+$0xFFFFFE10]  }
0x336: {  	v9 =	vld [tilespmem:s26+$0xFFFFFF10]  }
0x337: {  	v3 =	vld [tilespmem:s29+$0xFFFFFFD0];
	[tilespmem:s26+$0xFFFFFF80] =	vst v0;
	v4 =	vadd.f32 v4, v6  }
0x338: {  	[tilespmem:s26+$0x80] =	vst v8;
	v8 =	vld [tilespmem:s26+$0xFFFFFF90]  }
0x339: {  	v2 =	vld [tilespmem:s29+$0xFFFFFFF0];
	[tilespmem:s26+$0xFFFFFE00] =	vst v4  }
0x33a: {  	[tilespmem:s26+$0x0] =	vst v1;
	v62 =	vld [tilespmem:s29+$0xFFFFFF90]  }
0x33b: {  	v7 =	vadd.f32 v10, v7;
	v0 =	vld [tilespmem:s29+$0x10]  }
0x33c: {  	v1 =	vld [tilespmem:s29+$0x30]  }
0x33d: {  	v5 =	vadd.f32 v5, v13;
	[tilespmem:s26+$0x190] =	vst v7;
	v7 =	vld [tilespmem:s26+$0x110]  }
0x33e: {  	v6 =	vld [tilespmem:s26+$0x10]  }
0x33f: {  	[tilespmem:s26+$0x100] =	vst v5;
	v5 =	vld [tilespmem:s26+$0x90];
	v11 =	vadd.f32 v62, v11  }
0x340: {  	s25 =	simm.s32 $0x0;
	s2 =	simm.s32 $0x860;
	v10 =	vadd.f32 v14, v63;
	v4 =	vld [tilespmem:s29+$0x50]  }
.LBB2_18:
0x341: {  	v12 =	vld [tilespmem:s2+$0x180];
	[tilespmem:s26+$0xFFFFFE10] =	vst v11;
	v3 =	vadd.f32 v3, v9;
	s29 =	sadd.s32 $0x100, s29  }
0x342: {  	s25 =	sadd.s32 $0x8, s25;
	v9 =	vld [tilespmem:s29+$0x60];
	[tilespmem:s26+$0xFFFFFE90] =	vst v10;
	v2 =	vadd.f32 v2, v8  }
0x343: {  	p1 =	slt.u32 s25, $0x78;
	v8 =	vld [tilespmem:s29+$0xFFFFFF80];
	[tilespmem:s26+$0xFFFFFF10] =	vst v3;
	v0 =	vadd.f32 v0, v6  }
0x344: {  	v3 =	vld [tilespmem:s2+$0xFFFFFE80];
	[tilespmem:s26+$0xFFFFFF90] =	vst v2;
	v1 =	vadd.f32 v1, v5  }
0x345: {  	v2 =	vld [tilespmem:s29+$0xFFFFFFA0];
	[tilespmem:s26+$0x10] =	vst v0;
	v0 =	vadd.f32 v4, v7  }
0x346: {  	v4 =	vld [tilespmem:s2+$0xFFFFFF00];
	[tilespmem:s26+$0x90] =	vst v1  }
0x347: {  	v1 =	vld [tilespmem:s29+$0xFFFFFFC0];
	v5 =	vadd.f32 v9, v12;
	[tilespmem:s26+$0x110] =	vst v0;
	s26 =	smov.u32 s2  }
0x348: {  	v0 =	vld [tilespmem:s2+$0xFFFFFF80]  }
0x349: {  	[tilespmem:s2+$0x180] =	vst v5;
	v5 =	vld [tilespmem:s2+$0x190]  }
0x34a: {  	v2 =	vadd.f32 v2, v3;
	v3 =	vld [tilespmem:s29+$0x70]  }
0x34b: {  	v6 =	vld [tilespmem:s29+$0xFFFFFFE0]  }
0x34c: {  	[tilespmem:s2+$0xFFFFFE80] =	vst v2;
	v1 =	vadd.f32 v1, v4;
	v2 =	vld [tilespmem:s2+$0x0]  }
0x34d: {  	v4 =	vld [tilespmem:s29+$0x0]  }
0x34e: {  	[tilespmem:s2+$0xFFFFFF00] =	vst v1;
	v1 =	vld [tilespmem:s2+$0x80]  }
0x34f: {  	v7 =	vld [tilespmem:s29+$0x20];
	v3 =	vadd.f32 v3, v5  }
0x350: {  	v0 =	vadd.f32 v6, v0;
	v5 =	vld [tilespmem:s2+$0x100]  }
0x351: {  	v6 =	vld [tilespmem:s29+$0x40];
	[tilespmem:s2+$0x190] =	vst v3  }
0x352: {  	v9 =	vld [tilespmem:s2+$0xFFFFFE00];
	[tilespmem:s2+$0xFFFFFF80] =	vst v0;
	v0 =	vadd.f32 v4, v2  }
0x353: {  	v10 =	vld [tilespmem:s29+$0xFFFFFFB0]  }
0x354: {  	v3 =	vld [tilespmem:s29+$0xFFFFFFD0];
	[tilespmem:s2+$0x0] =	vst v0;
	v1 =	vadd.f32 v7, v1  }
0x355: {  	v2 =	vld [tilespmem:s29+$0xFFFFFFF0]  }
0x356: {  	v0 =	vld [tilespmem:s29+$0x10];
	[tilespmem:s2+$0x80] =	vst v1;
	v4 =	vadd.f32 v6, v5  }
0x357: {  	v5 =	vadd.f32 v8, v9;
	v1 =	vld [tilespmem:s29+$0x30]  }
0x358: {  	v7 =	vld [tilespmem:s2+$0xFFFFFE10];
	[tilespmem:s2+$0x100] =	vst v4  }
0x359: {  	[tilespmem:s2+$0xFFFFFE00] =	vst v5;
	v4 =	vld [tilespmem:s29+$0x50]  }
0x35a: {  	v5 =	vld [tilespmem:s29+$0xFFFFFF90]  }
0x35b: {  	v12 =	vld [tilespmem:s2+$0xFFFFFE90]  }
.Ltmp10:
0x35c: {  	v9 =	vld [tilespmem:s2+$0xFFFFFF10];
	(pc) =	sbr.rel @p1 .LBB2_18-.Ltmp10, $4  }
0x35d: {  	v8 =	vld [tilespmem:s2+$0xFFFFFF90]  }
0x35e: {  	v6 =	vld [tilespmem:s2+$0x10]  }
0x35f: {  	v11 =	vadd.f32 v5, v7;
	v5 =	vld [tilespmem:s2+$0x90]  }
0x360: {  	s2 =	sadd.s32 $0x400, s2;
	v10 =	vadd.f32 v10, v12;
	v7 =	vld [tilespmem:s26+$0x110]  }
0x361: {  	[tilespmem:s26+$0xFFFFFE10] =	vst v11;
	v3 =	vadd.f32 v3, v9  }
0x362: {  	[tilespmem:s26+$0xFFFFFE90] =	vst v10;
	v2 =	vadd.f32 v2, v8  }
0x363: {  	[tilespmem:s26+$0xFFFFFF10] =	vst v3;
	v0 =	vadd.f32 v0, v6  }
0x364: {  	[tilespmem:s26+$0xFFFFFF90] =	vst v2;
	v1 =	vadd.f32 v1, v5  }
0x365: {  	[tilespmem:s26+$0x10] =	vst v0;
	v0 =	vadd.f32 v4, v7  }
0x366: {  	[tilespmem:s26+$0x90] =	vst v1  }
0x367: {  	[tilespmem:s26+$0x110] =	vst v0  }
0x368: {  	s2 =	rddreg [dreg:$0x19]  }
0x369: {  	[hbm4b:s2+s14] =	stream.linear.scatter [tilespmem:s1], [sflag:$0x9], $0x4000, $0x38;
	[tilespmem:$0x14200] =	vst v63  }
0x36a: {  	_ =	swait.ge [sflag:s23], $0x4000  }
0x36b: {  	[sflag:s23] =	ssyncset.done $0x0  }
0x36c: {  	s26 =	rddreg [dreg:$0xf];
	[sflag:s23] =	ssyncadd.s32 $0xFFFFC000  }
0x36d: {  	[tilespmem:s10], [sflag:$0xD] =	stream.linear.gather [hbm4b:s26+s14], $0x80, $0x38;
	[tilespmem:$0x14200] =	vst v63  }
0x36e: {  	_ =	swait.ge [sflag:s0], $0x80  }
0x36f: {  	[sflag:s0] =	ssyncset.done $0x0  }
0x370: {  	[sflag:s0] =	ssyncadd.s32 $0xFFFFFF80  }
0x371: {  	[tilespmem:s11], [sflag:$0x4] =	stream.indirect.gather [hbm4b:s28+s30], $0x80, s10, s30, $0xb8;
	[tilespmem:$0x14200] =	vst v63  }
0x372: {  	_ = 	snop  }
0x373: {  	[tilespmem:s12], [sflag:$0x8] =	stream.indirect.gather [hbm4b:s31+s30], $0x20, s10, s30, $0xb8;
	[tilespmem:$0x14200] =	vst v63  }
0x374: {  	_ =	swait.ge [sflag:s13], $0x4000  }
0x375: {  	[sflag:s13] =	ssyncset.done $0x0  }
0x376: {  	[sflag:s13] =	ssyncadd.s32 $0xFFFFC000  }
0x377: {  	_ =	swait.ge [sflag:s15], $0x1000  }
0x378: {  	[sflag:s15] =	ssyncset.done $0x0  }
0x379: {  	s26 =	simm.s32 $0x4460;
	[sflag:s15] =	ssyncadd.s32 $0xFFFFF000  }
0x37a: {  	s29 =	simm.s32 $0x11280;
	v0 =	vld [tilespmem:s26+$0x180]  }
0x37b: {  	v1 =	vld [tilespmem:s29+$0x60]  }
0x37c: {  	v4 =	vld [tilespmem:s29+$0xFFFFFF80]  }
0x37d: {  	v2 =	vld [tilespmem:s26+$0xFFFFFE80]  }
0x37e: {  	v3 =	vld [tilespmem:s29+$0xFFFFFFA0]  }
0x37f: {  	v5 =	vld [tilespmem:s26+$0xFFFFFF00]  }
0x380: {  	v6 =	vld [tilespmem:s26+$0xFFFFFF80]  }
0x381: {  	v7 =	vld [tilespmem:s26+$0x190]  }
0x382: {  	v8 =	vld [tilespmem:s26+$0x0]  }
0x383: {  	v9 =	vld [tilespmem:s29+$0x0]  }
0x384: {  	v11 =	vld [tilespmem:s26+$0x80];
	v0 =	vadd.f32 v1, v0  }
0x385: {  	v12 =	vld [tilespmem:s29+$0x20]  }
0x386: {  	[tilespmem:s26+$0x180] =	vst v0;
	v0 =	vld [tilespmem:s29+$0xFFFFFFE0]  }
0x387: {  	v1 =	vld [tilespmem:s29+$0xFFFFFFC0]  }
0x388: {  	v13 =	vld [tilespmem:s26+$0x100]  }
0x389: {  	v63 =	vld [tilespmem:s26+$0xFFFFFE90];
	v2 =	vadd.f32 v3, v2  }
0x38a: {  	v10 =	vld [tilespmem:s29+$0x70]  }
0x38b: {  	[tilespmem:s26+$0xFFFFFE80] =	vst v2;
	v0 =	vadd.f32 v0, v6;
	v6 =	vld [tilespmem:s26+$0xFFFFFE00]  }
0x38c: {  	v14 =	vld [tilespmem:s29+$0xFFFFFFB0];
	v1 =	vadd.f32 v1, v5  }
0x38d: {  	v5 =	vld [tilespmem:s29+$0x40]  }
0x38e: {  	[tilespmem:s26+$0xFFFFFF00] =	vst v1;
	v1 =	vadd.f32 v9, v8;
	v8 =	vadd.f32 v12, v11;
	v11 =	vld [tilespmem:s26+$0xFFFFFE10]  }
0x38f: {  	v9 =	vld [tilespmem:s26+$0xFFFFFF10]  }
0x390: {  	v3 =	vld [tilespmem:s29+$0xFFFFFFD0];
	[tilespmem:s26+$0xFFFFFF80] =	vst v0;
	v4 =	vadd.f32 v4, v6  }
0x391: {  	[tilespmem:s26+$0x80] =	vst v8;
	v8 =	vld [tilespmem:s26+$0xFFFFFF90]  }
0x392: {  	v2 =	vld [tilespmem:s29+$0xFFFFFFF0];
	[tilespmem:s26+$0xFFFFFE00] =	vst v4  }
0x393: {  	[tilespmem:s26+$0x0] =	vst v1;
	v62 =	vld [tilespmem:s29+$0xFFFFFF90]  }
0x394: {  	v7 =	vadd.f32 v10, v7;
	v0 =	vld [tilespmem:s29+$0x10]  }
0x395: {  	v1 =	vld [tilespmem:s29+$0x30]  }
0x396: {  	v5 =	vadd.f32 v5, v13;
	[tilespmem:s26+$0x190] =	vst v7;
	v7 =	vld [tilespmem:s26+$0x110]  }
0x397: {  	v6 =	vld [tilespmem:s26+$0x10]  }
0x398: {  	[tilespmem:s26+$0x100] =	vst v5;
	v5 =	vld [tilespmem:s26+$0x90];
	v11 =	vadd.f32 v62, v11  }
0x399: {  	s25 =	simm.s32 $0x0;
	s2 =	simm.s32 $0x4860;
	v10 =	vadd.f32 v14, v63;
	v4 =	vld [tilespmem:s29+$0x50]  }
.LBB2_20:
0x39a: {  	v12 =	vld [tilespmem:s2+$0x180];
	[tilespmem:s26+$0xFFFFFE10] =	vst v11;
	v3 =	vadd.f32 v3, v9;
	s29 =	sadd.s32 $0x100, s29  }
0x39b: {  	s25 =	sadd.s32 $0x8, s25;
	v9 =	vld [tilespmem:s29+$0x60];
	[tilespmem:s26+$0xFFFFFE90] =	vst v10;
	v2 =	vadd.f32 v2, v8  }
0x39c: {  	p1 =	slt.u32 s25, $0x78;
	v8 =	vld [tilespmem:s29+$0xFFFFFF80];
	[tilespmem:s26+$0xFFFFFF10] =	vst v3;
	v0 =	vadd.f32 v0, v6  }
0x39d: {  	v3 =	vld [tilespmem:s2+$0xFFFFFE80];
	[tilespmem:s26+$0xFFFFFF90] =	vst v2;
	v1 =	vadd.f32 v1, v5  }
0x39e: {  	v2 =	vld [tilespmem:s29+$0xFFFFFFA0];
	[tilespmem:s26+$0x10] =	vst v0;
	v0 =	vadd.f32 v4, v7  }
0x39f: {  	v4 =	vld [tilespmem:s2+$0xFFFFFF00];
	[tilespmem:s26+$0x90] =	vst v1  }
0x3a0: {  	v1 =	vld [tilespmem:s29+$0xFFFFFFC0];
	v5 =	vadd.f32 v9, v12;
	[tilespmem:s26+$0x110] =	vst v0;
	s26 =	smov.u32 s2  }
0x3a1: {  	v0 =	vld [tilespmem:s2+$0xFFFFFF80]  }
0x3a2: {  	[tilespmem:s2+$0x180] =	vst v5;
	v5 =	vld [tilespmem:s2+$0x190]  }
0x3a3: {  	v2 =	vadd.f32 v2, v3;
	v3 =	vld [tilespmem:s29+$0x70]  }
0x3a4: {  	v6 =	vld [tilespmem:s29+$0xFFFFFFE0]  }
0x3a5: {  	[tilespmem:s2+$0xFFFFFE80] =	vst v2;
	v1 =	vadd.f32 v1, v4;
	v2 =	vld [tilespmem:s2+$0x0]  }
0x3a6: {  	v4 =	vld [tilespmem:s29+$0x0]  }
0x3a7: {  	[tilespmem:s2+$0xFFFFFF00] =	vst v1;
	v1 =	vld [tilespmem:s2+$0x80]  }
0x3a8: {  	v7 =	vld [tilespmem:s29+$0x20];
	v3 =	vadd.f32 v3, v5  }
0x3a9: {  	v0 =	vadd.f32 v6, v0;
	v5 =	vld [tilespmem:s2+$0x100]  }
0x3aa: {  	v6 =	vld [tilespmem:s29+$0x40];
	[tilespmem:s2+$0x190] =	vst v3  }
0x3ab: {  	v9 =	vld [tilespmem:s2+$0xFFFFFE00];
	[tilespmem:s2+$0xFFFFFF80] =	vst v0;
	v0 =	vadd.f32 v4, v2  }
0x3ac: {  	v10 =	vld [tilespmem:s29+$0xFFFFFFB0]  }
0x3ad: {  	v3 =	vld [tilespmem:s29+$0xFFFFFFD0];
	[tilespmem:s2+$0x0] =	vst v0;
	v1 =	vadd.f32 v7, v1  }
0x3ae: {  	v2 =	vld [tilespmem:s29+$0xFFFFFFF0]  }
0x3af: {  	v0 =	vld [tilespmem:s29+$0x10];
	[tilespmem:s2+$0x80] =	vst v1;
	v4 =	vadd.f32 v6, v5  }
0x3b0: {  	v5 =	vadd.f32 v8, v9;
	v1 =	vld [tilespmem:s29+$0x30]  }
0x3b1: {  	v7 =	vld [tilespmem:s2+$0xFFFFFE10];
	[tilespmem:s2+$0x100] =	vst v4  }
0x3b2: {  	[tilespmem:s2+$0xFFFFFE00] =	vst v5;
	v4 =	vld [tilespmem:s29+$0x50]  }
0x3b3: {  	v5 =	vld [tilespmem:s29+$0xFFFFFF90]  }
0x3b4: {  	v12 =	vld [tilespmem:s2+$0xFFFFFE90]  }
.Ltmp11:
0x3b5: {  	v9 =	vld [tilespmem:s2+$0xFFFFFF10];
	(pc) =	sbr.rel @p1 .LBB2_20-.Ltmp11, $4  }
0x3b6: {  	v8 =	vld [tilespmem:s2+$0xFFFFFF90]  }
0x3b7: {  	v6 =	vld [tilespmem:s2+$0x10]  }
0x3b8: {  	v11 =	vadd.f32 v5, v7;
	v5 =	vld [tilespmem:s2+$0x90]  }
0x3b9: {  	s2 =	sadd.s32 $0x400, s2;
	v10 =	vadd.f32 v10, v12;
	v7 =	vld [tilespmem:s26+$0x110]  }
0x3ba: {  	[tilespmem:s26+$0xFFFFFE10] =	vst v11;
	v3 =	vadd.f32 v3, v9  }
0x3bb: {  	[tilespmem:s26+$0xFFFFFE90] =	vst v10;
	v2 =	vadd.f32 v2, v8  }
0x3bc: {  	[tilespmem:s26+$0xFFFFFF10] =	vst v3;
	v0 =	vadd.f32 v0, v6  }
0x3bd: {  	[tilespmem:s26+$0xFFFFFF90] =	vst v2;
	v1 =	vadd.f32 v1, v5  }
0x3be: {  	[tilespmem:s26+$0x10] =	vst v0;
	v0 =	vadd.f32 v4, v7  }
0x3bf: {  	[tilespmem:s26+$0x90] =	vst v1  }
0x3c0: {  	[tilespmem:s26+$0x110] =	vst v0  }
0x3c1: {  	s2 =	rddreg [dreg:$0x1a]  }
0x3c2: {  	[hbm4b:s2+s14] =	stream.linear.scatter [tilespmem:s3], [sflag:$0xA], $0x4000, $0x38;
	[tilespmem:$0x14200] =	vst v63  }
0x3c3: {  	_ =	swait.ge [sflag:s16], $0x4000  }
0x3c4: {  	[sflag:s16] =	ssyncset.done $0x0  }
0x3c5: {  	s2 =	simm.s32 @!p0 $0x0;
	s25 =	rddreg [dreg:$0x10];
	[sflag:s16] =	ssyncadd.s32 $0xFFFFC000  }
0x3c6: {  	[tilespmem:s2], [sflag:$0xD] =	stream.linear.gather @!p0 [hbm4b:s25+s2], $0x80, $0x38;
	[tilespmem:$0x14200] =	vst v63  }
0x3c7: {  	s25 =	simm.s32 @!p0 $0xD  }
0x3c8: {  	_ =	swait.ge @!p0 [sflag:s25], $0x80  }
0x3c9: {  	[sflag:s25] =	ssyncset.done @!p0 $0x0  }
0x3ca: {  	s26 =	simm.s32 @!p0 $0x200;
	[sflag:s25] =	ssyncadd.s32 @!p0 $0xFFFFFF80;
	s25 =	simm.s32 @!p0 $0x80  }
0x3cb: {  	[tilespmem:s26], [sflag:$0x1] =	stream.indirect.gather @!p0 [hbm4b:s28+s25], $0x80, s2, s25, $0xb8;
	[tilespmem:$0x14200] =	vst v63  }
0x3cc: {  	s26 =	simm.s32 @!p0 $0x10200  }
0x3cd: {  	[tilespmem:s26], [sflag:$0x5] =	stream.indirect.gather @!p0 [hbm4b:s31+s25], $0x20, s2, s25, $0xb8;
	[tilespmem:$0x14200] =	vst v63  }
0x3ce: {  	_ =	swait.ge [sflag:s17], $0x4000  }
0x3cf: {  	[sflag:s17] =	ssyncset.done $0x0  }
0x3d0: {  	[sflag:s17] =	ssyncadd.s32 $0xFFFFC000  }
0x3d1: {  	_ =	swait.ge [sflag:s18], $0x1000  }
0x3d2: {  	[sflag:s18] =	ssyncset.done $0x0  }
0x3d3: {  	s26 =	simm.s32 $0x8460;
	[sflag:s18] =	ssyncadd.s32 $0xFFFFF000  }
0x3d4: {  	s29 =	simm.s32 $0x12280;
	v0 =	vld [tilespmem:s26+$0x180]  }
0x3d5: {  	v1 =	vld [tilespmem:s29+$0x60]  }
0x3d6: {  	v4 =	vld [tilespmem:s29+$0xFFFFFF80]  }
0x3d7: {  	v2 =	vld [tilespmem:s26+$0xFFFFFE80]  }
0x3d8: {  	v3 =	vld [tilespmem:s29+$0xFFFFFFA0]  }
0x3d9: {  	v5 =	vld [tilespmem:s26+$0xFFFFFF00]  }
0x3da: {  	v6 =	vld [tilespmem:s26+$0xFFFFFF80]  }
0x3db: {  	v7 =	vld [tilespmem:s26+$0x190]  }
0x3dc: {  	v8 =	vld [tilespmem:s26+$0x0]  }
0x3dd: {  	v9 =	vld [tilespmem:s29+$0x0]  }
0x3de: {  	v11 =	vld [tilespmem:s26+$0x80];
	v0 =	vadd.f32 v1, v0  }
0x3df: {  	v12 =	vld [tilespmem:s29+$0x20]  }
0x3e0: {  	[tilespmem:s26+$0x180] =	vst v0;
	v0 =	vld [tilespmem:s29+$0xFFFFFFE0]  }
0x3e1: {  	v1 =	vld [tilespmem:s29+$0xFFFFFFC0]  }
0x3e2: {  	v13 =	vld [tilespmem:s26+$0x100]  }
0x3e3: {  	v63 =	vld [tilespmem:s26+$0xFFFFFE90];
	v2 =	vadd.f32 v3, v2  }
0x3e4: {  	v10 =	vld [tilespmem:s29+$0x70]  }
0x3e5: {  	[tilespmem:s26+$0xFFFFFE80] =	vst v2;
	v0 =	vadd.f32 v0, v6;
	v6 =	vld [tilespmem:s26+$0xFFFFFE00]  }
0x3e6: {  	v14 =	vld [tilespmem:s29+$0xFFFFFFB0];
	v1 =	vadd.f32 v1, v5  }
0x3e7: {  	v5 =	vld [tilespmem:s29+$0x40]  }
0x3e8: {  	[tilespmem:s26+$0xFFFFFF00] =	vst v1;
	v1 =	vadd.f32 v9, v8;
	v8 =	vadd.f32 v12, v11;
	v11 =	vld [tilespmem:s26+$0xFFFFFE10]  }
0x3e9: {  	v9 =	vld [tilespmem:s26+$0xFFFFFF10]  }
0x3ea: {  	v3 =	vld [tilespmem:s29+$0xFFFFFFD0];
	[tilespmem:s26+$0xFFFFFF80] =	vst v0;
	v4 =	vadd.f32 v4, v6  }
0x3eb: {  	[tilespmem:s26+$0x80] =	vst v8;
	v8 =	vld [tilespmem:s26+$0xFFFFFF90]  }
0x3ec: {  	v2 =	vld [tilespmem:s29+$0xFFFFFFF0];
	[tilespmem:s26+$0xFFFFFE00] =	vst v4  }
0x3ed: {  	[tilespmem:s26+$0x0] =	vst v1;
	v62 =	vld [tilespmem:s29+$0xFFFFFF90]  }
0x3ee: {  	v7 =	vadd.f32 v10, v7;
	v0 =	vld [tilespmem:s29+$0x10]  }
0x3ef: {  	v1 =	vld [tilespmem:s29+$0x30]  }
0x3f0: {  	v5 =	vadd.f32 v5, v13;
	[tilespmem:s26+$0x190] =	vst v7;
	v7 =	vld [tilespmem:s26+$0x110]  }
0x3f1: {  	v6 =	vld [tilespmem:s26+$0x10]  }
0x3f2: {  	[tilespmem:s26+$0x100] =	vst v5;
	v5 =	vld [tilespmem:s26+$0x90];
	v11 =	vadd.f32 v62, v11  }
0x3f3: {  	s25 =	simm.s32 $0x0;
	s2 =	simm.s32 $0x8860;
	v10 =	vadd.f32 v14, v63;
	v4 =	vld [tilespmem:s29+$0x50]  }
.LBB2_22:
0x3f4: {  	v12 =	vld [tilespmem:s2+$0x180];
	[tilespmem:s26+$0xFFFFFE10] =	vst v11;
	v3 =	vadd.f32 v3, v9;
	s29 =	sadd.s32 $0x100, s29  }
0x3f5: {  	s25 =	sadd.s32 $0x8, s25;
	v9 =	vld [tilespmem:s29+$0x60];
	[tilespmem:s26+$0xFFFFFE90] =	vst v10;
	v2 =	vadd.f32 v2, v8  }
0x3f6: {  	p1 =	slt.u32 s25, $0x78;
	v8 =	vld [tilespmem:s29+$0xFFFFFF80];
	[tilespmem:s26+$0xFFFFFF10] =	vst v3;
	v0 =	vadd.f32 v0, v6  }
0x3f7: {  	v3 =	vld [tilespmem:s2+$0xFFFFFE80];
	[tilespmem:s26+$0xFFFFFF90] =	vst v2;
	v1 =	vadd.f32 v1, v5  }
0x3f8: {  	v2 =	vld [tilespmem:s29+$0xFFFFFFA0];
	[tilespmem:s26+$0x10] =	vst v0;
	v0 =	vadd.f32 v4, v7  }
0x3f9: {  	v4 =	vld [tilespmem:s2+$0xFFFFFF00];
	[tilespmem:s26+$0x90] =	vst v1  }
0x3fa: {  	v1 =	vld [tilespmem:s29+$0xFFFFFFC0];
	v5 =	vadd.f32 v9, v12;
	[tilespmem:s26+$0x110] =	vst v0;
	s26 =	smov.u32 s2  }
0x3fb: {  	v0 =	vld [tilespmem:s2+$0xFFFFFF80]  }
0x3fc: {  	[tilespmem:s2+$0x180] =	vst v5;
	v5 =	vld [tilespmem:s2+$0x190]  }
0x3fd: {  	v2 =	vadd.f32 v2, v3;
	v3 =	vld [tilespmem:s29+$0x70]  }
0x3fe: {  	v6 =	vld [tilespmem:s29+$0xFFFFFFE0]  }
0x3ff: {  	[tilespmem:s2+$0xFFFFFE80] =	vst v2;
	v1 =	vadd.f32 v1, v4;
	v2 =	vld [tilespmem:s2+$0x0]  }
0x400: {  	v4 =	vld [tilespmem:s29+$0x0]  }
0x401: {  	[tilespmem:s2+$0xFFFFFF00] =	vst v1;
	v1 =	vld [tilespmem:s2+$0x80]  }
0x402: {  	v7 =	vld [tilespmem:s29+$0x20];
	v3 =	vadd.f32 v3, v5  }
0x403: {  	v0 =	vadd.f32 v6, v0;
	v5 =	vld [tilespmem:s2+$0x100]  }
0x404: {  	v6 =	vld [tilespmem:s29+$0x40];
	[tilespmem:s2+$0x190] =	vst v3  }
0x405: {  	v9 =	vld [tilespmem:s2+$0xFFFFFE00];
	[tilespmem:s2+$0xFFFFFF80] =	vst v0;
	v0 =	vadd.f32 v4, v2  }
0x406: {  	v10 =	vld [tilespmem:s29+$0xFFFFFFB0]  }
0x407: {  	v3 =	vld [tilespmem:s29+$0xFFFFFFD0];
	[tilespmem:s2+$0x0] =	vst v0;
	v1 =	vadd.f32 v7, v1  }
0x408: {  	v2 =	vld [tilespmem:s29+$0xFFFFFFF0]  }
0x409: {  	v0 =	vld [tilespmem:s29+$0x10];
	[tilespmem:s2+$0x80] =	vst v1;
	v4 =	vadd.f32 v6, v5  }
0x40a: {  	v5 =	vadd.f32 v8, v9;
	v1 =	vld [tilespmem:s29+$0x30]  }
0x40b: {  	v7 =	vld [tilespmem:s2+$0xFFFFFE10];
	[tilespmem:s2+$0x100] =	vst v4  }
0x40c: {  	[tilespmem:s2+$0xFFFFFE00] =	vst v5;
	v4 =	vld [tilespmem:s29+$0x50]  }
0x40d: {  	v5 =	vld [tilespmem:s29+$0xFFFFFF90]  }
0x40e: {  	v12 =	vld [tilespmem:s2+$0xFFFFFE90]  }
.Ltmp12:
0x40f: {  	v9 =	vld [tilespmem:s2+$0xFFFFFF10];
	(pc) =	sbr.rel @p1 .LBB2_22-.Ltmp12, $4  }
0x410: {  	v8 =	vld [tilespmem:s2+$0xFFFFFF90]  }
0x411: {  	v6 =	vld [tilespmem:s2+$0x10]  }
0x412: {  	v11 =	vadd.f32 v5, v7;
	v5 =	vld [tilespmem:s2+$0x90]  }
0x413: {  	s2 =	sadd.s32 $0x400, s2;
	v10 =	vadd.f32 v10, v12;
	v7 =	vld [tilespmem:s26+$0x110]  }
0x414: {  	[tilespmem:s26+$0xFFFFFE10] =	vst v11;
	v3 =	vadd.f32 v3, v9  }
0x415: {  	[tilespmem:s26+$0xFFFFFE90] =	vst v10;
	v2 =	vadd.f32 v2, v8  }
0x416: {  	[tilespmem:s26+$0xFFFFFF10] =	vst v3;
	v0 =	vadd.f32 v0, v6  }
0x417: {  	[tilespmem:s26+$0xFFFFFF90] =	vst v2;
	v1 =	vadd.f32 v1, v5  }
0x418: {  	[tilespmem:s26+$0x10] =	vst v0;
	v0 =	vadd.f32 v4, v7  }
0x419: {  	[tilespmem:s26+$0x90] =	vst v1  }
0x41a: {  	[tilespmem:s26+$0x110] =	vst v0  }
0x41b: {  	s2 =	rddreg [dreg:$0x1b]  }
0x41c: {  	[hbm4b:s2+s14] =	stream.linear.scatter [tilespmem:s6], [sflag:$0xB], $0x4000, $0x38;
	[tilespmem:$0x14200] =	vst v63  }
0x41d: {  	_ =	swait.ge [sflag:s20], $0x4000  }
0x41e: {  	[sflag:s20] =	ssyncset.done $0x0  }
0x41f: {  	[sflag:s20] =	ssyncadd.s32 $0xFFFFC000  }
0x420: {  	_ =	swait.ge [sflag:s21], $0x1000  }
0x421: {  	[sflag:s21] =	ssyncset.done $0x0  }
0x422: {  	s26 =	simm.s32 $0xC460;
	[sflag:s21] =	ssyncadd.s32 $0xFFFFF000  }
0x423: {  	s29 =	simm.s32 $0x13280;
	v0 =	vld [tilespmem:s26+$0x180]  }
0x424: {  	v1 =	vld [tilespmem:s29+$0x60]  }
0x425: {  	v4 =	vld [tilespmem:s29+$0xFFFFFF80]  }
0x426: {  	v2 =	vld [tilespmem:s26+$0xFFFFFE80]  }
0x427: {  	v3 =	vld [tilespmem:s29+$0xFFFFFFA0]  }
0x428: {  	v5 =	vld [tilespmem:s26+$0xFFFFFF00]  }
0x429: {  	v6 =	vld [tilespmem:s26+$0xFFFFFF80]  }
0x42a: {  	v7 =	vld [tilespmem:s26+$0x190]  }
0x42b: {  	v8 =	vld [tilespmem:s26+$0x0]  }
0x42c: {  	v9 =	vld [tilespmem:s29+$0x0]  }
0x42d: {  	v11 =	vld [tilespmem:s26+$0x80];
	v0 =	vadd.f32 v1, v0  }
0x42e: {  	v12 =	vld [tilespmem:s29+$0x20]  }
0x42f: {  	[tilespmem:s26+$0x180] =	vst v0;
	v0 =	vld [tilespmem:s29+$0xFFFFFFE0]  }
0x430: {  	v1 =	vld [tilespmem:s29+$0xFFFFFFC0]  }
0x431: {  	v13 =	vld [tilespmem:s26+$0x100]  }
0x432: {  	v63 =	vld [tilespmem:s26+$0xFFFFFE90];
	v2 =	vadd.f32 v3, v2  }
0x433: {  	v10 =	vld [tilespmem:s29+$0x70]  }
0x434: {  	[tilespmem:s26+$0xFFFFFE80] =	vst v2;
	v0 =	vadd.f32 v0, v6;
	v6 =	vld [tilespmem:s26+$0xFFFFFE00]  }
0x435: {  	v14 =	vld [tilespmem:s29+$0xFFFFFFB0];
	v1 =	vadd.f32 v1, v5  }
0x436: {  	v5 =	vld [tilespmem:s29+$0x40]  }
0x437: {  	[tilespmem:s26+$0xFFFFFF00] =	vst v1;
	v1 =	vadd.f32 v9, v8;
	v8 =	vadd.f32 v12, v11;
	v11 =	vld [tilespmem:s26+$0xFFFFFE10]  }
0x438: {  	v9 =	vld [tilespmem:s26+$0xFFFFFF10]  }
0x439: {  	v3 =	vld [tilespmem:s29+$0xFFFFFFD0];
	[tilespmem:s26+$0xFFFFFF80] =	vst v0;
	v4 =	vadd.f32 v4, v6  }
0x43a: {  	[tilespmem:s26+$0x80] =	vst v8;
	v8 =	vld [tilespmem:s26+$0xFFFFFF90]  }
0x43b: {  	v2 =	vld [tilespmem:s29+$0xFFFFFFF0];
	[tilespmem:s26+$0xFFFFFE00] =	vst v4  }
0x43c: {  	[tilespmem:s26+$0x0] =	vst v1;
	v62 =	vld [tilespmem:s29+$0xFFFFFF90]  }
0x43d: {  	v7 =	vadd.f32 v10, v7;
	v0 =	vld [tilespmem:s29+$0x10]  }
0x43e: {  	v1 =	vld [tilespmem:s29+$0x30]  }
0x43f: {  	v5 =	vadd.f32 v5, v13;
	[tilespmem:s26+$0x190] =	vst v7;
	v7 =	vld [tilespmem:s26+$0x110]  }
0x440: {  	v6 =	vld [tilespmem:s26+$0x10]  }
0x441: {  	[tilespmem:s26+$0x100] =	vst v5;
	v5 =	vld [tilespmem:s26+$0x90];
	v11 =	vadd.f32 v62, v11  }
0x442: {  	s25 =	simm.s32 $0x0;
	s2 =	simm.s32 $0xC860;
	v10 =	vadd.f32 v14, v63;
	v4 =	vld [tilespmem:s29+$0x50]  }
.LBB2_24:
0x443: {  	v12 =	vld [tilespmem:s2+$0x180];
	[tilespmem:s26+$0xFFFFFE10] =	vst v11;
	v3 =	vadd.f32 v3, v9;
	s29 =	sadd.s32 $0x100, s29  }
0x444: {  	s25 =	sadd.s32 $0x8, s25;
	v9 =	vld [tilespmem:s29+$0x60];
	[tilespmem:s26+$0xFFFFFE90] =	vst v10;
	v2 =	vadd.f32 v2, v8  }
0x445: {  	p1 =	slt.u32 s25, $0x78;
	v8 =	vld [tilespmem:s29+$0xFFFFFF80];
	[tilespmem:s26+$0xFFFFFF10] =	vst v3;
	v0 =	vadd.f32 v0, v6  }
0x446: {  	v3 =	vld [tilespmem:s2+$0xFFFFFE80];
	[tilespmem:s26+$0xFFFFFF90] =	vst v2;
	v1 =	vadd.f32 v1, v5  }
0x447: {  	v2 =	vld [tilespmem:s29+$0xFFFFFFA0];
	[tilespmem:s26+$0x10] =	vst v0;
	v0 =	vadd.f32 v4, v7  }
0x448: {  	v4 =	vld [tilespmem:s2+$0xFFFFFF00];
	[tilespmem:s26+$0x90] =	vst v1  }
0x449: {  	v1 =	vld [tilespmem:s29+$0xFFFFFFC0];
	v5 =	vadd.f32 v9, v12;
	[tilespmem:s26+$0x110] =	vst v0;
	s26 =	smov.u32 s2  }
0x44a: {  	v0 =	vld [tilespmem:s2+$0xFFFFFF80]  }
0x44b: {  	[tilespmem:s2+$0x180] =	vst v5;
	v5 =	vld [tilespmem:s2+$0x190]  }
0x44c: {  	v2 =	vadd.f32 v2, v3;
	v3 =	vld [tilespmem:s29+$0x70]  }
0x44d: {  	v6 =	vld [tilespmem:s29+$0xFFFFFFE0]  }
0x44e: {  	[tilespmem:s2+$0xFFFFFE80] =	vst v2;
	v1 =	vadd.f32 v1, v4;
	v2 =	vld [tilespmem:s2+$0x0]  }
0x44f: {  	v4 =	vld [tilespmem:s29+$0x0]  }
0x450: {  	[tilespmem:s2+$0xFFFFFF00] =	vst v1;
	v1 =	vld [tilespmem:s2+$0x80]  }
0x451: {  	v7 =	vld [tilespmem:s29+$0x20];
	v3 =	vadd.f32 v3, v5  }
0x452: {  	v0 =	vadd.f32 v6, v0;
	v5 =	vld [tilespmem:s2+$0x100]  }
0x453: {  	v6 =	vld [tilespmem:s29+$0x40];
	[tilespmem:s2+$0x190] =	vst v3  }
0x454: {  	v9 =	vld [tilespmem:s2+$0xFFFFFE00];
	[tilespmem:s2+$0xFFFFFF80] =	vst v0;
	v0 =	vadd.f32 v4, v2  }
0x455: {  	v10 =	vld [tilespmem:s29+$0xFFFFFFB0]  }
0x456: {  	v3 =	vld [tilespmem:s29+$0xFFFFFFD0];
	[tilespmem:s2+$0x0] =	vst v0;
	v1 =	vadd.f32 v7, v1  }
0x457: {  	v2 =	vld [tilespmem:s29+$0xFFFFFFF0]  }
0x458: {  	v0 =	vld [tilespmem:s29+$0x10];
	[tilespmem:s2+$0x80] =	vst v1;
	v4 =	vadd.f32 v6, v5  }
0x459: {  	v5 =	vadd.f32 v8, v9;
	v1 =	vld [tilespmem:s29+$0x30]  }
0x45a: {  	v7 =	vld [tilespmem:s2+$0xFFFFFE10];
	[tilespmem:s2+$0x100] =	vst v4  }
0x45b: {  	[tilespmem:s2+$0xFFFFFE00] =	vst v5;
	v4 =	vld [tilespmem:s29+$0x50]  }
0x45c: {  	v5 =	vld [tilespmem:s29+$0xFFFFFF90]  }
0x45d: {  	v12 =	vld [tilespmem:s2+$0xFFFFFE90]  }
.Ltmp13:
0x45e: {  	v9 =	vld [tilespmem:s2+$0xFFFFFF10];
	(pc) =	sbr.rel @p1 .LBB2_24-.Ltmp13, $4  }
0x45f: {  	v8 =	vld [tilespmem:s2+$0xFFFFFF90]  }
0x460: {  	v6 =	vld [tilespmem:s2+$0x10]  }
0x461: {  	v11 =	vadd.f32 v5, v7;
	v5 =	vld [tilespmem:s2+$0x90]  }
0x462: {  	s2 =	sadd.s32 $0x400, s2;
	v10 =	vadd.f32 v10, v12;
	v7 =	vld [tilespmem:s26+$0x110]  }
0x463: {  	[tilespmem:s26+$0xFFFFFE10] =	vst v11;
	v3 =	vadd.f32 v3, v9  }
0x464: {  	[tilespmem:s26+$0xFFFFFE90] =	vst v10;
	v2 =	vadd.f32 v2, v8  }
0x465: {  	[tilespmem:s26+$0xFFFFFF10] =	vst v3;
	v0 =	vadd.f32 v0, v6  }
0x466: {  	[tilespmem:s26+$0xFFFFFF90] =	vst v2;
	v1 =	vadd.f32 v1, v5  }
.Ltmp14:
0x467: {  	[tilespmem:s26+$0x10] =	vst v0;
	v63 =	vadd.f32 v4, v7;
	(pc) =	sbr.rel @p0 .LBB2_26-.Ltmp14, $4  }
0x468: {  	[tilespmem:s26+$0x90] =	vst v1  }
0x469: {  	[tilespmem:s26+$0x110] =	vst v63  }
0x46a: {  	s2 =	rddreg [dreg:$0x1c]  }
0x46b: {  	[hbm4b:s2+s14] =	stream.linear.scatter [tilespmem:s11], [sflag:$0xC], $0x4000, $0x38;
	[tilespmem:$0x14200] =	vst v63  }
0x46c: {  	_ =	swait.ge [sflag:s8], $0x4000  }
0x46d: {  	[sflag:s8] =	ssyncset.done $0x0  }
0x46e: {  	[sflag:s8] =	ssyncadd.s32 $0xFFFFC000  }
0x46f: {  	_ =	swait.ge [sflag:s9], $0x1000  }
0x470: {  	[sflag:s9] =	ssyncset.done $0x0  }
0x471: {  	s26 =	simm.s32 $0x460;
	[sflag:s9] =	ssyncadd.s32 $0xFFFFF000  }
0x472: {  	s29 =	simm.s32 $0x10280;
	v0 =	vld [tilespmem:s26+$0x180]  }
0x473: {  	v1 =	vld [tilespmem:s29+$0x60]  }
0x474: {  	v4 =	vld [tilespmem:s29+$0xFFFFFF80]  }
0x475: {  	v2 =	vld [tilespmem:s26+$0xFFFFFE80]  }
0x476: {  	v3 =	vld [tilespmem:s29+$0xFFFFFFA0]  }
0x477: {  	v5 =	vld [tilespmem:s26+$0xFFFFFF00]  }
0x478: {  	v6 =	vld [tilespmem:s26+$0xFFFFFF80]  }
0x479: {  	v7 =	vld [tilespmem:s26+$0x190]  }
0x47a: {  	v8 =	vld [tilespmem:s26+$0x0]  }
0x47b: {  	v9 =	vld [tilespmem:s29+$0x0]  }
0x47c: {  	v11 =	vld [tilespmem:s26+$0x80];
	v0 =	vadd.f32 v1, v0  }
0x47d: {  	v12 =	vld [tilespmem:s29+$0x20]  }
0x47e: {  	[tilespmem:s26+$0x180] =	vst v0;
	v0 =	vld [tilespmem:s29+$0xFFFFFFE0]  }
0x47f: {  	v1 =	vld [tilespmem:s29+$0xFFFFFFC0]  }
0x480: {  	v13 =	vld [tilespmem:s26+$0x100]  }
0x481: {  	v63 =	vld [tilespmem:s26+$0xFFFFFE90];
	v2 =	vadd.f32 v3, v2  }
0x482: {  	v10 =	vld [tilespmem:s29+$0x70]  }
0x483: {  	[tilespmem:s26+$0xFFFFFE80] =	vst v2;
	v0 =	vadd.f32 v0, v6;
	v6 =	vld [tilespmem:s26+$0xFFFFFE00]  }
0x484: {  	v14 =	vld [tilespmem:s29+$0xFFFFFFB0];
	v1 =	vadd.f32 v1, v5  }
0x485: {  	v5 =	vld [tilespmem:s29+$0x40]  }
0x486: {  	[tilespmem:s26+$0xFFFFFF00] =	vst v1;
	v1 =	vadd.f32 v9, v8;
	v8 =	vadd.f32 v12, v11;
	v11 =	vld [tilespmem:s26+$0xFFFFFE10]  }
0x487: {  	v9 =	vld [tilespmem:s26+$0xFFFFFF10]  }
0x488: {  	v3 =	vld [tilespmem:s29+$0xFFFFFFD0];
	[tilespmem:s26+$0xFFFFFF80] =	vst v0;
	v4 =	vadd.f32 v4, v6  }
0x489: {  	[tilespmem:s26+$0x80] =	vst v8;
	v8 =	vld [tilespmem:s26+$0xFFFFFF90]  }
0x48a: {  	v2 =	vld [tilespmem:s29+$0xFFFFFFF0];
	[tilespmem:s26+$0xFFFFFE00] =	vst v4  }
0x48b: {  	[tilespmem:s26+$0x0] =	vst v1;
	v62 =	vld [tilespmem:s29+$0xFFFFFF90]  }
0x48c: {  	v7 =	vadd.f32 v10, v7;
	v0 =	vld [tilespmem:s29+$0x10]  }
0x48d: {  	v1 =	vld [tilespmem:s29+$0x30]  }
0x48e: {  	v5 =	vadd.f32 v5, v13;
	[tilespmem:s26+$0x190] =	vst v7;
	v7 =	vld [tilespmem:s26+$0x110]  }
0x48f: {  	v6 =	vld [tilespmem:s26+$0x10]  }
0x490: {  	[tilespmem:s26+$0x100] =	vst v5;
	v5 =	vld [tilespmem:s26+$0x90];
	v11 =	vadd.f32 v62, v11  }
0x491: {  	s25 =	simm.s32 $0x0;
	s2 =	simm.s32 $0x860;
	v10 =	vadd.f32 v14, v63;
	v4 =	vld [tilespmem:s29+$0x50]  }
.LBB2_28:
0x492: {  	v12 =	vld [tilespmem:s2+$0x180];
	[tilespmem:s26+$0xFFFFFE10] =	vst v11;
	v3 =	vadd.f32 v3, v9;
	s29 =	sadd.s32 $0x100, s29  }
0x493: {  	s25 =	sadd.s32 $0x8, s25;
	v9 =	vld [tilespmem:s29+$0x60];
	[tilespmem:s26+$0xFFFFFE90] =	vst v10;
	v2 =	vadd.f32 v2, v8  }
0x494: {  	p1 =	slt.u32 s25, $0x78;
	v8 =	vld [tilespmem:s29+$0xFFFFFF80];
	[tilespmem:s26+$0xFFFFFF10] =	vst v3;
	v0 =	vadd.f32 v0, v6  }
0x495: {  	v3 =	vld [tilespmem:s2+$0xFFFFFE80];
	[tilespmem:s26+$0xFFFFFF90] =	vst v2;
	v1 =	vadd.f32 v1, v5  }
0x496: {  	v2 =	vld [tilespmem:s29+$0xFFFFFFA0];
	[tilespmem:s26+$0x10] =	vst v0;
	v0 =	vadd.f32 v4, v7  }
0x497: {  	v4 =	vld [tilespmem:s2+$0xFFFFFF00];
	[tilespmem:s26+$0x90] =	vst v1  }
0x498: {  	v1 =	vld [tilespmem:s29+$0xFFFFFFC0];
	v5 =	vadd.f32 v9, v12;
	[tilespmem:s26+$0x110] =	vst v0;
	s26 =	smov.u32 s2  }
0x499: {  	v0 =	vld [tilespmem:s2+$0xFFFFFF80]  }
0x49a: {  	[tilespmem:s2+$0x180] =	vst v5;
	v5 =	vld [tilespmem:s2+$0x190]  }
0x49b: {  	v2 =	vadd.f32 v2, v3;
	v3 =	vld [tilespmem:s29+$0x70]  }
0x49c: {  	v6 =	vld [tilespmem:s29+$0xFFFFFFE0]  }
0x49d: {  	[tilespmem:s2+$0xFFFFFE80] =	vst v2;
	v1 =	vadd.f32 v1, v4;
	v2 =	vld [tilespmem:s2+$0x0]  }
0x49e: {  	v4 =	vld [tilespmem:s29+$0x0]  }
0x49f: {  	[tilespmem:s2+$0xFFFFFF00] =	vst v1;
	v1 =	vld [tilespmem:s2+$0x80]  }
0x4a0: {  	v7 =	vld [tilespmem:s29+$0x20];
	v3 =	vadd.f32 v3, v5  }
0x4a1: {  	v0 =	vadd.f32 v6, v0;
	v5 =	vld [tilespmem:s2+$0x100]  }
0x4a2: {  	v6 =	vld [tilespmem:s29+$0x40];
	[tilespmem:s2+$0x190] =	vst v3  }
0x4a3: {  	v9 =	vld [tilespmem:s2+$0xFFFFFE00];
	[tilespmem:s2+$0xFFFFFF80] =	vst v0;
	v0 =	vadd.f32 v4, v2  }
0x4a4: {  	v10 =	vld [tilespmem:s29+$0xFFFFFFB0]  }
0x4a5: {  	v3 =	vld [tilespmem:s29+$0xFFFFFFD0];
	[tilespmem:s2+$0x0] =	vst v0;
	v1 =	vadd.f32 v7, v1  }
0x4a6: {  	v2 =	vld [tilespmem:s29+$0xFFFFFFF0]  }
0x4a7: {  	v0 =	vld [tilespmem:s29+$0x10];
	[tilespmem:s2+$0x80] =	vst v1;
	v4 =	vadd.f32 v6, v5  }
0x4a8: {  	v5 =	vadd.f32 v8, v9;
	v1 =	vld [tilespmem:s29+$0x30]  }
0x4a9: {  	v7 =	vld [tilespmem:s2+$0xFFFFFE10];
	[tilespmem:s2+$0x100] =	vst v4  }
0x4aa: {  	[tilespmem:s2+$0xFFFFFE00] =	vst v5;
	v4 =	vld [tilespmem:s29+$0x50]  }
0x4ab: {  	v5 =	vld [tilespmem:s29+$0xFFFFFF90]  }
0x4ac: {  	v12 =	vld [tilespmem:s2+$0xFFFFFE90]  }
.Ltmp15:
0x4ad: {  	v9 =	vld [tilespmem:s2+$0xFFFFFF10];
	(pc) =	sbr.rel @p1 .LBB2_28-.Ltmp15, $4  }
0x4ae: {  	v8 =	vld [tilespmem:s2+$0xFFFFFF90]  }
0x4af: {  	v6 =	vld [tilespmem:s2+$0x10]  }
0x4b0: {  	v11 =	vadd.f32 v5, v7;
	v5 =	vld [tilespmem:s2+$0x90]  }
0x4b1: {  	s2 =	sadd.s32 $0x400, s2;
	v10 =	vadd.f32 v10, v12;
	v7 =	vld [tilespmem:s26+$0x110]  }
0x4b2: {  	[tilespmem:s26+$0xFFFFFE10] =	vst v11;
	v3 =	vadd.f32 v3, v9  }
0x4b3: {  	[tilespmem:s26+$0xFFFFFE90] =	vst v10;
	v2 =	vadd.f32 v2, v8  }
0x4b4: {  	[tilespmem:s26+$0xFFFFFF10] =	vst v3;
	v0 =	vadd.f32 v0, v6  }
0x4b5: {  	[tilespmem:s26+$0xFFFFFF90] =	vst v2;
	v1 =	vadd.f32 v1, v5  }
0x4b6: {  	[tilespmem:s26+$0x10] =	vst v0;
	v63 =	vadd.f32 v4, v7  }
0x4b7: {  	[tilespmem:s26+$0x90] =	vst v1  }
0x4b8: {  	[tilespmem:s26+$0x110] =	vst v63  }
.Ltmp16:
0x4b9: {  	s2 =	rddreg [dreg:$0x1d];
	(pc) =	sbr.rel .LBB2_30-.Ltmp16, $4  }
0x4ba: {  	[hbm4b:s2+s14] =	stream.linear.scatter [tilespmem:s1], [sflag:$0x9], $0x4000, $0x38;
	[tilespmem:$0x14200] =	vst v63  }
0x4bb: {  	_ =	swait.ge [sflag:s19], $0x4000  }
0x4bc: {  	s25 =	simm.s32 $0xC;
	[sflag:s19] =	ssyncset.done $0x0  }
0x4bd: {  	s26 =	simm.s32 $0xB;
	s2 =	simm.s32 $0x9;
	[sflag:s19] =	ssyncadd.s32 $0xFFFFC000  }
.LBB2_31:
0x4be: {  	_ =	sfence.sel $0x180000  }
0x4bf: {  	[bflag:$0x0] =	sbarrier.arrive $0xFFFF  }
0x4c0: {  	_ =	strace $0x90000047  }
0x4c1: {  	s0 =	stileid.u32;
	[bflag:$0x2] =	sbarrier.arrive $0xFFFF  }
0x4c2: {  	p0 =	sne.s32 s0, $0x0;
	s0 =	rddreg [dreg:$0x3]  }
0x4c3: {  	s0 =	sadd.s32 @!p0 $0x100000, s0  }
0x4c4: {  	[sflag:s0] =	ssyncadd.tile.s32 @!p0 $0x1;
	_ =	shalt  }
.Lfunc_end2:
_tile_overlayer_lowered:
.L_overlay_start_2:
0x4c5: {  	(tag) =	ssettag $0x2  }
0x4c6: {  	s0 =	rddreg [dreg:$0x0];
	s2 =	stileid.u32  }
0x4c7: {  	s1 =	rddreg [dreg:$0x1];
	p0 =	sne.s32 s2, $0x0  }
0x4c8: {  	s3 =	rddreg [dreg:$0x2];
	[bflag:$0x3] =	sbarrier.arrive $0xFFFF;
	s2 =	simm.s32 @!p0 $0x1C0D  }
0x4c9: {  	[timem:s3], [sflag:s2] =	dma.local @!p0 [hbm:s0], s1  }
0x4ca: {  	s0 =	simm.s32 @!p0 $0xD  }
0x4cb: {  	_ =	swait.ge @!p0 [sflag:s0], s1  }
0x4cc: {  	s1 =	ssub.s32 @!p0 $0x0, s1;
	[sflag:s0] =	ssyncset.done @!p0 $0x0  }
0x4cd: {  	[sflag:s0] =	ssyncadd.s32 @!p0 s1  }
0x4ce: {  	[bflag:$0x3] =	sbarrier.arrive $0xFFFF  }
0x4cf: {  	_ =	shalt  }

</sc_bundles>
